<compile_context>
chip_gen: v7x
topology: tpu7x:2x2x1
jax: 0.10.2.dev20260603
libtpu: 0.0.44.dev20260713+nightly
codegen_flags: <defaults>
</compile_context>

<pallas_src>
import functools

import jax
import jax.numpy as jnp
from jax import lax
from jax.experimental import pallas as pl
from jax.experimental.pallas import tpu as pltpu
from jax.experimental.pallas import tpu_sc as plsc

N = 10000
E = 320000
D = 128
NH = 8
HD = D // NH

NC = 2
NS = 16
NW = NC * NS
EW = E // NW
C = 40
NCH = EW // C
NPAIR = NCH // 2
RB = 200
NRC = N // RB
ZB = 8
NZC = N // ZB
G = 50
NG = NCH // G

BN = 1000


def _front_body(h_ref, w1_ref, w2_ref, wv_ref, w4_ref, dst_ref, src_ref):
    h = h_ref[...]
    w4 = w4_ref[...]
    hi = jax.lax.Precision.DEFAULT
    a1w = jnp.dot(w4, w1_ref[...], precision=hi)
    a2w = jnp.dot(w4, w2_ref[...], precision=hi)
    z8 = jnp.zeros((8, D), jnp.float32)
    wdst = jnp.concatenate([a1w, z8], axis=0)
    wsrc = jnp.concatenate([wv_ref[...], a2w, z8], axis=0)
    dst_ref[...] = lax.dot_general(h, wdst, (((1,), (1,)), ((), ())),
                                   precision=hi)
    src_ref[...] = lax.dot_general(h, wsrc, (((1,), (1,)), ((), ())),
                                   precision=hi)


def _front(H, W1, W2, Wv, W4):
    grid = (N // BN,)
    full = lambda shp: pl.BlockSpec(shp, lambda i: (0, 0))
    return pl.pallas_call(
        _front_body,
        grid=grid,
        in_specs=[
            pl.BlockSpec((BN, D), lambda i: (i, 0)),
            full((D, D)), full((D, D)), full((D, D)), full((NH, D)),
        ],
        out_specs=[
            pl.BlockSpec((BN, 16), lambda i: (i, 0)),
            pl.BlockSpec((BN, 144), lambda i: (i, 0)),
        ],
        out_shape=[
            jax.ShapeDtypeStruct((N, 16), jnp.float32),
            jax.ShapeDtypeStruct((N, 144), jnp.float32),
        ],
    )(H, W1, W2, Wv, W4)


def _sc_edge(src_tab, dst_tab, src_idx, dst_idx):
    mesh = plsc.VectorSubcoreMesh(core_axis_name="c", subcore_axis_name="s")

    @functools.partial(
        pl.kernel,
        out_type=[
            jax.ShapeDtypeStruct((NC, N, D), jnp.float32),
            jax.ShapeDtypeStruct((NC, N, 16), jnp.float32),
        ],
        mesh=mesh,
        compiler_params=pltpu.CompilerParams(use_tc_tiling_on_sc=False),
        scratch_types=[
            pltpu.VMEM_SHARED((N, D), jnp.float32),
            pltpu.VMEM_SHARED((N, 16), jnp.float32),
            pltpu.VMEM((2, G, C), jnp.int32),
            pltpu.VMEM((2, G, C), jnp.int32),
            pltpu.VMEM((C, 144), jnp.float32),
            pltpu.VMEM((C, 144), jnp.float32),
            pltpu.VMEM((C, 16), jnp.float32),
            pltpu.VMEM((C, 16), jnp.float32),
            pltpu.VMEM((C, D), jnp.float32),
            pltpu.VMEM((C, D), jnp.float32),
            pltpu.VMEM((C, 16), jnp.float32),
            pltpu.VMEM((C, 16), jnp.float32),
            pltpu.VMEM((ZB, D), jnp.float32),
            pltpu.VMEM((ZB, 16), jnp.float32),
            pltpu.SemaphoreType.DMA,
            pltpu.SemaphoreType.DMA,
            pltpu.SemaphoreType.DMA,
            pltpu.SemaphoreType.DMA,
        ],
    )
    def k(stab_hbm, dtab_hbm, sidx_hbm, didx_hbm, u_hbm, s_hbm,
          u_sh, s_sh, sidx_v, didx_v, srows0, srows1, drows0, drows1,
          msg0, msg1, pb0, pb1, zbuf_v, zsbuf_v,
          gsem0, gsem1, ssem0, ssem1):
        cid = lax.axis_index("c")
        sid = lax.axis_index("s")
        wid = cid * NS + sid
        srows = (srows0, srows1)
        drows = (drows0, drows1)
        msg = (msg0, msg1)
        pb = (pb0, pb1)
        gsem = (gsem0, gsem1)
        ssem = (ssem0, ssem1)

        zeros16 = jnp.zeros((16,), jnp.float32)

        @pl.loop(0, ZB)
        def _(r):
            zsbuf_v[r, pl.ds(0, 16)] = zeros16

            @pl.loop(0, D, step=16)
            def _(c0):
                zbuf_v[r, pl.ds(c0, 16)] = zeros16

        @pl.loop(sid, NZC, step=NS)
        def _(rc):
            pltpu.async_copy(zbuf_v, u_sh.at[pl.ds(rc * ZB, ZB)], gsem0)
            pltpu.async_copy(zsbuf_v, s_sh.at[pl.ds(rc * ZB, ZB)], gsem0)

        @pl.loop(sid, NZC, step=NS)
        def _(rc):
            pltpu.make_async_copy(zbuf_v, u_sh.at[pl.ds(rc * ZB, ZB)],
                                  gsem0).wait()
            pltpu.make_async_copy(zsbuf_v, s_sh.at[pl.ds(rc * ZB, ZB)],
                                  gsem0).wait()

        plsc.subcore_barrier()

        hsels = [jnp.full((16, 1), h, jnp.int32) for h in range(NH)]
        gdn = lax.GatherDimensionNumbers(
            offset_dims=(), collapsed_slice_dims=(0,), start_index_map=(0,))
        bcast = lambda vec, idx: lax.gather(
            vec, idx, gdn, (1,),
            mode=lax.GatherScatterMode.PROMISE_IN_BOUNDS)

        def load_group(g):
            gb = lax.rem(g, 2)
            pltpu.sync_copy(sidx_hbm.at[wid, pl.ds(g * G, G)],
                            sidx_v.at[gb])
            pltpu.sync_copy(didx_hbm.at[wid, pl.ds(g * G, G)],
                            didx_v.at[gb])

        def issue_gathers(ch, b):
            g = lax.div(ch, G)
            gb = lax.rem(g, 2)
            j = lax.rem(ch, G)
            pltpu.async_copy(stab_hbm.at[sidx_v.at[gb, j]], srows[b],
                             gsem[b])
            pltpu.async_copy(dtab_hbm.at[didx_v.at[gb, j]], drows[b],
                             gsem[b])

        def wait_gathers(b):
            pltpu.make_async_copy(stab_hbm.at[sidx_v.at[0, 0]], srows[b],
                                  gsem[b]).wait()
            pltpu.make_async_copy(dtab_hbm.at[didx_v.at[0, 0]], drows[b],
                                  gsem[b]).wait()

        def wait_scatters(b):
            pltpu.make_async_copy(msg[b], u_sh.at[didx_v.at[0, 0]],
                                  ssem[b]).wait()
            pltpu.make_async_copy(pb[b], s_sh.at[didx_v.at[0, 0]],
                                  ssem[b]).wait()

        def issue_scatters(ch, b):
            g = lax.div(ch, G)
            gb = lax.rem(g, 2)
            j = lax.rem(ch, G)
            pltpu.async_copy(msg[b], u_sh.at[didx_v.at[gb, j]], ssem[b],
                             add=True)
            pltpu.async_copy(pb[b], s_sh.at[didx_v.at[gb, j]], ssem[b],
                             add=True)

        def compute(b):
            srows_v, drows_v, msg_v, p_v = srows[b], drows[b], msg[b], pb[b]

            @plsc.parallel_loop(0, C, unroll=2)
            def _(e):
                a1 = drows_v[e, pl.ds(0, 16)]
                a2 = srows_v[e, pl.ds(D, 16)]
                l = a1 + a2
                l = jnp.where(l > 0.0, l, l * jnp.float32(0.2))
                p = jnp.exp(l)
                p_v[e, pl.ds(0, 16)] = p
                for h in range(NH):
                    ph = bcast(p, hsels[h])
                    seg = srows_v[e, pl.ds(h * HD, HD)]
                    msg_v[e, pl.ds(h * HD, HD)] = ph * seg

        load_group(0)
        issue_gathers(0, 0)

        @pl.loop(0, NPAIR)
        def _(pr):
            for b in range(2):
                ch = 2 * pr + b
                nxt = ch + 1

                @pl.when((nxt < NCH) & (lax.rem(nxt, G) == 0))
                def _():
                    load_group(lax.div(nxt, G))

                @pl.when(nxt < NCH)
                def _():
                    issue_gathers(nxt, 1 - b)

                wait_gathers(b)

                @pl.when(ch >= 2)
                def _():
                    wait_scatters(b)

                compute(b)
                issue_scatters(ch, b)

        wait_scatters(0)
        wait_scatters(1)

        plsc.subcore_barrier()

        @pl.loop(sid, NRC, step=NS)
        def _(rc):
            r = rc * RB
            pltpu.async_copy(u_sh.at[pl.ds(r, RB)],
                             u_hbm.at[cid].at[pl.ds(r, RB)], gsem0)
            pltpu.async_copy(s_sh.at[pl.ds(r, RB)],
                             s_hbm.at[cid].at[pl.ds(r, RB)], gsem0)

        @pl.loop(sid, NRC, step=NS)
        def _(rc):
            r = rc * RB
            pltpu.make_async_copy(u_sh.at[pl.ds(r, RB)],
                                  u_hbm.at[cid].at[pl.ds(r, RB)],
                                  gsem0).wait()
            pltpu.make_async_copy(s_sh.at[pl.ds(r, RB)],
                                  s_hbm.at[cid].at[pl.ds(r, RB)],
                                  gsem0).wait()

    return k(src_tab, dst_tab, src_idx, dst_idx)


def _final_body(u_ref, s_ref, h_ref, wout_ref, woutb_ref, resw_ref,
                resb_ref, lnw_ref, lnb_ref, o_ref):
    hi = jax.lax.Precision.DEFAULT
    u = u_ref[0] + u_ref[1]
    s = s_ref[0] + s_ref[1]
    rec = 1.0 / (s + jnp.float32(1e-12))
    row = lax.broadcasted_iota(jnp.int32, (16, D), 0)
    col = lax.broadcasted_iota(jnp.int32, (16, D), 1)
    sel = ((col // HD == row) & (row < NH)).astype(jnp.float32)
    recf = jnp.dot(rec, sel, precision=hi)
    agg = u * recf
    y = (lax.dot_general(agg, wout_ref[...], (((1,), (1,)), ((), ())),
                         precision=hi) + woutb_ref[...]
         + lax.dot_general(h_ref[...], resw_ref[...], (((1,), (1,)), ((), ())),
                           precision=hi) + resb_ref[...])
    mu = jnp.mean(y, axis=1, keepdims=True)
    d = y - mu
    var = jnp.mean(d * d, axis=1, keepdims=True)
    yn = d * lax.rsqrt(var + jnp.float32(1e-5))
    o_ref[...] = yn * lnw_ref[...] + lnb_ref[...]


def _final(u2, s2, H, Wout_w, Wout_b, res_w, res_b, ln_w, ln_b):
    grid = (N // BN,)
    full = lambda shp: pl.BlockSpec(shp, lambda i: tuple(0 for _ in shp))
    return pl.pallas_call(
        _final_body,
        grid=grid,
        in_specs=[
            pl.BlockSpec((NC, BN, D), lambda i: (0, i, 0)),
            pl.BlockSpec((NC, BN, 16), lambda i: (0, i, 0)),
            pl.BlockSpec((BN, D), lambda i: (i, 0)),
            full((D, D)), full((1, D)), full((D, D)), full((1, D)),
            full((1, D)), full((1, D)),
        ],
        out_specs=pl.BlockSpec((BN, D), lambda i: (i, 0)),
        out_shape=jax.ShapeDtypeStruct((N, D), jnp.float32),
    )(u2, s2, H, Wout_w, Wout_b, res_w, res_b, ln_w, ln_b)


def kernel(H, edge_index, W1, W2, Wv, W4, Wout_w, Wout_b, res_w, res_b,
           ln_w, ln_b):
    ei = edge_index.astype(jnp.int32)
    src = ei[0].reshape(NW, NCH, C)
    dst = ei[1].reshape(NW, NCH, C)
    dst_tab, src_tab = _front(H, W1, W2, Wv, W4)
    u2, s2 = _sc_edge(src_tab, dst_tab, src, dst)
    return _final(u2, s2, H, Wout_w, Wout_b.reshape(1, D),
                  res_w, res_b.reshape(1, D), ln_w.reshape(1, D),
                  ln_b.reshape(1, D))

# --- scband reference (transcript-rebuilt; emitter-appended) ---
"""Pipeline reference for scband-static-sparse-gat-8495445311613 (READ-ONLY COPY).

The authoritative reference and input builder live on the scoring server;
editing this copy changes nothing except your own understanding.
"""

import jax, jax.numpy as jnp
import numpy as np

N = 10000
E = 320000
D = 128
NH = 8
HD = D // NH


def _leaky(x, slope=0.2):
    return jnp.where(x > 0, x, slope * x)


def setup_inputs(seed: int = 0) -> dict:
    key = jax.random.key(seed)
    ks = jax.random.split(key, 12)
    s = 1.0 / np.sqrt(D)
    H = jax.random.normal(ks[0], (N, D), dtype=jnp.float32)
    edge_index = jax.random.randint(ks[1], (2, E), 0, N, dtype=jnp.int64)
    W1 = jax.random.normal(ks[2], (D, D), dtype=jnp.float32) * s
    W2 = jax.random.normal(ks[3], (D, D), dtype=jnp.float32) * s
    Wv = jax.random.normal(ks[4], (D, D), dtype=jnp.float32) * s
    W4 = jax.random.normal(ks[5], (NH, D), dtype=jnp.float32) * s
    Wout_w = jax.random.normal(ks[6], (D, D), dtype=jnp.float32) * s
    Wout_b = jnp.zeros((D,), dtype=jnp.float32)
    res_w = jax.random.normal(ks[7], (D, D), dtype=jnp.float32) * s
    res_b = jnp.zeros((D,), dtype=jnp.float32)
    ln_w = jnp.ones((D,), dtype=jnp.float32)
    ln_b = jnp.zeros((D,), dtype=jnp.float32)
    return {"H": H, "edge_index": edge_index, "W1": W1, "W2": W2, "Wv": Wv,
            "W4": W4, "Wout_w": Wout_w, "Wout_b": Wout_b, "res_w": res_w,
            "res_b": res_b, "ln_w": ln_w, "ln_b": ln_b}


def reference(H, edge_index, W1, W2, Wv, W4, Wout_w, Wout_b, res_w, res_b, ln_w, ln_b):
    # Linear projections (nn.Linear stores weight as (out, in): y = x @ W.T)
    H_W1 = H @ W1.T
    H_W2 = H @ W2.T
    V = H @ Wv.T
    src = edge_index[0]
    dst = edge_index[1]
    # Edge logits (P_edge = None, deter_edge = None)
    h_i = jnp.take(H_W1, dst, axis=0)
    h_j = jnp.take(H_W2, src, axis=0)
    e_base = h_i + h_j
    logits = e_base @ W4.T            # (E, NH)
    logits = _leaky(logits, 0.2)
    # Per-head segment softmax over edges grouped by dst
    max_per_dst = jax.ops.segment_max(logits, dst, num_segments=N)   # (N, NH)
    max_e = jnp.take(max_per_dst, dst, axis=0)
    exp_e = jnp.exp(logits - max_e)
    sum_per_dst = jax.ops.segment_sum(exp_e, dst, num_segments=N)    # (N, NH)
    alpha = exp_e / (jnp.take(sum_per_dst, dst, axis=0) + 1e-12)     # (E, NH)
    # dropout is identity in eval mode
    v_e = jnp.take(V, src, axis=0).reshape(E, NH, HD)
    messages = alpha[:, :, None] * v_e
    msgs_flat = messages.reshape(E, NH * HD)
    agg = jax.ops.segment_sum(msgs_flat, dst, num_segments=N)        # (N, D)
    out = agg @ Wout_w.T + Wout_b
    resid = H @ res_w.T + res_b
    y = out + resid
    # LayerNorm over last dim (eps=1e-5)
    mu = jnp.mean(y, axis=-1, keepdims=True)
    var = jnp.var(y, axis=-1, keepdims=True)
    y = (y - mu) / jnp.sqrt(var + 1e-5)
    return y * ln_w + ln_b


if False:  # reference __main__ guard neutralized (emitter)
    inp = setup_inputs()
    out = reference(**inp)
    print(out.shape, out.dtype)

if __name__ == "__main__":
    import jax
    _d = setup_inputs()
    print(jax.jit(kernel)(*tuple(_d.values())))

</pallas_src>

<mosaic_0001>
#map = affine_map<(d0, d1) -> (0, 0)>
#map1 = affine_map<(d0, d1) -> (0, 0, 0)>
module attributes {stable_mosaic.version = 14 : i64} {
  func.func @k(%arg0: i32, %arg1: i32, %arg2: memref<10000x144xf32, #tpu.memory_space<hbm>>, %arg3: memref<10000x16xf32, #tpu.memory_space<hbm>>, %arg4: memref<32x250x40xi32, #tpu.memory_space<hbm>>, %arg5: memref<32x250x40xi32, #tpu.memory_space<hbm>>, %arg6: memref<2x10000x128xf32, #tpu.memory_space<hbm>>, %arg7: memref<2x10000x16xf32, #tpu.memory_space<hbm>>, %arg8: memref<10000x128xf32, #tpu.memory_space<vmem_shared>>, %arg9: memref<10000x16xf32, #tpu.memory_space<vmem_shared>>, %arg10: memref<2x50x40xi32, #tpu.memory_space<vmem>>, %arg11: memref<2x50x40xi32, #tpu.memory_space<vmem>>, %arg12: memref<40x144xf32, #tpu.memory_space<vmem>>, %arg13: memref<40x144xf32, #tpu.memory_space<vmem>>, %arg14: memref<40x16xf32, #tpu.memory_space<vmem>>, %arg15: memref<40x16xf32, #tpu.memory_space<vmem>>, %arg16: memref<40x128xf32, #tpu.memory_space<vmem>>, %arg17: memref<40x128xf32, #tpu.memory_space<vmem>>, %arg18: memref<40x16xf32, #tpu.memory_space<vmem>>, %arg19: memref<40x16xf32, #tpu.memory_space<vmem>>, %arg20: memref<8x128xf32, #tpu.memory_space<vmem>>, %arg21: memref<8x16xf32, #tpu.memory_space<vmem>>, %arg22: memref<!tpu.dma_semaphore, #tpu.memory_space<semaphore_mem>>, %arg23: memref<!tpu.dma_semaphore, #tpu.memory_space<semaphore_mem>>, %arg24: memref<!tpu.dma_semaphore, #tpu.memory_space<semaphore_mem>>, %arg25: memref<!tpu.dma_semaphore, #tpu.memory_space<semaphore_mem>>) attributes {dimension_semantics = [#tpu.dimension_semantics<core_parallel>, #tpu.dimension_semantics<subcore_parallel>], iteration_bounds = array<i64: 2, 16>, scalar_prefetch = 0 : i64, scratch_operands = 18 : i64, tpu.core_type = #tpu.core_type<sc_vector_subcore>, window_params = [{transform_indices = #map}, {transform_indices = #map}, {transform_indices = #map1}, {transform_indices = #map1}, {transform_indices = #map1}, {transform_indices = #map1}]} {
    %mul3A = arith.constant 16 : i32
    %mul3A_0 = arith.muli %arg0, %mul3A : i32
    %add3A = arith.addi %mul3A_0, %arg1 : i32
    %broadcast_in_dim3A = arith.constant 0.000000e+00 : f32
    %broadcast_in_dim3A_1 = vector.broadcast %broadcast_in_dim3A : f32 to vector<16xf32>
    %scan3A = arith.constant 0 : i32
    %scan3A_2 = arith.constant 8 : i32
    %scan3A_3 = arith.addi %scan3A, %scan3A_2 : i32
    %scan3A_4 = arith.constant 1 : i32
    scf.for %scan3A_149 = %scan3A to %scan3A_3 step %scan3A_4  : i32 {
      %mul3A_150 = arith.constant 1 : i32
      %mul3A_151 = arith.muli %scan3A_149, %mul3A_150 : i32
      %add3A_152 = arith.constant 0 : i32
      %add3A_153 = arith.addi %add3A_152, %mul3A_151 : i32
      %swap3A = arith.index_cast %add3A_153 : i32 to index
      %swap3A_154 = arith.constant 0 : index
      %swap3A_155 = tpu.vector_load %arg21[%swap3A, %swap3A_154] {strides = array<i32>} : memref<8x16xf32, #tpu.memory_space<vmem>>, vector<1x16xf32>,
      %swap3A_156 = vector.shape_cast %swap3A_155 : vector<1x16xf32> to vector<16xf32>
      %swap3A_157 = vector.shape_cast %broadcast_in_dim3A_1 : vector<16xf32> to vector<1x16xf32>
      tpu.vector_store %arg21[%swap3A, %swap3A_154], %swap3A_157 {strides = array<i32>} : memref<8x16xf32, #tpu.memory_space<vmem>>, vector<1x16xf32>,
      %scan3A_158 = arith.constant 0 : i32
      %scan3A_159 = arith.constant 8 : i32
      %scan3A_160 = arith.addi %scan3A_158, %scan3A_159 : i32
      %scan3A_161 = arith.constant 1 : i32
      scf.for %scan3A_163 = %scan3A_158 to %scan3A_160 step %scan3A_161  : i32 {
        %mul3A_164 = arith.constant 16 : i32
        %mul3A_165 = arith.muli %scan3A_163, %mul3A_164 : i32
        %add3A_166 = arith.constant 0 : i32
        %add3A_167 = arith.addi %add3A_166, %mul3A_165 : i32
        %swap3A_168 = arith.index_cast %add3A_153 : i32 to index
        %swap3A_169 = arith.index_cast %add3A_167 : i32 to index
        %swap3A_170 = tpu.vector_load %arg20[%swap3A_168, %swap3A_169] {strides = array<i32>} : memref<8x128xf32, #tpu.memory_space<vmem>>, vector<1x16xf32>,
        %swap3A_171 = vector.shape_cast %swap3A_170 : vector<1x16xf32> to vector<16xf32>
        %swap3A_172 = vector.shape_cast %broadcast_in_dim3A_1 : vector<16xf32> to vector<1x16xf32>
        tpu.vector_store %arg20[%swap3A_168, %swap3A_169], %swap3A_172 {strides = array<i32>} : memref<8x128xf32, #tpu.memory_space<vmem>>, vector<1x16xf32>,
      }
      %scan3A_162 = arith.constant 8 : i32
    }
    %scan3A_5 = arith.constant 8 : i32
    %sub3A = arith.constant 1250 : i32
    %sub3A_6 = arith.subi %sub3A, %arg1 : i32
    %sub3A_7 = arith.constant 16 : i32
    %sub3A_8 = arith.constant 1 : i32
    %sub3A_9 = arith.subi %sub3A_7, %sub3A_8 : i32
    %add3A_10 = arith.addi %sub3A_6, %sub3A_9 : i32
    %div3A = arith.constant 16 : i32
    %div3A_11 = arith.divsi %add3A_10, %div3A : i32
    %while3A = arith.constant 16 : i32
    %while3A_12 = arith.constant 0 : i32
    %while3A_13 = arith.subi %div3A_11, %while3A_12 : i32
    %while3A_14 = arith.addi %while3A_12, %while3A_13 : i32
    %while3A_15 = arith.constant 1 : i32
    %while3A_16 = arith.divsi %while3A_13, %while3A_15 : i32
    %while3A_17 = arith.muli %while3A_16, %while3A_15 : i32
    %while3A_18 = arith.addi %while3A_12, %while3A_17 : i32
    %while3A_19 = arith.constant 1 : i32
    scf.for %while3A_149 = %while3A_12 to %while3A_18 step %while3A_19  : i32 {
      %mul3A_150 = arith.muli %while3A_149, %while3A : i32
      %add3A_151 = arith.addi %arg1, %mul3A_150 : i32
      %mul3A_152 = arith.constant 8 : i32
      %mul3A_153 = arith.muli %add3A_151, %mul3A_152 : i32
      %dma_start3A_154 = arith.constant 0 : i32
      %dma_start3A_155 = tpu.memref_slice %arg8[%mul3A_153, %dma_start3A_154] : memref<10000x128xf32, #tpu.memory_space<vmem_shared>> -> memref<8x128xf32, #tpu.memory_space<vmem_shared>>
      %dma_start3A_156 = arith.constant 0 : i32
      %dma_start3A_157 = tpu.memref_slice %arg8[%mul3A_153, %dma_start3A_156] : memref<10000x128xf32, #tpu.memory_space<vmem_shared>> -> memref<8x128xf32, #tpu.memory_space<vmem_shared>>
      tpu.enqueue_dma source(%arg20 : memref<8x128xf32, #tpu.memory_space<vmem>>) target(%dma_start3A_157 : memref<8x128xf32, #tpu.memory_space<vmem_shared>>) target_semaphore(%arg22 : memref<!tpu.dma_semaphore, #tpu.memory_space<semaphore_mem>>)
      %mul3A_158 = arith.constant 8 : i32
      %mul3A_159 = arith.muli %add3A_151, %mul3A_158 : i32
      %dma_start3A_160 = arith.constant 0 : i32
      %dma_start3A_161 = tpu.memref_slice %arg9[%mul3A_159, %dma_start3A_160] : memref<10000x16xf32, #tpu.memory_space<vmem_shared>> -> memref<8x16xf32, #tpu.memory_space<vmem_shared>>
      %dma_start3A_162 = arith.constant 0 : i32
      %dma_start3A_163 = tpu.memref_slice %arg9[%mul3A_159, %dma_start3A_162] : memref<10000x16xf32, #tpu.memory_space<vmem_shared>> -> memref<8x16xf32, #tpu.memory_space<vmem_shared>>
      tpu.enqueue_dma source(%arg21 : memref<8x16xf32, #tpu.memory_space<vmem>>) target(%dma_start3A_163 : memref<8x16xf32, #tpu.memory_space<vmem_shared>>) target_semaphore(%arg22 : memref<!tpu.dma_semaphore, #tpu.memory_space<semaphore_mem>>)
    }
    %while3A_20 = arith.constant 1 : i32
    scf.for %while3A_149 = %while3A_18 to %while3A_14 step %while3A_20  : i32 {
      %mul3A_150 = arith.muli %while3A_149, %while3A : i32
      %add3A_151 = arith.addi %arg1, %mul3A_150 : i32
      %mul3A_152 = arith.constant 8 : i32
      %mul3A_153 = arith.muli %add3A_151, %mul3A_152 : i32
      %dma_start3A_154 = arith.constant 0 : i32
      %dma_start3A_155 = tpu.memref_slice %arg8[%mul3A_153, %dma_start3A_154] : memref<10000x128xf32, #tpu.memory_space<vmem_shared>> -> memref<8x128xf32, #tpu.memory_space<vmem_shared>>
      %dma_start3A_156 = arith.constant 0 : i32
      %dma_start3A_157 = tpu.memref_slice %arg8[%mul3A_153, %dma_start3A_156] : memref<10000x128xf32, #tpu.memory_space<vmem_shared>> -> memref<8x128xf32, #tpu.memory_space<vmem_shared>>
      tpu.enqueue_dma source(%arg20 : memref<8x128xf32, #tpu.memory_space<vmem>>) target(%dma_start3A_157 : memref<8x128xf32, #tpu.memory_space<vmem_shared>>) target_semaphore(%arg22 : memref<!tpu.dma_semaphore, #tpu.memory_space<semaphore_mem>>)
      %mul3A_158 = arith.constant 8 : i32
      %mul3A_159 = arith.muli %add3A_151, %mul3A_158 : i32
      %dma_start3A_160 = arith.constant 0 : i32
      %dma_start3A_161 = tpu.memref_slice %arg9[%mul3A_159, %dma_start3A_160] : memref<10000x16xf32, #tpu.memory_space<vmem_shared>> -> memref<8x16xf32, #tpu.memory_space<vmem_shared>>
      %dma_start3A_162 = arith.constant 0 : i32
      %dma_start3A_163 = tpu.memref_slice %arg9[%mul3A_159, %dma_start3A_162] : memref<10000x16xf32, #tpu.memory_space<vmem_shared>> -> memref<8x16xf32, #tpu.memory_space<vmem_shared>>
      tpu.enqueue_dma source(%arg21 : memref<8x16xf32, #tpu.memory_space<vmem>>) target(%dma_start3A_163 : memref<8x16xf32, #tpu.memory_space<vmem_shared>>) target_semaphore(%arg22 : memref<!tpu.dma_semaphore, #tpu.memory_space<semaphore_mem>>)
    }
    %sub3A_21 = arith.constant 1250 : i32
    %sub3A_22 = arith.subi %sub3A_21, %arg1 : i32
    %sub3A_23 = arith.constant 16 : i32
    %sub3A_24 = arith.constant 1 : i32
    %sub3A_25 = arith.subi %sub3A_23, %sub3A_24 : i32
    %add3A_26 = arith.addi %sub3A_22, %sub3A_25 : i32
    %div3A_27 = arith.constant 16 : i32
    %div3A_28 = arith.divsi %add3A_26, %div3A_27 : i32
    %while3A_29 = arith.constant 16 : i32
    %while3A_30 = arith.constant 0 : i32
    %while3A_31 = arith.subi %div3A_28, %while3A_30 : i32
    %while3A_32 = arith.addi %while3A_30, %while3A_31 : i32
    %while3A_33 = arith.constant 1 : i32
    %while3A_34 = arith.divsi %while3A_31, %while3A_33 : i32
    %while3A_35 = arith.muli %while3A_34, %while3A_33 : i32
    %while3A_36 = arith.addi %while3A_30, %while3A_35 : i32
    %while3A_37 = arith.constant 1 : i32
    scf.for %while3A_149 = %while3A_30 to %while3A_36 step %while3A_37  : i32 {
      %mul3A_150 = arith.muli %while3A_149, %while3A_29 : i32
      %add3A_151 = arith.addi %arg1, %mul3A_150 : i32
      %mul3A_152 = arith.constant 8 : i32
      %mul3A_153 = arith.muli %add3A_151, %mul3A_152 : i32
      %dma_wait3A_154 = arith.constant 0 : i32
      %dma_wait3A_155 = tpu.memref_slice %arg8[%mul3A_153, %dma_wait3A_154] : memref<10000x128xf32, #tpu.memory_space<vmem_shared>> -> memref<8x128xf32, #tpu.memory_space<vmem_shared>>
      %dma_wait3A_156 = arith.constant 0 : i32
      %dma_wait3A_157 = tpu.memref_slice %arg8[%mul3A_153, %dma_wait3A_156] : memref<10000x128xf32, #tpu.memory_space<vmem_shared>> -> memref<8x128xf32, #tpu.memory_space<vmem_shared>>
      tpu.wait_dma2 semaphore(%arg22 : memref<!tpu.dma_semaphore, #tpu.memory_space<semaphore_mem>>) src(%arg20 : memref<8x128xf32, #tpu.memory_space<vmem>>) dst(%dma_wait3A_157 : memref<8x128xf32, #tpu.memory_space<vmem_shared>>)
      %mul3A_158 = arith.constant 8 : i32
      %mul3A_159 = arith.muli %add3A_151, %mul3A_158 : i32
      %dma_wait3A_160 = arith.constant 0 : i32
      %dma_wait3A_161 = tpu.memref_slice %arg9[%mul3A_159, %dma_wait3A_160] : memref<10000x16xf32, #tpu.memory_space<vmem_shared>> -> memref<8x16xf32, #tpu.memory_space<vmem_shared>>
      %dma_wait3A_162 = arith.constant 0 : i32
      %dma_wait3A_163 = tpu.memref_slice %arg9[%mul3A_159, %dma_wait3A_162] : memref<10000x16xf32, #tpu.memory_space<vmem_shared>> -> memref<8x16xf32, #tpu.memory_space<vmem_shared>>
      tpu.wait_dma2 semaphore(%arg22 : memref<!tpu.dma_semaphore, #tpu.memory_space<semaphore_mem>>) src(%arg21 : memref<8x16xf32, #tpu.memory_space<vmem>>) dst(%dma_wait3A_163 : memref<8x16xf32, #tpu.memory_space<vmem_shared>>)
    }
    %while3A_38 = arith.constant 1 : i32
    scf.for %while3A_149 = %while3A_36 to %while3A_32 step %while3A_38  : i32 {
      %mul3A_150 = arith.muli %while3A_149, %while3A_29 : i32
      %add3A_151 = arith.addi %arg1, %mul3A_150 : i32
      %mul3A_152 = arith.constant 8 : i32
      %mul3A_153 = arith.muli %add3A_151, %mul3A_152 : i32
      %dma_wait3A_154 = arith.constant 0 : i32
      %dma_wait3A_155 = tpu.memref_slice %arg8[%mul3A_153, %dma_wait3A_154] : memref<10000x128xf32, #tpu.memory_space<vmem_shared>> -> memref<8x128xf32, #tpu.memory_space<vmem_shared>>
      %dma_wait3A_156 = arith.constant 0 : i32
      %dma_wait3A_157 = tpu.memref_slice %arg8[%mul3A_153, %dma_wait3A_156] : memref<10000x128xf32, #tpu.memory_space<vmem_shared>> -> memref<8x128xf32, #tpu.memory_space<vmem_shared>>
      tpu.wait_dma2 semaphore(%arg22 : memref<!tpu.dma_semaphore, #tpu.memory_space<semaphore_mem>>) src(%arg20 : memref<8x128xf32, #tpu.memory_space<vmem>>) dst(%dma_wait3A_157 : memref<8x128xf32, #tpu.memory_space<vmem_shared>>)
      %mul3A_158 = arith.constant 8 : i32
      %mul3A_159 = arith.muli %add3A_151, %mul3A_158 : i32
      %dma_wait3A_160 = arith.constant 0 : i32
      %dma_wait3A_161 = tpu.memref_slice %arg9[%mul3A_159, %dma_wait3A_160] : memref<10000x16xf32, #tpu.memory_space<vmem_shared>> -> memref<8x16xf32, #tpu.memory_space<vmem_shared>>
      %dma_wait3A_162 = arith.constant 0 : i32
      %dma_wait3A_163 = tpu.memref_slice %arg9[%mul3A_159, %dma_wait3A_162] : memref<10000x16xf32, #tpu.memory_space<vmem_shared>> -> memref<8x16xf32, #tpu.memory_space<vmem_shared>>
      tpu.wait_dma2 semaphore(%arg22 : memref<!tpu.dma_semaphore, #tpu.memory_space<semaphore_mem>>) src(%arg21 : memref<8x16xf32, #tpu.memory_space<vmem>>) dst(%dma_wait3A_163 : memref<8x16xf32, #tpu.memory_space<vmem_shared>>)
    }
    %barrier3A = arith.constant 0 : index
    tpu.barrier barrier_id(%barrier3A)
    %broadcast_in_dim3A_39 = arith.constant 0 : i32
    %broadcast_in_dim3A_40 = vector.broadcast %broadcast_in_dim3A_39 : i32 to vector<16x1xi32>
    %broadcast_in_dim3A_41 = arith.constant 1 : i32
    %broadcast_in_dim3A_42 = vector.broadcast %broadcast_in_dim3A_41 : i32 to vector<16x1xi32>
    %broadcast_in_dim3A_43 = arith.constant 2 : i32
    %broadcast_in_dim3A_44 = vector.broadcast %broadcast_in_dim3A_43 : i32 to vector<16x1xi32>
    %broadcast_in_dim3A_45 = arith.constant 3 : i32
    %broadcast_in_dim3A_46 = vector.broadcast %broadcast_in_dim3A_45 : i32 to vector<16x1xi32>
    %broadcast_in_dim3A_47 = arith.constant 4 : i32
    %broadcast_in_dim3A_48 = vector.broadcast %broadcast_in_dim3A_47 : i32 to vector<16x1xi32>
    %broadcast_in_dim3A_49 = arith.constant 5 : i32
    %broadcast_in_dim3A_50 = vector.broadcast %broadcast_in_dim3A_49 : i32 to vector<16x1xi32>
    %broadcast_in_dim3A_51 = arith.constant 6 : i32
    %broadcast_in_dim3A_52 = vector.broadcast %broadcast_in_dim3A_51 : i32 to vector<16x1xi32>
    %broadcast_in_dim3A_53 = arith.constant 7 : i32
    %broadcast_in_dim3A_54 = vector.broadcast %broadcast_in_dim3A_53 : i32 to vector<16x1xi32>
    %rem3A = arith.constant 0 : i32
    %rem3A_55 = arith.constant 2 : i32
    %rem3A_56 = arith.remsi %rem3A, %rem3A_55 : i32
    "tpu.region"() ({
      %run_scoped3A = tpu.sem_alloc : memref<!tpu.dma_semaphore, #tpu.memory_space<semaphore_mem>>
      %dma_start3A_149 = arith.constant 0 : i32
      %dma_start3A_150 = arith.constant 0 : i32
      %dma_start3A_151 = tpu.memref_slice %arg10[%rem3A_56, %dma_start3A_149, %dma_start3A_150] : memref<2x50x40xi32, #tpu.memory_space<vmem>> -> memref<1x50x40xi32, #tpu.memory_space<vmem>>
      %dma_start3A_152 = tpu.memref_squeeze %dma_start3A_151 : memref<1x50x40xi32, #tpu.memory_space<vmem>> -> memref<50x40xi32, #tpu.memory_space<vmem>>
      %dma_start3A_153 = arith.constant 0 : i32
      %dma_start3A_154 = arith.constant 0 : i32
      %dma_start3A_155 = tpu.memref_slice %arg4[%add3A, %dma_start3A_153, %dma_start3A_154] : memref<32x250x40xi32, #tpu.memory_space<hbm>> -> memref<1x50x40xi32, #tpu.memory_space<hbm>>
      %dma_start3A_156 = tpu.memref_squeeze %dma_start3A_155 : memref<1x50x40xi32, #tpu.memory_space<hbm>> -> memref<50x40xi32, #tpu.memory_space<hbm>>
      %dma_start3A_157 = arith.constant 0 : i32
      %dma_start3A_158 = arith.constant 0 : i32
      %dma_start3A_159 = tpu.memref_slice %arg10[%rem3A_56, %dma_start3A_157, %dma_start3A_158] : memref<2x50x40xi32, #tpu.memory_space<vmem>> -> memref<1x50x40xi32, #tpu.memory_space<vmem>>
      %dma_start3A_160 = tpu.memref_squeeze %dma_start3A_159 : memref<1x50x40xi32, #tpu.memory_space<vmem>> -> memref<50x40xi32, #tpu.memory_space<vmem>>
      %dma_start3A_161 = arith.constant 0 : i32
      %dma_start3A_162 = arith.constant 0 : i32
      %dma_start3A_163 = tpu.memref_slice %arg4[%add3A, %dma_start3A_161, %dma_start3A_162] : memref<32x250x40xi32, #tpu.memory_space<hbm>> -> memref<1x50x40xi32, #tpu.memory_space<hbm>>
      %dma_start3A_164 = tpu.memref_squeeze %dma_start3A_163 : memref<1x50x40xi32, #tpu.memory_space<hbm>> -> memref<50x40xi32, #tpu.memory_space<hbm>>
      tpu.enqueue_dma source(%dma_start3A_164 : memref<50x40xi32, #tpu.memory_space<hbm>>) target(%dma_start3A_160 : memref<50x40xi32, #tpu.memory_space<vmem>>) target_semaphore(%run_scoped3A : memref<!tpu.dma_semaphore, #tpu.memory_space<semaphore_mem>>)
      %dma_wait3A_165 = arith.constant 0 : i32
      %dma_wait3A_166 = arith.constant 0 : i32
      %dma_wait3A_167 = tpu.memref_slice %arg10[%rem3A_56, %dma_wait3A_165, %dma_wait3A_166] : memref<2x50x40xi32, #tpu.memory_space<vmem>> -> memref<1x50x40xi32, #tpu.memory_space<vmem>>
      %dma_wait3A_168 = tpu.memref_squeeze %dma_wait3A_167 : memref<1x50x40xi32, #tpu.memory_space<vmem>> -> memref<50x40xi32, #tpu.memory_space<vmem>>
      %dma_wait3A_169 = arith.constant 0 : i32
      %dma_wait3A_170 = arith.constant 0 : i32
      %dma_wait3A_171 = tpu.memref_slice %arg4[%add3A, %dma_wait3A_169, %dma_wait3A_170] : memref<32x250x40xi32, #tpu.memory_space<hbm>> -> memref<1x50x40xi32, #tpu.memory_space<hbm>>
      %dma_wait3A_172 = tpu.memref_squeeze %dma_wait3A_171 : memref<1x50x40xi32, #tpu.memory_space<hbm>> -> memref<50x40xi32, #tpu.memory_space<hbm>>
      %dma_wait3A_173 = arith.constant 0 : i32
      %dma_wait3A_174 = arith.constant 0 : i32
      %dma_wait3A_175 = tpu.memref_slice %arg10[%rem3A_56, %dma_wait3A_173, %dma_wait3A_174] : memref<2x50x40xi32, #tpu.memory_space<vmem>> -> memref<1x50x40xi32, #tpu.memory_space<vmem>>
      %dma_wait3A_176 = tpu.memref_squeeze %dma_wait3A_175 : memref<1x50x40xi32, #tpu.memory_space<vmem>> -> memref<50x40xi32, #tpu.memory_space<vmem>>
      %dma_wait3A_177 = arith.constant 0 : i32
      %dma_wait3A_178 = arith.constant 0 : i32
      %dma_wait3A_179 = tpu.memref_slice %arg4[%add3A, %dma_wait3A_177, %dma_wait3A_178] : memref<32x250x40xi32, #tpu.memory_space<hbm>> -> memref<1x50x40xi32, #tpu.memory_space<hbm>>
      %dma_wait3A_180 = tpu.memref_squeeze %dma_wait3A_179 : memref<1x50x40xi32, #tpu.memory_space<hbm>> -> memref<50x40xi32, #tpu.memory_space<hbm>>
      tpu.wait_dma2 semaphore(%run_scoped3A : memref<!tpu.dma_semaphore, #tpu.memory_space<semaphore_mem>>) src(%dma_wait3A_180 : memref<50x40xi32, #tpu.memory_space<hbm>>) dst(%dma_wait3A_176 : memref<50x40xi32, #tpu.memory_space<vmem>>)
      tpu.yield
    }) : () -> ()
    "tpu.region"() ({
      %run_scoped3A = tpu.sem_alloc : memref<!tpu.dma_semaphore, #tpu.memory_space<semaphore_mem>>
      %dma_start3A_149 = arith.constant 0 : i32
      %dma_start3A_150 = arith.constant 0 : i32
      %dma_start3A_151 = tpu.memref_slice %arg11[%rem3A_56, %dma_start3A_149, %dma_start3A_150] : memref<2x50x40xi32, #tpu.memory_space<vmem>> -> memref<1x50x40xi32, #tpu.memory_space<vmem>>
      %dma_start3A_152 = tpu.memref_squeeze %dma_start3A_151 : memref<1x50x40xi32, #tpu.memory_space<vmem>> -> memref<50x40xi32, #tpu.memory_space<vmem>>
      %dma_start3A_153 = arith.constant 0 : i32
      %dma_start3A_154 = arith.constant 0 : i32
      %dma_start3A_155 = tpu.memref_slice %arg5[%add3A, %dma_start3A_153, %dma_start3A_154] : memref<32x250x40xi32, #tpu.memory_space<hbm>> -> memref<1x50x40xi32, #tpu.memory_space<hbm>>
      %dma_start3A_156 = tpu.memref_squeeze %dma_start3A_155 : memref<1x50x40xi32, #tpu.memory_space<hbm>> -> memref<50x40xi32, #tpu.memory_space<hbm>>
      %dma_start3A_157 = arith.constant 0 : i32
      %dma_start3A_158 = arith.constant 0 : i32
      %dma_start3A_159 = tpu.memref_slice %arg11[%rem3A_56, %dma_start3A_157, %dma_start3A_158] : memref<2x50x40xi32, #tpu.memory_space<vmem>> -> memref<1x50x40xi32, #tpu.memory_space<vmem>>
      %dma_start3A_160 = tpu.memref_squeeze %dma_start3A_159 : memref<1x50x40xi32, #tpu.memory_space<vmem>> -> memref<50x40xi32, #tpu.memory_space<vmem>>
      %dma_start3A_161 = arith.constant 0 : i32
      %dma_start3A_162 = arith.constant 0 : i32
      %dma_start3A_163 = tpu.memref_slice %arg5[%add3A, %dma_start3A_161, %dma_start3A_162] : memref<32x250x40xi32, #tpu.memory_space<hbm>> -> memref<1x50x40xi32, #tpu.memory_space<hbm>>
      %dma_start3A_164 = tpu.memref_squeeze %dma_start3A_163 : memref<1x50x40xi32, #tpu.memory_space<hbm>> -> memref<50x40xi32, #tpu.memory_space<hbm>>
      tpu.enqueue_dma source(%dma_start3A_164 : memref<50x40xi32, #tpu.memory_space<hbm>>) target(%dma_start3A_160 : memref<50x40xi32, #tpu.memory_space<vmem>>) target_semaphore(%run_scoped3A : memref<!tpu.dma_semaphore, #tpu.memory_space<semaphore_mem>>)
      %dma_wait3A_165 = arith.constant 0 : i32
      %dma_wait3A_166 = arith.constant 0 : i32
      %dma_wait3A_167 = tpu.memref_slice %arg11[%rem3A_56, %dma_wait3A_165, %dma_wait3A_166] : memref<2x50x40xi32, #tpu.memory_space<vmem>> -> memref<1x50x40xi32, #tpu.memory_space<vmem>>
      %dma_wait3A_168 = tpu.memref_squeeze %dma_wait3A_167 : memref<1x50x40xi32, #tpu.memory_space<vmem>> -> memref<50x40xi32, #tpu.memory_space<vmem>>
      %dma_wait3A_169 = arith.constant 0 : i32
      %dma_wait3A_170 = arith.constant 0 : i32
      %dma_wait3A_171 = tpu.memref_slice %arg5[%add3A, %dma_wait3A_169, %dma_wait3A_170] : memref<32x250x40xi32, #tpu.memory_space<hbm>> -> memref<1x50x40xi32, #tpu.memory_space<hbm>>
      %dma_wait3A_172 = tpu.memref_squeeze %dma_wait3A_171 : memref<1x50x40xi32, #tpu.memory_space<hbm>> -> memref<50x40xi32, #tpu.memory_space<hbm>>
      %dma_wait3A_173 = arith.constant 0 : i32
      %dma_wait3A_174 = arith.constant 0 : i32
      %dma_wait3A_175 = tpu.memref_slice %arg11[%rem3A_56, %dma_wait3A_173, %dma_wait3A_174] : memref<2x50x40xi32, #tpu.memory_space<vmem>> -> memref<1x50x40xi32, #tpu.memory_space<vmem>>
      %dma_wait3A_176 = tpu.memref_squeeze %dma_wait3A_175 : memref<1x50x40xi32, #tpu.memory_space<vmem>> -> memref<50x40xi32, #tpu.memory_space<vmem>>
      %dma_wait3A_177 = arith.constant 0 : i32
      %dma_wait3A_178 = arith.constant 0 : i32
      %dma_wait3A_179 = tpu.memref_slice %arg5[%add3A, %dma_wait3A_177, %dma_wait3A_178] : memref<32x250x40xi32, #tpu.memory_space<hbm>> -> memref<1x50x40xi32, #tpu.memory_space<hbm>>
      %dma_wait3A_180 = tpu.memref_squeeze %dma_wait3A_179 : memref<1x50x40xi32, #tpu.memory_space<hbm>> -> memref<50x40xi32, #tpu.memory_space<hbm>>
      tpu.wait_dma2 semaphore(%run_scoped3A : memref<!tpu.dma_semaphore, #tpu.memory_space<semaphore_mem>>) src(%dma_wait3A_180 : memref<50x40xi32, #tpu.memory_space<hbm>>) dst(%dma_wait3A_176 : memref<50x40xi32, #tpu.memory_space<vmem>>)
      tpu.yield
    }) : () -> ()
    %div3A_57 = arith.constant 0 : i32
    %div3A_58 = arith.constant 50 : i32
    %div3A_59 = arith.divsi %div3A_57, %div3A_58 : i32
    %rem3A_60 = arith.constant 2 : i32
    %rem3A_61 = arith.remsi %div3A_59, %rem3A_60 : i32
    %rem3A_62 = arith.constant 0 : i32
    %rem3A_63 = arith.constant 50 : i32
    %rem3A_64 = arith.remsi %rem3A_62, %rem3A_63 : i32
    %dma_start3A = arith.constant 0 : i32
    %dma_start3A_65 = tpu.memref_slice %arg10[%rem3A_61, %rem3A_64, %dma_start3A] : memref<2x50x40xi32, #tpu.memory_space<vmem>> -> memref<1x1x40xi32, #tpu.memory_space<vmem>>
    %dma_start3A_66 = tpu.memref_squeeze %dma_start3A_65 : memref<1x1x40xi32, #tpu.memory_space<vmem>> -> memref<40xi32, #tpu.memory_space<vmem>>
    %dma_start3A_67 = arith.constant 0 : i32
    %dma_start3A_68 = arith.constant 0 : i32
    %dma_start3A_69 = tpu.memref_slice %arg2[%dma_start3A_67, %dma_start3A_68] : memref<10000x144xf32, #tpu.memory_space<hbm>> -> memref<10000x144xf32, #tpu.memory_space<hbm>>
    tpu.enqueue_indirect_dma source(%dma_start3A_69 : memref<10000x144xf32, #tpu.memory_space<hbm>>) target(%arg12 : memref<40x144xf32, #tpu.memory_space<vmem>>) offsets(%dma_start3A_66 : memref<40xi32, #tpu.memory_space<vmem>>) semaphore(%arg22 : memref<!tpu.dma_semaphore, #tpu.memory_space<semaphore_mem>>)
    %dma_start3A_70 = arith.constant 0 : i32
    %dma_start3A_71 = tpu.memref_slice %arg11[%rem3A_61, %rem3A_64, %dma_start3A_70] : memref<2x50x40xi32, #tpu.memory_space<vmem>> -> memref<1x1x40xi32, #tpu.memory_space<vmem>>
    %dma_start3A_72 = tpu.memref_squeeze %dma_start3A_71 : memref<1x1x40xi32, #tpu.memory_space<vmem>> -> memref<40xi32, #tpu.memory_space<vmem>>
    %dma_start3A_73 = arith.constant 0 : i32
    %dma_start3A_74 = arith.constant 0 : i32
    %dma_start3A_75 = tpu.memref_slice %arg3[%dma_start3A_73, %dma_start3A_74] : memref<10000x16xf32, #tpu.memory_space<hbm>> -> memref<10000x16xf32, #tpu.memory_space<hbm>>
    tpu.enqueue_indirect_dma source(%dma_start3A_75 : memref<10000x16xf32, #tpu.memory_space<hbm>>) target(%arg14 : memref<40x16xf32, #tpu.memory_space<vmem>>) offsets(%dma_start3A_72 : memref<40xi32, #tpu.memory_space<vmem>>) semaphore(%arg22 : memref<!tpu.dma_semaphore, #tpu.memory_space<semaphore_mem>>)
    %scan3A_76 = arith.constant 0 : i32
    %scan3A_77 = arith.constant 125 : i32
    %scan3A_78 = arith.addi %scan3A_76, %scan3A_77 : i32
    %scan3A_79 = arith.constant 1 : i32
    scf.for %scan3A_149 = %scan3A_76 to %scan3A_78 step %scan3A_79  : i32 {
      %mul3A_150 = arith.constant 1 : i32
      %mul3A_151 = arith.muli %scan3A_149, %mul3A_150 : i32
      %add3A_152 = arith.constant 0 : i32
      %add3A_153 = arith.addi %add3A_152, %mul3A_151 : i32
      %mul3A_154 = arith.constant 2 : i32
      %mul3A_155 = arith.muli %mul3A_154, %add3A_153 : i32
      %add3A_156 = arith.constant 0 : i32
      %add3A_157 = arith.addi %mul3A_155, %add3A_156 : i32
      %add3A_158 = arith.constant 1 : i32
      %add3A_159 = arith.addi %add3A_157, %add3A_158 : i32
      %lt3A = arith.constant 250 : i32
      %lt3A_160 = arith.cmpi slt, %add3A_159, %lt3A : i32
      %rem3A_161 = arith.constant 50 : i32
      %rem3A_162 = arith.remsi %add3A_159, %rem3A_161 : i32
      %eq3A = arith.constant 0 : i32
      %eq3A_163 = arith.cmpi eq, %rem3A_162, %eq3A : i32
      %and3A = arith.andi %lt3A_160, %eq3A_163 : i1
      %convert_element_type3A = arith.extui %and3A : i1 to i32
      %cond3A = arith.constant 0 : i32
      %cond3A_164 = arith.cmpi ne, %convert_element_type3A, %cond3A : i32
      scf.if %cond3A_164 {
        %div3A_273 = arith.constant 50 : i32
        %div3A_274 = arith.divsi %add3A_159, %div3A_273 : i32
        %rem3A_275 = arith.constant 2 : i32
        %rem3A_276 = arith.remsi %div3A_274, %rem3A_275 : i32
        %mul3A_277 = arith.constant 50 : i32
        %mul3A_278 = arith.muli %div3A_274, %mul3A_277 : i32
        "tpu.region"() ({
          %run_scoped3A = tpu.sem_alloc : memref<!tpu.dma_semaphore, #tpu.memory_space<semaphore_mem>>
          %dma_start3A_281 = arith.constant 0 : i32
          %dma_start3A_282 = arith.constant 0 : i32
          %dma_start3A_283 = tpu.memref_slice %arg10[%rem3A_276, %dma_start3A_281, %dma_start3A_282] : memref<2x50x40xi32, #tpu.memory_space<vmem>> -> memref<1x50x40xi32, #tpu.memory_space<vmem>>
          %dma_start3A_284 = tpu.memref_squeeze %dma_start3A_283 : memref<1x50x40xi32, #tpu.memory_space<vmem>> -> memref<50x40xi32, #tpu.memory_space<vmem>>
          %dma_start3A_285 = arith.constant 0 : i32
          %dma_start3A_286 = tpu.memref_slice %arg4[%add3A, %mul3A_278, %dma_start3A_285] : memref<32x250x40xi32, #tpu.memory_space<hbm>> -> memref<1x50x40xi32, #tpu.memory_space<hbm>>
          %dma_start3A_287 = tpu.memref_squeeze %dma_start3A_286 : memref<1x50x40xi32, #tpu.memory_space<hbm>> -> memref<50x40xi32, #tpu.memory_space<hbm>>
          %dma_start3A_288 = arith.constant 0 : i32
          %dma_start3A_289 = arith.constant 0 : i32
          %dma_start3A_290 = tpu.memref_slice %arg10[%rem3A_276, %dma_start3A_288, %dma_start3A_289] : memref<2x50x40xi32, #tpu.memory_space<vmem>> -> memref<1x50x40xi32, #tpu.memory_space<vmem>>
          %dma_start3A_291 = tpu.memref_squeeze %dma_start3A_290 : memref<1x50x40xi32, #tpu.memory_space<vmem>> -> memref<50x40xi32, #tpu.memory_space<vmem>>
          %dma_start3A_292 = arith.constant 0 : i32
          %dma_start3A_293 = tpu.memref_slice %arg4[%add3A, %mul3A_278, %dma_start3A_292] : memref<32x250x40xi32, #tpu.memory_space<hbm>> -> memref<1x50x40xi32, #tpu.memory_space<hbm>>
          %dma_start3A_294 = tpu.memref_squeeze %dma_start3A_293 : memref<1x50x40xi32, #tpu.memory_space<hbm>> -> memref<50x40xi32, #tpu.memory_space<hbm>>
          tpu.enqueue_dma source(%dma_start3A_294 : memref<50x40xi32, #tpu.memory_space<hbm>>) target(%dma_start3A_291 : memref<50x40xi32, #tpu.memory_space<vmem>>) target_semaphore(%run_scoped3A : memref<!tpu.dma_semaphore, #tpu.memory_space<semaphore_mem>>)
          %dma_wait3A_295 = arith.constant 0 : i32
          %dma_wait3A_296 = arith.constant 0 : i32
          %dma_wait3A_297 = tpu.memref_slice %arg10[%rem3A_276, %dma_wait3A_295, %dma_wait3A_296] : memref<2x50x40xi32, #tpu.memory_space<vmem>> -> memref<1x50x40xi32, #tpu.memory_space<vmem>>
          %dma_wait3A_298 = tpu.memref_squeeze %dma_wait3A_297 : memref<1x50x40xi32, #tpu.memory_space<vmem>> -> memref<50x40xi32, #tpu.memory_space<vmem>>
          %dma_wait3A_299 = arith.constant 0 : i32
          %dma_wait3A_300 = tpu.memref_slice %arg4[%add3A, %mul3A_278, %dma_wait3A_299] : memref<32x250x40xi32, #tpu.memory_space<hbm>> -> memref<1x50x40xi32, #tpu.memory_space<hbm>>
          %dma_wait3A_301 = tpu.memref_squeeze %dma_wait3A_300 : memref<1x50x40xi32, #tpu.memory_space<hbm>> -> memref<50x40xi32, #tpu.memory_space<hbm>>
          %dma_wait3A_302 = arith.constant 0 : i32
          %dma_wait3A_303 = arith.constant 0 : i32
          %dma_wait3A_304 = tpu.memref_slice %arg10[%rem3A_276, %dma_wait3A_302, %dma_wait3A_303] : memref<2x50x40xi32, #tpu.memory_space<vmem>> -> memref<1x50x40xi32, #tpu.memory_space<vmem>>
          %dma_wait3A_305 = tpu.memref_squeeze %dma_wait3A_304 : memref<1x50x40xi32, #tpu.memory_space<vmem>> -> memref<50x40xi32, #tpu.memory_space<vmem>>
          %dma_wait3A_306 = arith.constant 0 : i32
          %dma_wait3A_307 = tpu.memref_slice %arg4[%add3A, %mul3A_278, %dma_wait3A_306] : memref<32x250x40xi32, #tpu.memory_space<hbm>> -> memref<1x50x40xi32, #tpu.memory_space<hbm>>
          %dma_wait3A_308 = tpu.memref_squeeze %dma_wait3A_307 : memref<1x50x40xi32, #tpu.memory_space<hbm>> -> memref<50x40xi32, #tpu.memory_space<hbm>>
          tpu.wait_dma2 semaphore(%run_scoped3A : memref<!tpu.dma_semaphore, #tpu.memory_space<semaphore_mem>>) src(%dma_wait3A_308 : memref<50x40xi32, #tpu.memory_space<hbm>>) dst(%dma_wait3A_305 : memref<50x40xi32, #tpu.memory_space<vmem>>)
          tpu.yield
        }) : () -> ()
        %mul3A_279 = arith.constant 50 : i32
        %mul3A_280 = arith.muli %div3A_274, %mul3A_279 : i32
        "tpu.region"() ({
          %run_scoped3A = tpu.sem_alloc : memref<!tpu.dma_semaphore, #tpu.memory_space<semaphore_mem>>
          %dma_start3A_281 = arith.constant 0 : i32
          %dma_start3A_282 = arith.constant 0 : i32
          %dma_start3A_283 = tpu.memref_slice %arg11[%rem3A_276, %dma_start3A_281, %dma_start3A_282] : memref<2x50x40xi32, #tpu.memory_space<vmem>> -> memref<1x50x40xi32, #tpu.memory_space<vmem>>
          %dma_start3A_284 = tpu.memref_squeeze %dma_start3A_283 : memref<1x50x40xi32, #tpu.memory_space<vmem>> -> memref<50x40xi32, #tpu.memory_space<vmem>>
          %dma_start3A_285 = arith.constant 0 : i32
          %dma_start3A_286 = tpu.memref_slice %arg5[%add3A, %mul3A_280, %dma_start3A_285] : memref<32x250x40xi32, #tpu.memory_space<hbm>> -> memref<1x50x40xi32, #tpu.memory_space<hbm>>
          %dma_start3A_287 = tpu.memref_squeeze %dma_start3A_286 : memref<1x50x40xi32, #tpu.memory_space<hbm>> -> memref<50x40xi32, #tpu.memory_space<hbm>>
          %dma_start3A_288 = arith.constant 0 : i32
          %dma_start3A_289 = arith.constant 0 : i32
          %dma_start3A_290 = tpu.memref_slice %arg11[%rem3A_276, %dma_start3A_288, %dma_start3A_289] : memref<2x50x40xi32, #tpu.memory_space<vmem>> -> memref<1x50x40xi32, #tpu.memory_space<vmem>>
          %dma_start3A_291 = tpu.memref_squeeze %dma_start3A_290 : memref<1x50x40xi32, #tpu.memory_space<vmem>> -> memref<50x40xi32, #tpu.memory_space<vmem>>
          %dma_start3A_292 = arith.constant 0 : i32
          %dma_start3A_293 = tpu.memref_slice %arg5[%add3A, %mul3A_280, %dma_start3A_292] : memref<32x250x40xi32, #tpu.memory_space<hbm>> -> memref<1x50x40xi32, #tpu.memory_space<hbm>>
          %dma_start3A_294 = tpu.memref_squeeze %dma_start3A_293 : memref<1x50x40xi32, #tpu.memory_space<hbm>> -> memref<50x40xi32, #tpu.memory_space<hbm>>
          tpu.enqueue_dma source(%dma_start3A_294 : memref<50x40xi32, #tpu.memory_space<hbm>>) target(%dma_start3A_291 : memref<50x40xi32, #tpu.memory_space<vmem>>) target_semaphore(%run_scoped3A : memref<!tpu.dma_semaphore, #tpu.memory_space<semaphore_mem>>)
          %dma_wait3A_295 = arith.constant 0 : i32
          %dma_wait3A_296 = arith.constant 0 : i32
          %dma_wait3A_297 = tpu.memref_slice %arg11[%rem3A_276, %dma_wait3A_295, %dma_wait3A_296] : memref<2x50x40xi32, #tpu.memory_space<vmem>> -> memref<1x50x40xi32, #tpu.memory_space<vmem>>
          %dma_wait3A_298 = tpu.memref_squeeze %dma_wait3A_297 : memref<1x50x40xi32, #tpu.memory_space<vmem>> -> memref<50x40xi32, #tpu.memory_space<vmem>>
          %dma_wait3A_299 = arith.constant 0 : i32
          %dma_wait3A_300 = tpu.memref_slice %arg5[%add3A, %mul3A_280, %dma_wait3A_299] : memref<32x250x40xi32, #tpu.memory_space<hbm>> -> memref<1x50x40xi32, #tpu.memory_space<hbm>>
          %dma_wait3A_301 = tpu.memref_squeeze %dma_wait3A_300 : memref<1x50x40xi32, #tpu.memory_space<hbm>> -> memref<50x40xi32, #tpu.memory_space<hbm>>
          %dma_wait3A_302 = arith.constant 0 : i32
          %dma_wait3A_303 = arith.constant 0 : i32
          %dma_wait3A_304 = tpu.memref_slice %arg11[%rem3A_276, %dma_wait3A_302, %dma_wait3A_303] : memref<2x50x40xi32, #tpu.memory_space<vmem>> -> memref<1x50x40xi32, #tpu.memory_space<vmem>>
          %dma_wait3A_305 = tpu.memref_squeeze %dma_wait3A_304 : memref<1x50x40xi32, #tpu.memory_space<vmem>> -> memref<50x40xi32, #tpu.memory_space<vmem>>
          %dma_wait3A_306 = arith.constant 0 : i32
          %dma_wait3A_307 = tpu.memref_slice %arg5[%add3A, %mul3A_280, %dma_wait3A_306] : memref<32x250x40xi32, #tpu.memory_space<hbm>> -> memref<1x50x40xi32, #tpu.memory_space<hbm>>
          %dma_wait3A_308 = tpu.memref_squeeze %dma_wait3A_307 : memref<1x50x40xi32, #tpu.memory_space<hbm>> -> memref<50x40xi32, #tpu.memory_space<hbm>>
          tpu.wait_dma2 semaphore(%run_scoped3A : memref<!tpu.dma_semaphore, #tpu.memory_space<semaphore_mem>>) src(%dma_wait3A_308 : memref<50x40xi32, #tpu.memory_space<hbm>>) dst(%dma_wait3A_305 : memref<50x40xi32, #tpu.memory_space<vmem>>)
          tpu.yield
        }) : () -> ()
      } else {
      }
      %lt3A_165 = arith.constant 250 : i32
      %lt3A_166 = arith.cmpi slt, %add3A_159, %lt3A_165 : i32
      %convert_element_type3A_167 = arith.extui %lt3A_166 : i1 to i32
      %cond3A_168 = arith.constant 0 : i32
      %cond3A_169 = arith.cmpi ne, %convert_element_type3A_167, %cond3A_168 : i32
      scf.if %cond3A_169 {
        %div3A_273 = arith.constant 50 : i32
        %div3A_274 = arith.divsi %add3A_159, %div3A_273 : i32
        %rem3A_275 = arith.constant 2 : i32
        %rem3A_276 = arith.remsi %div3A_274, %rem3A_275 : i32
        %rem3A_277 = arith.constant 50 : i32
        %rem3A_278 = arith.remsi %add3A_159, %rem3A_277 : i32
        %dma_start3A_279 = arith.constant 0 : i32
        %dma_start3A_280 = tpu.memref_slice %arg10[%rem3A_276, %rem3A_278, %dma_start3A_279] : memref<2x50x40xi32, #tpu.memory_space<vmem>> -> memref<1x1x40xi32, #tpu.memory_space<vmem>>
        %dma_start3A_281 = tpu.memref_squeeze %dma_start3A_280 : memref<1x1x40xi32, #tpu.memory_space<vmem>> -> memref<40xi32, #tpu.memory_space<vmem>>
        %dma_start3A_282 = arith.constant 0 : i32
        %dma_start3A_283 = arith.constant 0 : i32
        %dma_start3A_284 = tpu.memref_slice %arg2[%dma_start3A_282, %dma_start3A_283] : memref<10000x144xf32, #tpu.memory_space<hbm>> -> memref<10000x144xf32, #tpu.memory_space<hbm>>
        tpu.enqueue_indirect_dma source(%dma_start3A_284 : memref<10000x144xf32, #tpu.memory_space<hbm>>) target(%arg13 : memref<40x144xf32, #tpu.memory_space<vmem>>) offsets(%dma_start3A_281 : memref<40xi32, #tpu.memory_space<vmem>>) semaphore(%arg23 : memref<!tpu.dma_semaphore, #tpu.memory_space<semaphore_mem>>)
        %dma_start3A_285 = arith.constant 0 : i32
        %dma_start3A_286 = tpu.memref_slice %arg11[%rem3A_276, %rem3A_278, %dma_start3A_285] : memref<2x50x40xi32, #tpu.memory_space<vmem>> -> memref<1x1x40xi32, #tpu.memory_space<vmem>>
        %dma_start3A_287 = tpu.memref_squeeze %dma_start3A_286 : memref<1x1x40xi32, #tpu.memory_space<vmem>> -> memref<40xi32, #tpu.memory_space<vmem>>
        %dma_start3A_288 = arith.constant 0 : i32
        %dma_start3A_289 = arith.constant 0 : i32
        %dma_start3A_290 = tpu.memref_slice %arg3[%dma_start3A_288, %dma_start3A_289] : memref<10000x16xf32, #tpu.memory_space<hbm>> -> memref<10000x16xf32, #tpu.memory_space<hbm>>
        tpu.enqueue_indirect_dma source(%dma_start3A_290 : memref<10000x16xf32, #tpu.memory_space<hbm>>) target(%arg15 : memref<40x16xf32, #tpu.memory_space<vmem>>) offsets(%dma_start3A_287 : memref<40xi32, #tpu.memory_space<vmem>>) semaphore(%arg23 : memref<!tpu.dma_semaphore, #tpu.memory_space<semaphore_mem>>)
      } else {
      }
      %dma_wait3A_170 = arith.constant 0 : i32
      %dma_wait3A_171 = arith.constant 0 : i32
      %dma_wait3A_172 = arith.constant 0 : i32
      %dma_wait3A_173 = tpu.memref_slice %arg10[%dma_wait3A_170, %dma_wait3A_171, %dma_wait3A_172] : memref<2x50x40xi32, #tpu.memory_space<vmem>> -> memref<1x1x40xi32, #tpu.memory_space<vmem>>
      %dma_wait3A_174 = tpu.memref_squeeze %dma_wait3A_173 : memref<1x1x40xi32, #tpu.memory_space<vmem>> -> memref<40xi32, #tpu.memory_space<vmem>>
      %dma_wait3A_175 = arith.constant 0 : i32
      %dma_wait3A_176 = arith.constant 0 : i32
      %dma_wait3A_177 = tpu.memref_slice %arg2[%dma_wait3A_175, %dma_wait3A_176] : memref<10000x144xf32, #tpu.memory_space<hbm>> -> memref<10000x144xf32, #tpu.memory_space<hbm>>
      tpu.wait_indirect_dma semaphore(%arg22 : memref<!tpu.dma_semaphore, #tpu.memory_space<semaphore_mem>>) src(%dma_wait3A_177 : memref<10000x144xf32, #tpu.memory_space<hbm>>) dst(%arg12 : memref<40x144xf32, #tpu.memory_space<vmem>>)
      %dma_wait3A_178 = arith.constant 0 : i32
      %dma_wait3A_179 = arith.constant 0 : i32
      %dma_wait3A_180 = arith.constant 0 : i32
      %dma_wait3A_181 = tpu.memref_slice %arg11[%dma_wait3A_178, %dma_wait3A_179, %dma_wait3A_180] : memref<2x50x40xi32, #tpu.memory_space<vmem>> -> memref<1x1x40xi32, #tpu.memory_space<vmem>>
      %dma_wait3A_182 = tpu.memref_squeeze %dma_wait3A_181 : memref<1x1x40xi32, #tpu.memory_space<vmem>> -> memref<40xi32, #tpu.memory_space<vmem>>
      %dma_wait3A_183 = arith.constant 0 : i32
      %dma_wait3A_184 = arith.constant 0 : i32
      %dma_wait3A_185 = tpu.memref_slice %arg3[%dma_wait3A_183, %dma_wait3A_184] : memref<10000x16xf32, #tpu.memory_space<hbm>> -> memref<10000x16xf32, #tpu.memory_space<hbm>>
      tpu.wait_indirect_dma semaphore(%arg22 : memref<!tpu.dma_semaphore, #tpu.memory_space<semaphore_mem>>) src(%dma_wait3A_185 : memref<10000x16xf32, #tpu.memory_space<hbm>>) dst(%arg14 : memref<40x16xf32, #tpu.memory_space<vmem>>)
      %ge3A = arith.constant 2 : i32
      %ge3A_186 = arith.cmpi sge, %add3A_157, %ge3A : i32
      %convert_element_type3A_187 = arith.extui %ge3A_186 : i1 to i32
      %cond3A_188 = arith.constant 0 : i32
      %cond3A_189 = arith.cmpi ne, %convert_element_type3A_187, %cond3A_188 : i32
      scf.if %cond3A_189 {
        %dma_wait3A_273 = arith.constant 0 : i32
        %dma_wait3A_274 = arith.constant 0 : i32
        %dma_wait3A_275 = arith.constant 0 : i32
        %dma_wait3A_276 = tpu.memref_slice %arg11[%dma_wait3A_273, %dma_wait3A_274, %dma_wait3A_275] : memref<2x50x40xi32, #tpu.memory_space<vmem>> -> memref<1x1x40xi32, #tpu.memory_space<vmem>>
        %dma_wait3A_277 = tpu.memref_squeeze %dma_wait3A_276 : memref<1x1x40xi32, #tpu.memory_space<vmem>> -> memref<40xi32, #tpu.memory_space<vmem>>
        %dma_wait3A_278 = arith.constant 0 : i32
        %dma_wait3A_279 = arith.constant 0 : i32
        %dma_wait3A_280 = tpu.memref_slice %arg8[%dma_wait3A_278, %dma_wait3A_279] : memref<10000x128xf32, #tpu.memory_space<vmem_shared>> -> memref<10000x128xf32, #tpu.memory_space<vmem_shared>>
        tpu.wait_indirect_dma semaphore(%arg24 : memref<!tpu.dma_semaphore, #tpu.memory_space<semaphore_mem>>) src(%arg16 : memref<40x128xf32, #tpu.memory_space<vmem>>) dst(%dma_wait3A_280 : memref<10000x128xf32, #tpu.memory_space<vmem_shared>>)
        %dma_wait3A_281 = arith.constant 0 : i32
        %dma_wait3A_282 = arith.constant 0 : i32
        %dma_wait3A_283 = arith.constant 0 : i32
        %dma_wait3A_284 = tpu.memref_slice %arg11[%dma_wait3A_281, %dma_wait3A_282, %dma_wait3A_283] : memref<2x50x40xi32, #tpu.memory_space<vmem>> -> memref<1x1x40xi32, #tpu.memory_space<vmem>>
        %dma_wait3A_285 = tpu.memref_squeeze %dma_wait3A_284 : memref<1x1x40xi32, #tpu.memory_space<vmem>> -> memref<40xi32, #tpu.memory_space<vmem>>
        %dma_wait3A_286 = arith.constant 0 : i32
        %dma_wait3A_287 = arith.constant 0 : i32
        %dma_wait3A_288 = tpu.memref_slice %arg9[%dma_wait3A_286, %dma_wait3A_287] : memref<10000x16xf32, #tpu.memory_space<vmem_shared>> -> memref<10000x16xf32, #tpu.memory_space<vmem_shared>>
        tpu.wait_indirect_dma semaphore(%arg24 : memref<!tpu.dma_semaphore, #tpu.memory_space<semaphore_mem>>) src(%arg18 : memref<40x16xf32, #tpu.memory_space<vmem>>) dst(%dma_wait3A_288 : memref<10000x16xf32, #tpu.memory_space<vmem_shared>>)
      } else {
      }
      %parallel_loop3A = arith.constant 0 : i32
      %parallel_loop3A_190 = arith.constant 40 : i32
      %parallel_loop3A_191 = arith.constant 1 : i32
      scf.for %parallel_loop3A_273 = %parallel_loop3A to %parallel_loop3A_190 step %parallel_loop3A_191  : i32 {
        %parallel_loop3A_274 = arith.index_cast %parallel_loop3A_273 : i32 to index
        %parallel_loop3A_275 = arith.constant 0 : index
        %parallel_loop3A_276 = tpu.vector_load %arg14[%parallel_loop3A_274, %parallel_loop3A_275] {strides = array<i32>} : memref<40x16xf32, #tpu.memory_space<vmem>>, vector<1x16xf32>,
        %parallel_loop3A_277 = vector.shape_cast %parallel_loop3A_276 : vector<1x16xf32> to vector<16xf32>
        %parallel_loop3A_278 = arith.index_cast %parallel_loop3A_273 : i32 to index
        %parallel_loop3A_279 = arith.constant 128 : index
        %parallel_loop3A_280 = tpu.vector_load %arg12[%parallel_loop3A_278, %parallel_loop3A_279] {strides = array<i32>} : memref<40x144xf32, #tpu.memory_space<vmem>>, vector<1x16xf32>,
        %parallel_loop3A_281 = vector.shape_cast %parallel_loop3A_280 : vector<1x16xf32> to vector<16xf32>
        %parallel_loop3A_282 = arith.addf %parallel_loop3A_277, %parallel_loop3A_281 : vector<16xf32>
        %parallel_loop3A_283 = arith.constant 0.000000e+00 : f32
        %parallel_loop3A_284 = vector.broadcast %parallel_loop3A_283 : f32 to vector<16xf32>
        %parallel_loop3A_285 = arith.cmpf ogt, %parallel_loop3A_282, %parallel_loop3A_284 : vector<16xf32>
        %parallel_loop3A_286 = arith.constant 2.000000e-01 : f32
        %parallel_loop3A_287 = vector.broadcast %parallel_loop3A_286 : f32 to vector<16xf32>
        %parallel_loop3A_288 = arith.mulf %parallel_loop3A_282, %parallel_loop3A_287 : vector<16xf32>
        %parallel_loop3A_289 = arith.select %parallel_loop3A_285, %parallel_loop3A_282, %parallel_loop3A_288 : vector<16xi1>, vector<16xf32>
        %parallel_loop3A_290 = math.exp %parallel_loop3A_289 : vector<16xf32>
        %parallel_loop3A_291 = arith.index_cast %parallel_loop3A_273 : i32 to index
        %parallel_loop3A_292 = arith.constant 0 : index
        %parallel_loop3A_293 = tpu.vector_load %arg18[%parallel_loop3A_291, %parallel_loop3A_292] {strides = array<i32>} : memref<40x16xf32, #tpu.memory_space<vmem>>, vector<1x16xf32>,
        %parallel_loop3A_294 = vector.shape_cast %parallel_loop3A_293 : vector<1x16xf32> to vector<16xf32>
        %parallel_loop3A_295 = vector.shape_cast %parallel_loop3A_290 : vector<16xf32> to vector<1x16xf32>
        tpu.vector_store %arg18[%parallel_loop3A_291, %parallel_loop3A_292], %parallel_loop3A_295 {strides = array<i32>} : memref<40x16xf32, #tpu.memory_space<vmem>>, vector<1x16xf32>,
        %parallel_loop3A_296 = vector.shape_cast %broadcast_in_dim3A_40 : vector<16x1xi32> to vector<16xi32>
        %parallel_loop3A_297 = tpu.dynamic_gather %parallel_loop3A_290[%parallel_loop3A_296] in [0] : vector<16xf32>, vector<16xi32> -> vector<16xf32>
        %parallel_loop3A_298 = arith.index_cast %parallel_loop3A_273 : i32 to index
        %parallel_loop3A_299 = arith.constant 0 : index
        %parallel_loop3A_300 = tpu.vector_load %arg12[%parallel_loop3A_298, %parallel_loop3A_299] {strides = array<i32>} : memref<40x144xf32, #tpu.memory_space<vmem>>, vector<1x16xf32>,
        %parallel_loop3A_301 = vector.shape_cast %parallel_loop3A_300 : vector<1x16xf32> to vector<16xf32>
        %parallel_loop3A_302 = arith.mulf %parallel_loop3A_297, %parallel_loop3A_301 : vector<16xf32>
        %parallel_loop3A_303 = arith.index_cast %parallel_loop3A_273 : i32 to index
        %parallel_loop3A_304 = arith.constant 0 : index
        %parallel_loop3A_305 = tpu.vector_load %arg16[%parallel_loop3A_303, %parallel_loop3A_304] {strides = array<i32>} : memref<40x128xf32, #tpu.memory_space<vmem>>, vector<1x16xf32>,
        %parallel_loop3A_306 = vector.shape_cast %parallel_loop3A_305 : vector<1x16xf32> to vector<16xf32>
        %parallel_loop3A_307 = vector.shape_cast %parallel_loop3A_302 : vector<16xf32> to vector<1x16xf32>
        tpu.vector_store %arg16[%parallel_loop3A_303, %parallel_loop3A_304], %parallel_loop3A_307 {strides = array<i32>} : memref<40x128xf32, #tpu.memory_space<vmem>>, vector<1x16xf32>,
        %parallel_loop3A_308 = vector.shape_cast %broadcast_in_dim3A_42 : vector<16x1xi32> to vector<16xi32>
        %parallel_loop3A_309 = tpu.dynamic_gather %parallel_loop3A_290[%parallel_loop3A_308] in [0] : vector<16xf32>, vector<16xi32> -> vector<16xf32>
        %parallel_loop3A_310 = arith.index_cast %parallel_loop3A_273 : i32 to index
        %parallel_loop3A_311 = arith.constant 16 : index
        %parallel_loop3A_312 = tpu.vector_load %arg12[%parallel_loop3A_310, %parallel_loop3A_311] {strides = array<i32>} : memref<40x144xf32, #tpu.memory_space<vmem>>, vector<1x16xf32>,
        %parallel_loop3A_313 = vector.shape_cast %parallel_loop3A_312 : vector<1x16xf32> to vector<16xf32>
        %parallel_loop3A_314 = arith.mulf %parallel_loop3A_309, %parallel_loop3A_313 : vector<16xf32>
        %parallel_loop3A_315 = arith.index_cast %parallel_loop3A_273 : i32 to index
        %parallel_loop3A_316 = arith.constant 16 : index
        %parallel_loop3A_317 = tpu.vector_load %arg16[%parallel_loop3A_315, %parallel_loop3A_316] {strides = array<i32>} : memref<40x128xf32, #tpu.memory_space<vmem>>, vector<1x16xf32>,
        %parallel_loop3A_318 = vector.shape_cast %parallel_loop3A_317 : vector<1x16xf32> to vector<16xf32>
        %parallel_loop3A_319 = vector.shape_cast %parallel_loop3A_314 : vector<16xf32> to vector<1x16xf32>
        tpu.vector_store %arg16[%parallel_loop3A_315, %parallel_loop3A_316], %parallel_loop3A_319 {strides = array<i32>} : memref<40x128xf32, #tpu.memory_space<vmem>>, vector<1x16xf32>,
        %parallel_loop3A_320 = vector.shape_cast %broadcast_in_dim3A_44 : vector<16x1xi32> to vector<16xi32>
        %parallel_loop3A_321 = tpu.dynamic_gather %parallel_loop3A_290[%parallel_loop3A_320] in [0] : vector<16xf32>, vector<16xi32> -> vector<16xf32>
        %parallel_loop3A_322 = arith.index_cast %parallel_loop3A_273 : i32 to index
        %parallel_loop3A_323 = arith.constant 32 : index
        %parallel_loop3A_324 = tpu.vector_load %arg12[%parallel_loop3A_322, %parallel_loop3A_323] {strides = array<i32>} : memref<40x144xf32, #tpu.memory_space<vmem>>, vector<1x16xf32>,
        %parallel_loop3A_325 = vector.shape_cast %parallel_loop3A_324 : vector<1x16xf32> to vector<16xf32>
        %parallel_loop3A_326 = arith.mulf %parallel_loop3A_321, %parallel_loop3A_325 : vector<16xf32>
        %parallel_loop3A_327 = arith.index_cast %parallel_loop3A_273 : i32 to index
        %parallel_loop3A_328 = arith.constant 32 : index
        %parallel_loop3A_329 = tpu.vector_load %arg16[%parallel_loop3A_327, %parallel_loop3A_328] {strides = array<i32>} : memref<40x128xf32, #tpu.memory_space<vmem>>, vector<1x16xf32>,
        %parallel_loop3A_330 = vector.shape_cast %parallel_loop3A_329 : vector<1x16xf32> to vector<16xf32>
        %parallel_loop3A_331 = vector.shape_cast %parallel_loop3A_326 : vector<16xf32> to vector<1x16xf32>
        tpu.vector_store %arg16[%parallel_loop3A_327, %parallel_loop3A_328], %parallel_loop3A_331 {strides = array<i32>} : memref<40x128xf32, #tpu.memory_space<vmem>>, vector<1x16xf32>,
        %parallel_loop3A_332 = vector.shape_cast %broadcast_in_dim3A_46 : vector<16x1xi32> to vector<16xi32>
        %parallel_loop3A_333 = tpu.dynamic_gather %parallel_loop3A_290[%parallel_loop3A_332] in [0] : vector<16xf32>, vector<16xi32> -> vector<16xf32>
        %parallel_loop3A_334 = arith.index_cast %parallel_loop3A_273 : i32 to index
        %parallel_loop3A_335 = arith.constant 48 : index
        %parallel_loop3A_336 = tpu.vector_load %arg12[%parallel_loop3A_334, %parallel_loop3A_335] {strides = array<i32>} : memref<40x144xf32, #tpu.memory_space<vmem>>, vector<1x16xf32>,
        %parallel_loop3A_337 = vector.shape_cast %parallel_loop3A_336 : vector<1x16xf32> to vector<16xf32>
        %parallel_loop3A_338 = arith.mulf %parallel_loop3A_333, %parallel_loop3A_337 : vector<16xf32>
        %parallel_loop3A_339 = arith.index_cast %parallel_loop3A_273 : i32 to index
        %parallel_loop3A_340 = arith.constant 48 : index
        %parallel_loop3A_341 = tpu.vector_load %arg16[%parallel_loop3A_339, %parallel_loop3A_340] {strides = array<i32>} : memref<40x128xf32, #tpu.memory_space<vmem>>, vector<1x16xf32>,
        %parallel_loop3A_342 = vector.shape_cast %parallel_loop3A_341 : vector<1x16xf32> to vector<16xf32>
        %parallel_loop3A_343 = vector.shape_cast %parallel_loop3A_338 : vector<16xf32> to vector<1x16xf32>
        tpu.vector_store %arg16[%parallel_loop3A_339, %parallel_loop3A_340], %parallel_loop3A_343 {strides = array<i32>} : memref<40x128xf32, #tpu.memory_space<vmem>>, vector<1x16xf32>,
        %parallel_loop3A_344 = vector.shape_cast %broadcast_in_dim3A_48 : vector<16x1xi32> to vector<16xi32>
        %parallel_loop3A_345 = tpu.dynamic_gather %parallel_loop3A_290[%parallel_loop3A_344] in [0] : vector<16xf32>, vector<16xi32> -> vector<16xf32>
        %parallel_loop3A_346 = arith.index_cast %parallel_loop3A_273 : i32 to index
        %parallel_loop3A_347 = arith.constant 64 : index
        %parallel_loop3A_348 = tpu.vector_load %arg12[%parallel_loop3A_346, %parallel_loop3A_347] {strides = array<i32>} : memref<40x144xf32, #tpu.memory_space<vmem>>, vector<1x16xf32>,
        %parallel_loop3A_349 = vector.shape_cast %parallel_loop3A_348 : vector<1x16xf32> to vector<16xf32>
        %parallel_loop3A_350 = arith.mulf %parallel_loop3A_345, %parallel_loop3A_349 : vector<16xf32>
        %parallel_loop3A_351 = arith.index_cast %parallel_loop3A_273 : i32 to index
        %parallel_loop3A_352 = arith.constant 64 : index
        %parallel_loop3A_353 = tpu.vector_load %arg16[%parallel_loop3A_351, %parallel_loop3A_352] {strides = array<i32>} : memref<40x128xf32, #tpu.memory_space<vmem>>, vector<1x16xf32>,
        %parallel_loop3A_354 = vector.shape_cast %parallel_loop3A_353 : vector<1x16xf32> to vector<16xf32>
        %parallel_loop3A_355 = vector.shape_cast %parallel_loop3A_350 : vector<16xf32> to vector<1x16xf32>
        tpu.vector_store %arg16[%parallel_loop3A_351, %parallel_loop3A_352], %parallel_loop3A_355 {strides = array<i32>} : memref<40x128xf32, #tpu.memory_space<vmem>>, vector<1x16xf32>,
        %parallel_loop3A_356 = vector.shape_cast %broadcast_in_dim3A_50 : vector<16x1xi32> to vector<16xi32>
        %parallel_loop3A_357 = tpu.dynamic_gather %parallel_loop3A_290[%parallel_loop3A_356] in [0] : vector<16xf32>, vector<16xi32> -> vector<16xf32>
        %parallel_loop3A_358 = arith.index_cast %parallel_loop3A_273 : i32 to index
        %parallel_loop3A_359 = arith.constant 80 : index
        %parallel_loop3A_360 = tpu.vector_load %arg12[%parallel_loop3A_358, %parallel_loop3A_359] {strides = array<i32>} : memref<40x144xf32, #tpu.memory_space<vmem>>, vector<1x16xf32>,
        %parallel_loop3A_361 = vector.shape_cast %parallel_loop3A_360 : vector<1x16xf32> to vector<16xf32>
        %parallel_loop3A_362 = arith.mulf %parallel_loop3A_357, %parallel_loop3A_361 : vector<16xf32>
        %parallel_loop3A_363 = arith.index_cast %parallel_loop3A_273 : i32 to index
        %parallel_loop3A_364 = arith.constant 80 : index
        %parallel_loop3A_365 = tpu.vector_load %arg16[%parallel_loop3A_363, %parallel_loop3A_364] {strides = array<i32>} : memref<40x128xf32, #tpu.memory_space<vmem>>, vector<1x16xf32>,
        %parallel_loop3A_366 = vector.shape_cast %parallel_loop3A_365 : vector<1x16xf32> to vector<16xf32>
        %parallel_loop3A_367 = vector.shape_cast %parallel_loop3A_362 : vector<16xf32> to vector<1x16xf32>
        tpu.vector_store %arg16[%parallel_loop3A_363, %parallel_loop3A_364], %parallel_loop3A_367 {strides = array<i32>} : memref<40x128xf32, #tpu.memory_space<vmem>>, vector<1x16xf32>,
        %parallel_loop3A_368 = vector.shape_cast %broadcast_in_dim3A_52 : vector<16x1xi32> to vector<16xi32>
        %parallel_loop3A_369 = tpu.dynamic_gather %parallel_loop3A_290[%parallel_loop3A_368] in [0] : vector<16xf32>, vector<16xi32> -> vector<16xf32>
        %parallel_loop3A_370 = arith.index_cast %parallel_loop3A_273 : i32 to index
        %parallel_loop3A_371 = arith.constant 96 : index
        %parallel_loop3A_372 = tpu.vector_load %arg12[%parallel_loop3A_370, %parallel_loop3A_371] {strides = array<i32>} : memref<40x144xf32, #tpu.memory_space<vmem>>, vector<1x16xf32>,
        %parallel_loop3A_373 = vector.shape_cast %parallel_loop3A_372 : vector<1x16xf32> to vector<16xf32>
        %parallel_loop3A_374 = arith.mulf %parallel_loop3A_369, %parallel_loop3A_373 : vector<16xf32>
        %parallel_loop3A_375 = arith.index_cast %parallel_loop3A_273 : i32 to index
        %parallel_loop3A_376 = arith.constant 96 : index
        %parallel_loop3A_377 = tpu.vector_load %arg16[%parallel_loop3A_375, %parallel_loop3A_376] {strides = array<i32>} : memref<40x128xf32, #tpu.memory_space<vmem>>, vector<1x16xf32>,
        %parallel_loop3A_378 = vector.shape_cast %parallel_loop3A_377 : vector<1x16xf32> to vector<16xf32>
        %parallel_loop3A_379 = vector.shape_cast %parallel_loop3A_374 : vector<16xf32> to vector<1x16xf32>
        tpu.vector_store %arg16[%parallel_loop3A_375, %parallel_loop3A_376], %parallel_loop3A_379 {strides = array<i32>} : memref<40x128xf32, #tpu.memory_space<vmem>>, vector<1x16xf32>,
        %parallel_loop3A_380 = vector.shape_cast %broadcast_in_dim3A_54 : vector<16x1xi32> to vector<16xi32>
        %parallel_loop3A_381 = tpu.dynamic_gather %parallel_loop3A_290[%parallel_loop3A_380] in [0] : vector<16xf32>, vector<16xi32> -> vector<16xf32>
        %parallel_loop3A_382 = arith.index_cast %parallel_loop3A_273 : i32 to index
        %parallel_loop3A_383 = arith.constant 112 : index
        %parallel_loop3A_384 = tpu.vector_load %arg12[%parallel_loop3A_382, %parallel_loop3A_383] {strides = array<i32>} : memref<40x144xf32, #tpu.memory_space<vmem>>, vector<1x16xf32>,
        %parallel_loop3A_385 = vector.shape_cast %parallel_loop3A_384 : vector<1x16xf32> to vector<16xf32>
        %parallel_loop3A_386 = arith.mulf %parallel_loop3A_381, %parallel_loop3A_385 : vector<16xf32>
        %parallel_loop3A_387 = arith.index_cast %parallel_loop3A_273 : i32 to index
        %parallel_loop3A_388 = arith.constant 112 : index
        %parallel_loop3A_389 = tpu.vector_load %arg16[%parallel_loop3A_387, %parallel_loop3A_388] {strides = array<i32>} : memref<40x128xf32, #tpu.memory_space<vmem>>, vector<1x16xf32>,
        %parallel_loop3A_390 = vector.shape_cast %parallel_loop3A_389 : vector<1x16xf32> to vector<16xf32>
        %parallel_loop3A_391 = vector.shape_cast %parallel_loop3A_386 : vector<16xf32> to vector<1x16xf32>
        tpu.vector_store %arg16[%parallel_loop3A_387, %parallel_loop3A_388], %parallel_loop3A_391 {strides = array<i32>} : memref<40x128xf32, #tpu.memory_space<vmem>>, vector<1x16xf32>,
      } {sc.loop_unroll_factor = 2 : i64, sc.parallel_access}
      %div3A_192 = arith.constant 50 : i32
      %div3A_193 = arith.divsi %add3A_157, %div3A_192 : i32
      %rem3A_194 = arith.constant 2 : i32
      %rem3A_195 = arith.remsi %div3A_193, %rem3A_194 : i32
      %rem3A_196 = arith.constant 50 : i32
      %rem3A_197 = arith.remsi %add3A_157, %rem3A_196 : i32
      %dma_start3A_198 = arith.constant 0 : i32
      %dma_start3A_199 = tpu.memref_slice %arg11[%rem3A_195, %rem3A_197, %dma_start3A_198] : memref<2x50x40xi32, #tpu.memory_space<vmem>> -> memref<1x1x40xi32, #tpu.memory_space<vmem>>
      %dma_start3A_200 = tpu.memref_squeeze %dma_start3A_199 : memref<1x1x40xi32, #tpu.memory_space<vmem>> -> memref<40xi32, #tpu.memory_space<vmem>>
      %dma_start3A_201 = arith.constant 0 : i32
      %dma_start3A_202 = arith.constant 0 : i32
      %dma_start3A_203 = tpu.memref_slice %arg8[%dma_start3A_201, %dma_start3A_202] : memref<10000x128xf32, #tpu.memory_space<vmem_shared>> -> memref<10000x128xf32, #tpu.memory_space<vmem_shared>>
      tpu.enqueue_indirect_dma source(%arg16 : memref<40x128xf32, #tpu.memory_space<vmem>>) target(%dma_start3A_203 : memref<10000x128xf32, #tpu.memory_space<vmem_shared>>) offsets(%dma_start3A_200 : memref<40xi32, #tpu.memory_space<vmem>>) semaphore(%arg24 : memref<!tpu.dma_semaphore, #tpu.memory_space<semaphore_mem>>) {add = true}
      %dma_start3A_204 = arith.constant 0 : i32
      %dma_start3A_205 = tpu.memref_slice %arg11[%rem3A_195, %rem3A_197, %dma_start3A_204] : memref<2x50x40xi32, #tpu.memory_space<vmem>> -> memref<1x1x40xi32, #tpu.memory_space<vmem>>
      %dma_start3A_206 = tpu.memref_squeeze %dma_start3A_205 : memref<1x1x40xi32, #tpu.memory_space<vmem>> -> memref<40xi32, #tpu.memory_space<vmem>>
      %dma_start3A_207 = arith.constant 0 : i32
      %dma_start3A_208 = arith.constant 0 : i32
      %dma_start3A_209 = tpu.memref_slice %arg9[%dma_start3A_207, %dma_start3A_208] : memref<10000x16xf32, #tpu.memory_space<vmem_shared>> -> memref<10000x16xf32, #tpu.memory_space<vmem_shared>>
      tpu.enqueue_indirect_dma source(%arg18 : memref<40x16xf32, #tpu.memory_space<vmem>>) target(%dma_start3A_209 : memref<10000x16xf32, #tpu.memory_space<vmem_shared>>) offsets(%dma_start3A_206 : memref<40xi32, #tpu.memory_space<vmem>>) semaphore(%arg24 : memref<!tpu.dma_semaphore, #tpu.memory_space<semaphore_mem>>) {add = true}
      %mul3A_210 = arith.constant 2 : i32
      %mul3A_211 = arith.muli %mul3A_210, %add3A_153 : i32
      %add3A_212 = arith.constant 1 : i32
      %add3A_213 = arith.addi %mul3A_211, %add3A_212 : i32
      %add3A_214 = arith.constant 1 : i32
      %add3A_215 = arith.addi %add3A_213, %add3A_214 : i32
      %lt3A_216 = arith.constant 250 : i32
      %lt3A_217 = arith.cmpi slt, %add3A_215, %lt3A_216 : i32
      %rem3A_218 = arith.constant 50 : i32
      %rem3A_219 = arith.remsi %add3A_215, %rem3A_218 : i32
      %eq3A_220 = arith.constant 0 : i32
      %eq3A_221 = arith.cmpi eq, %rem3A_219, %eq3A_220 : i32
      %and3A_222 = arith.andi %lt3A_217, %eq3A_221 : i1
      %convert_element_type3A_223 = arith.extui %and3A_222 : i1 to i32
      %cond3A_224 = arith.constant 0 : i32
      %cond3A_225 = arith.cmpi ne, %convert_element_type3A_223, %cond3A_224 : i32
      scf.if %cond3A_225 {
        %div3A_273 = arith.constant 50 : i32
        %div3A_274 = arith.divsi %add3A_215, %div3A_273 : i32
        %rem3A_275 = arith.constant 2 : i32
        %rem3A_276 = arith.remsi %div3A_274, %rem3A_275 : i32
        %mul3A_277 = arith.constant 50 : i32
        %mul3A_278 = arith.muli %div3A_274, %mul3A_277 : i32
        "tpu.region"() ({
          %run_scoped3A = tpu.sem_alloc : memref<!tpu.dma_semaphore, #tpu.memory_space<semaphore_mem>>
          %dma_start3A_281 = arith.constant 0 : i32
          %dma_start3A_282 = arith.constant 0 : i32
          %dma_start3A_283 = tpu.memref_slice %arg10[%rem3A_276, %dma_start3A_281, %dma_start3A_282] : memref<2x50x40xi32, #tpu.memory_space<vmem>> -> memref<1x50x40xi32, #tpu.memory_space<vmem>>
          %dma_start3A_284 = tpu.memref_squeeze %dma_start3A_283 : memref<1x50x40xi32, #tpu.memory_space<vmem>> -> memref<50x40xi32, #tpu.memory_space<vmem>>
          %dma_start3A_285 = arith.constant 0 : i32
          %dma_start3A_286 = tpu.memref_slice %arg4[%add3A, %mul3A_278, %dma_start3A_285] : memref<32x250x40xi32, #tpu.memory_space<hbm>> -> memref<1x50x40xi32, #tpu.memory_space<hbm>>
          %dma_start3A_287 = tpu.memref_squeeze %dma_start3A_286 : memref<1x50x40xi32, #tpu.memory_space<hbm>> -> memref<50x40xi32, #tpu.memory_space<hbm>>
          %dma_start3A_288 = arith.constant 0 : i32
          %dma_start3A_289 = arith.constant 0 : i32
          %dma_start3A_290 = tpu.memref_slice %arg10[%rem3A_276, %dma_start3A_288, %dma_start3A_289] : memref<2x50x40xi32, #tpu.memory_space<vmem>> -> memref<1x50x40xi32, #tpu.memory_space<vmem>>
          %dma_start3A_291 = tpu.memref_squeeze %dma_start3A_290 : memref<1x50x40xi32, #tpu.memory_space<vmem>> -> memref<50x40xi32, #tpu.memory_space<vmem>>
          %dma_start3A_292 = arith.constant 0 : i32
          %dma_start3A_293 = tpu.memref_slice %arg4[%add3A, %mul3A_278, %dma_start3A_292] : memref<32x250x40xi32, #tpu.memory_space<hbm>> -> memref<1x50x40xi32, #tpu.memory_space<hbm>>
          %dma_start3A_294 = tpu.memref_squeeze %dma_start3A_293 : memref<1x50x40xi32, #tpu.memory_space<hbm>> -> memref<50x40xi32, #tpu.memory_space<hbm>>
          tpu.enqueue_dma source(%dma_start3A_294 : memref<50x40xi32, #tpu.memory_space<hbm>>) target(%dma_start3A_291 : memref<50x40xi32, #tpu.memory_space<vmem>>) target_semaphore(%run_scoped3A : memref<!tpu.dma_semaphore, #tpu.memory_space<semaphore_mem>>)
          %dma_wait3A_295 = arith.constant 0 : i32
          %dma_wait3A_296 = arith.constant 0 : i32
          %dma_wait3A_297 = tpu.memref_slice %arg10[%rem3A_276, %dma_wait3A_295, %dma_wait3A_296] : memref<2x50x40xi32, #tpu.memory_space<vmem>> -> memref<1x50x40xi32, #tpu.memory_space<vmem>>
          %dma_wait3A_298 = tpu.memref_squeeze %dma_wait3A_297 : memref<1x50x40xi32, #tpu.memory_space<vmem>> -> memref<50x40xi32, #tpu.memory_space<vmem>>
          %dma_wait3A_299 = arith.constant 0 : i32
          %dma_wait3A_300 = tpu.memref_slice %arg4[%add3A, %mul3A_278, %dma_wait3A_299] : memref<32x250x40xi32, #tpu.memory_space<hbm>> -> memref<1x50x40xi32, #tpu.memory_space<hbm>>
          %dma_wait3A_301 = tpu.memref_squeeze %dma_wait3A_300 : memref<1x50x40xi32, #tpu.memory_space<hbm>> -> memref<50x40xi32, #tpu.memory_space<hbm>>
          %dma_wait3A_302 = arith.constant 0 : i32
          %dma_wait3A_303 = arith.constant 0 : i32
          %dma_wait3A_304 = tpu.memref_slice %arg10[%rem3A_276, %dma_wait3A_302, %dma_wait3A_303] : memref<2x50x40xi32, #tpu.memory_space<vmem>> -> memref<1x50x40xi32, #tpu.memory_space<vmem>>
          %dma_wait3A_305 = tpu.memref_squeeze %dma_wait3A_304 : memref<1x50x40xi32, #tpu.memory_space<vmem>> -> memref<50x40xi32, #tpu.memory_space<vmem>>
          %dma_wait3A_306 = arith.constant 0 : i32
          %dma_wait3A_307 = tpu.memref_slice %arg4[%add3A, %mul3A_278, %dma_wait3A_306] : memref<32x250x40xi32, #tpu.memory_space<hbm>> -> memref<1x50x40xi32, #tpu.memory_space<hbm>>
          %dma_wait3A_308 = tpu.memref_squeeze %dma_wait3A_307 : memref<1x50x40xi32, #tpu.memory_space<hbm>> -> memref<50x40xi32, #tpu.memory_space<hbm>>
          tpu.wait_dma2 semaphore(%run_scoped3A : memref<!tpu.dma_semaphore, #tpu.memory_space<semaphore_mem>>) src(%dma_wait3A_308 : memref<50x40xi32, #tpu.memory_space<hbm>>) dst(%dma_wait3A_305 : memref<50x40xi32, #tpu.memory_space<vmem>>)
          tpu.yield
        }) : () -> ()
        %mul3A_279 = arith.constant 50 : i32
        %mul3A_280 = arith.muli %div3A_274, %mul3A_279 : i32
        "tpu.region"() ({
          %run_scoped3A = tpu.sem_alloc : memref<!tpu.dma_semaphore, #tpu.memory_space<semaphore_mem>>
          %dma_start3A_281 = arith.constant 0 : i32
          %dma_start3A_282 = arith.constant 0 : i32
          %dma_start3A_283 = tpu.memref_slice %arg11[%rem3A_276, %dma_start3A_281, %dma_start3A_282] : memref<2x50x40xi32, #tpu.memory_space<vmem>> -> memref<1x50x40xi32, #tpu.memory_space<vmem>>
          %dma_start3A_284 = tpu.memref_squeeze %dma_start3A_283 : memref<1x50x40xi32, #tpu.memory_space<vmem>> -> memref<50x40xi32, #tpu.memory_space<vmem>>
          %dma_start3A_285 = arith.constant 0 : i32
          %dma_start3A_286 = tpu.memref_slice %arg5[%add3A, %mul3A_280, %dma_start3A_285] : memref<32x250x40xi32, #tpu.memory_space<hbm>> -> memref<1x50x40xi32, #tpu.memory_space<hbm>>
          %dma_start3A_287 = tpu.memref_squeeze %dma_start3A_286 : memref<1x50x40xi32, #tpu.memory_space<hbm>> -> memref<50x40xi32, #tpu.memory_space<hbm>>
          %dma_start3A_288 = arith.constant 0 : i32
          %dma_start3A_289 = arith.constant 0 : i32
          %dma_start3A_290 = tpu.memref_slice %arg11[%rem3A_276, %dma_start3A_288, %dma_start3A_289] : memref<2x50x40xi32, #tpu.memory_space<vmem>> -> memref<1x50x40xi32, #tpu.memory_space<vmem>>
          %dma_start3A_291 = tpu.memref_squeeze %dma_start3A_290 : memref<1x50x40xi32, #tpu.memory_space<vmem>> -> memref<50x40xi32, #tpu.memory_space<vmem>>
          %dma_start3A_292 = arith.constant 0 : i32
          %dma_start3A_293 = tpu.memref_slice %arg5[%add3A, %mul3A_280, %dma_start3A_292] : memref<32x250x40xi32, #tpu.memory_space<hbm>> -> memref<1x50x40xi32, #tpu.memory_space<hbm>>
          %dma_start3A_294 = tpu.memref_squeeze %dma_start3A_293 : memref<1x50x40xi32, #tpu.memory_space<hbm>> -> memref<50x40xi32, #tpu.memory_space<hbm>>
          tpu.enqueue_dma source(%dma_start3A_294 : memref<50x40xi32, #tpu.memory_space<hbm>>) target(%dma_start3A_291 : memref<50x40xi32, #tpu.memory_space<vmem>>) target_semaphore(%run_scoped3A : memref<!tpu.dma_semaphore, #tpu.memory_space<semaphore_mem>>)
          %dma_wait3A_295 = arith.constant 0 : i32
          %dma_wait3A_296 = arith.constant 0 : i32
          %dma_wait3A_297 = tpu.memref_slice %arg11[%rem3A_276, %dma_wait3A_295, %dma_wait3A_296] : memref<2x50x40xi32, #tpu.memory_space<vmem>> -> memref<1x50x40xi32, #tpu.memory_space<vmem>>
          %dma_wait3A_298 = tpu.memref_squeeze %dma_wait3A_297 : memref<1x50x40xi32, #tpu.memory_space<vmem>> -> memref<50x40xi32, #tpu.memory_space<vmem>>
          %dma_wait3A_299 = arith.constant 0 : i32
          %dma_wait3A_300 = tpu.memref_slice %arg5[%add3A, %mul3A_280, %dma_wait3A_299] : memref<32x250x40xi32, #tpu.memory_space<hbm>> -> memref<1x50x40xi32, #tpu.memory_space<hbm>>
          %dma_wait3A_301 = tpu.memref_squeeze %dma_wait3A_300 : memref<1x50x40xi32, #tpu.memory_space<hbm>> -> memref<50x40xi32, #tpu.memory_space<hbm>>
          %dma_wait3A_302 = arith.constant 0 : i32
          %dma_wait3A_303 = arith.constant 0 : i32
          %dma_wait3A_304 = tpu.memref_slice %arg11[%rem3A_276, %dma_wait3A_302, %dma_wait3A_303] : memref<2x50x40xi32, #tpu.memory_space<vmem>> -> memref<1x50x40xi32, #tpu.memory_space<vmem>>
          %dma_wait3A_305 = tpu.memref_squeeze %dma_wait3A_304 : memref<1x50x40xi32, #tpu.memory_space<vmem>> -> memref<50x40xi32, #tpu.memory_space<vmem>>
          %dma_wait3A_306 = arith.constant 0 : i32
          %dma_wait3A_307 = tpu.memref_slice %arg5[%add3A, %mul3A_280, %dma_wait3A_306] : memref<32x250x40xi32, #tpu.memory_space<hbm>> -> memref<1x50x40xi32, #tpu.memory_space<hbm>>
          %dma_wait3A_308 = tpu.memref_squeeze %dma_wait3A_307 : memref<1x50x40xi32, #tpu.memory_space<hbm>> -> memref<50x40xi32, #tpu.memory_space<hbm>>
          tpu.wait_dma2 semaphore(%run_scoped3A : memref<!tpu.dma_semaphore, #tpu.memory_space<semaphore_mem>>) src(%dma_wait3A_308 : memref<50x40xi32, #tpu.memory_space<hbm>>) dst(%dma_wait3A_305 : memref<50x40xi32, #tpu.memory_space<vmem>>)
          tpu.yield
        }) : () -> ()
      } else {
      }
      %lt3A_226 = arith.constant 250 : i32
      %lt3A_227 = arith.cmpi slt, %add3A_215, %lt3A_226 : i32
      %convert_element_type3A_228 = arith.extui %lt3A_227 : i1 to i32
      %cond3A_229 = arith.constant 0 : i32
      %cond3A_230 = arith.cmpi ne, %convert_element_type3A_228, %cond3A_229 : i32
      scf.if %cond3A_230 {
        %div3A_273 = arith.constant 50 : i32
        %div3A_274 = arith.divsi %add3A_215, %div3A_273 : i32
        %rem3A_275 = arith.constant 2 : i32
        %rem3A_276 = arith.remsi %div3A_274, %rem3A_275 : i32
        %rem3A_277 = arith.constant 50 : i32
        %rem3A_278 = arith.remsi %add3A_215, %rem3A_277 : i32
        %dma_start3A_279 = arith.constant 0 : i32
        %dma_start3A_280 = tpu.memref_slice %arg10[%rem3A_276, %rem3A_278, %dma_start3A_279] : memref<2x50x40xi32, #tpu.memory_space<vmem>> -> memref<1x1x40xi32, #tpu.memory_space<vmem>>
        %dma_start3A_281 = tpu.memref_squeeze %dma_start3A_280 : memref<1x1x40xi32, #tpu.memory_space<vmem>> -> memref<40xi32, #tpu.memory_space<vmem>>
        %dma_start3A_282 = arith.constant 0 : i32
        %dma_start3A_283 = arith.constant 0 : i32
        %dma_start3A_284 = tpu.memref_slice %arg2[%dma_start3A_282, %dma_start3A_283] : memref<10000x144xf32, #tpu.memory_space<hbm>> -> memref<10000x144xf32, #tpu.memory_space<hbm>>
        tpu.enqueue_indirect_dma source(%dma_start3A_284 : memref<10000x144xf32, #tpu.memory_space<hbm>>) target(%arg12 : memref<40x144xf32, #tpu.memory_space<vmem>>) offsets(%dma_start3A_281 : memref<40xi32, #tpu.memory_space<vmem>>) semaphore(%arg22 : memref<!tpu.dma_semaphore, #tpu.memory_space<semaphore_mem>>)
        %dma_start3A_285 = arith.constant 0 : i32
        %dma_start3A_286 = tpu.memref_slice %arg11[%rem3A_276, %rem3A_278, %dma_start3A_285] : memref<2x50x40xi32, #tpu.memory_space<vmem>> -> memref<1x1x40xi32, #tpu.memory_space<vmem>>
        %dma_start3A_287 = tpu.memref_squeeze %dma_start3A_286 : memref<1x1x40xi32, #tpu.memory_space<vmem>> -> memref<40xi32, #tpu.memory_space<vmem>>
        %dma_start3A_288 = arith.constant 0 : i32
        %dma_start3A_289 = arith.constant 0 : i32
        %dma_start3A_290 = tpu.memref_slice %arg3[%dma_start3A_288, %dma_start3A_289] : memref<10000x16xf32, #tpu.memory_space<hbm>> -> memref<10000x16xf32, #tpu.memory_space<hbm>>
        tpu.enqueue_indirect_dma source(%dma_start3A_290 : memref<10000x16xf32, #tpu.memory_space<hbm>>) target(%arg14 : memref<40x16xf32, #tpu.memory_space<vmem>>) offsets(%dma_start3A_287 : memref<40xi32, #tpu.memory_space<vmem>>) semaphore(%arg22 : memref<!tpu.dma_semaphore, #tpu.memory_space<semaphore_mem>>)
      } else {
      }
      %dma_wait3A_231 = arith.constant 0 : i32
      %dma_wait3A_232 = arith.constant 0 : i32
      %dma_wait3A_233 = arith.constant 0 : i32
      %dma_wait3A_234 = tpu.memref_slice %arg10[%dma_wait3A_231, %dma_wait3A_232, %dma_wait3A_233] : memref<2x50x40xi32, #tpu.memory_space<vmem>> -> memref<1x1x40xi32, #tpu.memory_space<vmem>>
      %dma_wait3A_235 = tpu.memref_squeeze %dma_wait3A_234 : memref<1x1x40xi32, #tpu.memory_space<vmem>> -> memref<40xi32, #tpu.memory_space<vmem>>
      %dma_wait3A_236 = arith.constant 0 : i32
      %dma_wait3A_237 = arith.constant 0 : i32
      %dma_wait3A_238 = tpu.memref_slice %arg2[%dma_wait3A_236, %dma_wait3A_237] : memref<10000x144xf32, #tpu.memory_space<hbm>> -> memref<10000x144xf32, #tpu.memory_space<hbm>>
      tpu.wait_indirect_dma semaphore(%arg23 : memref<!tpu.dma_semaphore, #tpu.memory_space<semaphore_mem>>) src(%dma_wait3A_238 : memref<10000x144xf32, #tpu.memory_space<hbm>>) dst(%arg13 : memref<40x144xf32, #tpu.memory_space<vmem>>)
      %dma_wait3A_239 = arith.constant 0 : i32
      %dma_wait3A_240 = arith.constant 0 : i32
      %dma_wait3A_241 = arith.constant 0 : i32
      %dma_wait3A_242 = tpu.memref_slice %arg11[%dma_wait3A_239, %dma_wait3A_240, %dma_wait3A_241] : memref<2x50x40xi32, #tpu.memory_space<vmem>> -> memref<1x1x40xi32, #tpu.memory_space<vmem>>
      %dma_wait3A_243 = tpu.memref_squeeze %dma_wait3A_242 : memref<1x1x40xi32, #tpu.memory_space<vmem>> -> memref<40xi32, #tpu.memory_space<vmem>>
      %dma_wait3A_244 = arith.constant 0 : i32
      %dma_wait3A_245 = arith.constant 0 : i32
      %dma_wait3A_246 = tpu.memref_slice %arg3[%dma_wait3A_244, %dma_wait3A_245] : memref<10000x16xf32, #tpu.memory_space<hbm>> -> memref<10000x16xf32, #tpu.memory_space<hbm>>
      tpu.wait_indirect_dma semaphore(%arg23 : memref<!tpu.dma_semaphore, #tpu.memory_space<semaphore_mem>>) src(%dma_wait3A_246 : memref<10000x16xf32, #tpu.memory_space<hbm>>) dst(%arg15 : memref<40x16xf32, #tpu.memory_space<vmem>>)
      %ge3A_247 = arith.constant 2 : i32
      %ge3A_248 = arith.cmpi sge, %add3A_213, %ge3A_247 : i32
      %convert_element_type3A_249 = arith.extui %ge3A_248 : i1 to i32
      %cond3A_250 = arith.constant 0 : i32
      %cond3A_251 = arith.cmpi ne, %convert_element_type3A_249, %cond3A_250 : i32
      scf.if %cond3A_251 {
        %dma_wait3A_273 = arith.constant 0 : i32
        %dma_wait3A_274 = arith.constant 0 : i32
        %dma_wait3A_275 = arith.constant 0 : i32
        %dma_wait3A_276 = tpu.memref_slice %arg11[%dma_wait3A_273, %dma_wait3A_274, %dma_wait3A_275] : memref<2x50x40xi32, #tpu.memory_space<vmem>> -> memref<1x1x40xi32, #tpu.memory_space<vmem>>
        %dma_wait3A_277 = tpu.memref_squeeze %dma_wait3A_276 : memref<1x1x40xi32, #tpu.memory_space<vmem>> -> memref<40xi32, #tpu.memory_space<vmem>>
        %dma_wait3A_278 = arith.constant 0 : i32
        %dma_wait3A_279 = arith.constant 0 : i32
        %dma_wait3A_280 = tpu.memref_slice %arg8[%dma_wait3A_278, %dma_wait3A_279] : memref<10000x128xf32, #tpu.memory_space<vmem_shared>> -> memref<10000x128xf32, #tpu.memory_space<vmem_shared>>
        tpu.wait_indirect_dma semaphore(%arg25 : memref<!tpu.dma_semaphore, #tpu.memory_space<semaphore_mem>>) src(%arg17 : memref<40x128xf32, #tpu.memory_space<vmem>>) dst(%dma_wait3A_280 : memref<10000x128xf32, #tpu.memory_space<vmem_shared>>)
        %dma_wait3A_281 = arith.constant 0 : i32
        %dma_wait3A_282 = arith.constant 0 : i32
        %dma_wait3A_283 = arith.constant 0 : i32
        %dma_wait3A_284 = tpu.memref_slice %arg11[%dma_wait3A_281, %dma_wait3A_282, %dma_wait3A_283] : memref<2x50x40xi32, #tpu.memory_space<vmem>> -> memref<1x1x40xi32, #tpu.memory_space<vmem>>
        %dma_wait3A_285 = tpu.memref_squeeze %dma_wait3A_284 : memref<1x1x40xi32, #tpu.memory_space<vmem>> -> memref<40xi32, #tpu.memory_space<vmem>>
        %dma_wait3A_286 = arith.constant 0 : i32
        %dma_wait3A_287 = arith.constant 0 : i32
        %dma_wait3A_288 = tpu.memref_slice %arg9[%dma_wait3A_286, %dma_wait3A_287] : memref<10000x16xf32, #tpu.memory_space<vmem_shared>> -> memref<10000x16xf32, #tpu.memory_space<vmem_shared>>
        tpu.wait_indirect_dma semaphore(%arg25 : memref<!tpu.dma_semaphore, #tpu.memory_space<semaphore_mem>>) src(%arg19 : memref<40x16xf32, #tpu.memory_space<vmem>>) dst(%dma_wait3A_288 : memref<10000x16xf32, #tpu.memory_space<vmem_shared>>)
      } else {
      }
      %parallel_loop3A_252 = arith.constant 0 : i32
      %parallel_loop3A_253 = arith.constant 40 : i32
      %parallel_loop3A_254 = arith.constant 1 : i32
      scf.for %parallel_loop3A_273 = %parallel_loop3A_252 to %parallel_loop3A_253 step %parallel_loop3A_254  : i32 {
        %parallel_loop3A_274 = arith.index_cast %parallel_loop3A_273 : i32 to index
        %parallel_loop3A_275 = arith.constant 0 : index
        %parallel_loop3A_276 = tpu.vector_load %arg15[%parallel_loop3A_274, %parallel_loop3A_275] {strides = array<i32>} : memref<40x16xf32, #tpu.memory_space<vmem>>, vector<1x16xf32>,
        %parallel_loop3A_277 = vector.shape_cast %parallel_loop3A_276 : vector<1x16xf32> to vector<16xf32>
        %parallel_loop3A_278 = arith.index_cast %parallel_loop3A_273 : i32 to index
        %parallel_loop3A_279 = arith.constant 128 : index
        %parallel_loop3A_280 = tpu.vector_load %arg13[%parallel_loop3A_278, %parallel_loop3A_279] {strides = array<i32>} : memref<40x144xf32, #tpu.memory_space<vmem>>, vector<1x16xf32>,
        %parallel_loop3A_281 = vector.shape_cast %parallel_loop3A_280 : vector<1x16xf32> to vector<16xf32>
        %parallel_loop3A_282 = arith.addf %parallel_loop3A_277, %parallel_loop3A_281 : vector<16xf32>
        %parallel_loop3A_283 = arith.constant 0.000000e+00 : f32
        %parallel_loop3A_284 = vector.broadcast %parallel_loop3A_283 : f32 to vector<16xf32>
        %parallel_loop3A_285 = arith.cmpf ogt, %parallel_loop3A_282, %parallel_loop3A_284 : vector<16xf32>
        %parallel_loop3A_286 = arith.constant 2.000000e-01 : f32
        %parallel_loop3A_287 = vector.broadcast %parallel_loop3A_286 : f32 to vector<16xf32>
        %parallel_loop3A_288 = arith.mulf %parallel_loop3A_282, %parallel_loop3A_287 : vector<16xf32>
        %parallel_loop3A_289 = arith.select %parallel_loop3A_285, %parallel_loop3A_282, %parallel_loop3A_288 : vector<16xi1>, vector<16xf32>
        %parallel_loop3A_290 = math.exp %parallel_loop3A_289 : vector<16xf32>
        %parallel_loop3A_291 = arith.index_cast %parallel_loop3A_273 : i32 to index
        %parallel_loop3A_292 = arith.constant 0 : index
        %parallel_loop3A_293 = tpu.vector_load %arg19[%parallel_loop3A_291, %parallel_loop3A_292] {strides = array<i32>} : memref<40x16xf32, #tpu.memory_space<vmem>>, vector<1x16xf32>,
        %parallel_loop3A_294 = vector.shape_cast %parallel_loop3A_293 : vector<1x16xf32> to vector<16xf32>
        %parallel_loop3A_295 = vector.shape_cast %parallel_loop3A_290 : vector<16xf32> to vector<1x16xf32>
        tpu.vector_store %arg19[%parallel_loop3A_291, %parallel_loop3A_292], %parallel_loop3A_295 {strides = array<i32>} : memref<40x16xf32, #tpu.memory_space<vmem>>, vector<1x16xf32>,
        %parallel_loop3A_296 = vector.shape_cast %broadcast_in_dim3A_40 : vector<16x1xi32> to vector<16xi32>
        %parallel_loop3A_297 = tpu.dynamic_gather %parallel_loop3A_290[%parallel_loop3A_296] in [0] : vector<16xf32>, vector<16xi32> -> vector<16xf32>
        %parallel_loop3A_298 = arith.index_cast %parallel_loop3A_273 : i32 to index
        %parallel_loop3A_299 = arith.constant 0 : index
        %parallel_loop3A_300 = tpu.vector_load %arg13[%parallel_loop3A_298, %parallel_loop3A_299] {strides = array<i32>} : memref<40x144xf32, #tpu.memory_space<vmem>>, vector<1x16xf32>,
        %parallel_loop3A_301 = vector.shape_cast %parallel_loop3A_300 : vector<1x16xf32> to vector<16xf32>
        %parallel_loop3A_302 = arith.mulf %parallel_loop3A_297, %parallel_loop3A_301 : vector<16xf32>
        %parallel_loop3A_303 = arith.index_cast %parallel_loop3A_273 : i32 to index
        %parallel_loop3A_304 = arith.constant 0 : index
        %parallel_loop3A_305 = tpu.vector_load %arg17[%parallel_loop3A_303, %parallel_loop3A_304] {strides = array<i32>} : memref<40x128xf32, #tpu.memory_space<vmem>>, vector<1x16xf32>,
        %parallel_loop3A_306 = vector.shape_cast %parallel_loop3A_305 : vector<1x16xf32> to vector<16xf32>
        %parallel_loop3A_307 = vector.shape_cast %parallel_loop3A_302 : vector<16xf32> to vector<1x16xf32>
        tpu.vector_store %arg17[%parallel_loop3A_303, %parallel_loop3A_304], %parallel_loop3A_307 {strides = array<i32>} : memref<40x128xf32, #tpu.memory_space<vmem>>, vector<1x16xf32>,
        %parallel_loop3A_308 = vector.shape_cast %broadcast_in_dim3A_42 : vector<16x1xi32> to vector<16xi32>
        %parallel_loop3A_309 = tpu.dynamic_gather %parallel_loop3A_290[%parallel_loop3A_308] in [0] : vector<16xf32>, vector<16xi32> -> vector<16xf32>
        %parallel_loop3A_310 = arith.index_cast %parallel_loop3A_273 : i32 to index
        %parallel_loop3A_311 = arith.constant 16 : index
        %parallel_loop3A_312 = tpu.vector_load %arg13[%parallel_loop3A_310, %parallel_loop3A_311] {strides = array<i32>} : memref<40x144xf32, #tpu.memory_space<vmem>>, vector<1x16xf32>,
        %parallel_loop3A_313 = vector.shape_cast %parallel_loop3A_312 : vector<1x16xf32> to vector<16xf32>
        %parallel_loop3A_314 = arith.mulf %parallel_loop3A_309, %parallel_loop3A_313 : vector<16xf32>
        %parallel_loop3A_315 = arith.index_cast %parallel_loop3A_273 : i32 to index
        %parallel_loop3A_316 = arith.constant 16 : index
        %parallel_loop3A_317 = tpu.vector_load %arg17[%parallel_loop3A_315, %parallel_loop3A_316] {strides = array<i32>} : memref<40x128xf32, #tpu.memory_space<vmem>>, vector<1x16xf32>,
        %parallel_loop3A_318 = vector.shape_cast %parallel_loop3A_317 : vector<1x16xf32> to vector<16xf32>
        %parallel_loop3A_319 = vector.shape_cast %parallel_loop3A_314 : vector<16xf32> to vector<1x16xf32>
        tpu.vector_store %arg17[%parallel_loop3A_315, %parallel_loop3A_316], %parallel_loop3A_319 {strides = array<i32>} : memref<40x128xf32, #tpu.memory_space<vmem>>, vector<1x16xf32>,
        %parallel_loop3A_320 = vector.shape_cast %broadcast_in_dim3A_44 : vector<16x1xi32> to vector<16xi32>
        %parallel_loop3A_321 = tpu.dynamic_gather %parallel_loop3A_290[%parallel_loop3A_320] in [0] : vector<16xf32>, vector<16xi32> -> vector<16xf32>
        %parallel_loop3A_322 = arith.index_cast %parallel_loop3A_273 : i32 to index
        %parallel_loop3A_323 = arith.constant 32 : index
        %parallel_loop3A_324 = tpu.vector_load %arg13[%parallel_loop3A_322, %parallel_loop3A_323] {strides = array<i32>} : memref<40x144xf32, #tpu.memory_space<vmem>>, vector<1x16xf32>,
        %parallel_loop3A_325 = vector.shape_cast %parallel_loop3A_324 : vector<1x16xf32> to vector<16xf32>
        %parallel_loop3A_326 = arith.mulf %parallel_loop3A_321, %parallel_loop3A_325 : vector<16xf32>
        %parallel_loop3A_327 = arith.index_cast %parallel_loop3A_273 : i32 to index
        %parallel_loop3A_328 = arith.constant 32 : index
        %parallel_loop3A_329 = tpu.vector_load %arg17[%parallel_loop3A_327, %parallel_loop3A_328] {strides = array<i32>} : memref<40x128xf32, #tpu.memory_space<vmem>>, vector<1x16xf32>,
        %parallel_loop3A_330 = vector.shape_cast %parallel_loop3A_329 : vector<1x16xf32> to vector<16xf32>
        %parallel_loop3A_331 = vector.shape_cast %parallel_loop3A_326 : vector<16xf32> to vector<1x16xf32>
        tpu.vector_store %arg17[%parallel_loop3A_327, %parallel_loop3A_328], %parallel_loop3A_331 {strides = array<i32>} : memref<40x128xf32, #tpu.memory_space<vmem>>, vector<1x16xf32>,
        %parallel_loop3A_332 = vector.shape_cast %broadcast_in_dim3A_46 : vector<16x1xi32> to vector<16xi32>
        %parallel_loop3A_333 = tpu.dynamic_gather %parallel_loop3A_290[%parallel_loop3A_332] in [0] : vector<16xf32>, vector<16xi32> -> vector<16xf32>
        %parallel_loop3A_334 = arith.index_cast %parallel_loop3A_273 : i32 to index
        %parallel_loop3A_335 = arith.constant 48 : index
        %parallel_loop3A_336 = tpu.vector_load %arg13[%parallel_loop3A_334, %parallel_loop3A_335] {strides = array<i32>} : memref<40x144xf32, #tpu.memory_space<vmem>>, vector<1x16xf32>,
        %parallel_loop3A_337 = vector.shape_cast %parallel_loop3A_336 : vector<1x16xf32> to vector<16xf32>
        %parallel_loop3A_338 = arith.mulf %parallel_loop3A_333, %parallel_loop3A_337 : vector<16xf32>
        %parallel_loop3A_339 = arith.index_cast %parallel_loop3A_273 : i32 to index
        %parallel_loop3A_340 = arith.constant 48 : index
        %parallel_loop3A_341 = tpu.vector_load %arg17[%parallel_loop3A_339, %parallel_loop3A_340] {strides = array<i32>} : memref<40x128xf32, #tpu.memory_space<vmem>>, vector<1x16xf32>,
        %parallel_loop3A_342 = vector.shape_cast %parallel_loop3A_341 : vector<1x16xf32> to vector<16xf32>
        %parallel_loop3A_343 = vector.shape_cast %parallel_loop3A_338 : vector<16xf32> to vector<1x16xf32>
        tpu.vector_store %arg17[%parallel_loop3A_339, %parallel_loop3A_340], %parallel_loop3A_343 {strides = array<i32>} : memref<40x128xf32, #tpu.memory_space<vmem>>, vector<1x16xf32>,
        %parallel_loop3A_344 = vector.shape_cast %broadcast_in_dim3A_48 : vector<16x1xi32> to vector<16xi32>
        %parallel_loop3A_345 = tpu.dynamic_gather %parallel_loop3A_290[%parallel_loop3A_344] in [0] : vector<16xf32>, vector<16xi32> -> vector<16xf32>
        %parallel_loop3A_346 = arith.index_cast %parallel_loop3A_273 : i32 to index
        %parallel_loop3A_347 = arith.constant 64 : index
        %parallel_loop3A_348 = tpu.vector_load %arg13[%parallel_loop3A_346, %parallel_loop3A_347] {strides = array<i32>} : memref<40x144xf32, #tpu.memory_space<vmem>>, vector<1x16xf32>,
        %parallel_loop3A_349 = vector.shape_cast %parallel_loop3A_348 : vector<1x16xf32> to vector<16xf32>
        %parallel_loop3A_350 = arith.mulf %parallel_loop3A_345, %parallel_loop3A_349 : vector<16xf32>
        %parallel_loop3A_351 = arith.index_cast %parallel_loop3A_273 : i32 to index
        %parallel_loop3A_352 = arith.constant 64 : index
        %parallel_loop3A_353 = tpu.vector_load %arg17[%parallel_loop3A_351, %parallel_loop3A_352] {strides = array<i32>} : memref<40x128xf32, #tpu.memory_space<vmem>>, vector<1x16xf32>,
        %parallel_loop3A_354 = vector.shape_cast %parallel_loop3A_353 : vector<1x16xf32> to vector<16xf32>
        %parallel_loop3A_355 = vector.shape_cast %parallel_loop3A_350 : vector<16xf32> to vector<1x16xf32>
        tpu.vector_store %arg17[%parallel_loop3A_351, %parallel_loop3A_352], %parallel_loop3A_355 {strides = array<i32>} : memref<40x128xf32, #tpu.memory_space<vmem>>, vector<1x16xf32>,
        %parallel_loop3A_356 = vector.shape_cast %broadcast_in_dim3A_50 : vector<16x1xi32> to vector<16xi32>
        %parallel_loop3A_357 = tpu.dynamic_gather %parallel_loop3A_290[%parallel_loop3A_356] in [0] : vector<16xf32>, vector<16xi32> -> vector<16xf32>
        %parallel_loop3A_358 = arith.index_cast %parallel_loop3A_273 : i32 to index
        %parallel_loop3A_359 = arith.constant 80 : index
        %parallel_loop3A_360 = tpu.vector_load %arg13[%parallel_loop3A_358, %parallel_loop3A_359] {strides = array<i32>} : memref<40x144xf32, #tpu.memory_space<vmem>>, vector<1x16xf32>,
        %parallel_loop3A_361 = vector.shape_cast %parallel_loop3A_360 : vector<1x16xf32> to vector<16xf32>
        %parallel_loop3A_362 = arith.mulf %parallel_loop3A_357, %parallel_loop3A_361 : vector<16xf32>
        %parallel_loop3A_363 = arith.index_cast %parallel_loop3A_273 : i32 to index
        %parallel_loop3A_364 = arith.constant 80 : index
        %parallel_loop3A_365 = tpu.vector_load %arg17[%parallel_loop3A_363, %parallel_loop3A_364] {strides = array<i32>} : memref<40x128xf32, #tpu.memory_space<vmem>>, vector<1x16xf32>,
        %parallel_loop3A_366 = vector.shape_cast %parallel_loop3A_365 : vector<1x16xf32> to vector<16xf32>
        %parallel_loop3A_367 = vector.shape_cast %parallel_loop3A_362 : vector<16xf32> to vector<1x16xf32>
        tpu.vector_store %arg17[%parallel_loop3A_363, %parallel_loop3A_364], %parallel_loop3A_367 {strides = array<i32>} : memref<40x128xf32, #tpu.memory_space<vmem>>, vector<1x16xf32>,
        %parallel_loop3A_368 = vector.shape_cast %broadcast_in_dim3A_52 : vector<16x1xi32> to vector<16xi32>
        %parallel_loop3A_369 = tpu.dynamic_gather %parallel_loop3A_290[%parallel_loop3A_368] in [0] : vector<16xf32>, vector<16xi32> -> vector<16xf32>
        %parallel_loop3A_370 = arith.index_cast %parallel_loop3A_273 : i32 to index
        %parallel_loop3A_371 = arith.constant 96 : index
        %parallel_loop3A_372 = tpu.vector_load %arg13[%parallel_loop3A_370, %parallel_loop3A_371] {strides = array<i32>} : memref<40x144xf32, #tpu.memory_space<vmem>>, vector<1x16xf32>,
        %parallel_loop3A_373 = vector.shape_cast %parallel_loop3A_372 : vector<1x16xf32> to vector<16xf32>
        %parallel_loop3A_374 = arith.mulf %parallel_loop3A_369, %parallel_loop3A_373 : vector<16xf32>
        %parallel_loop3A_375 = arith.index_cast %parallel_loop3A_273 : i32 to index
        %parallel_loop3A_376 = arith.constant 96 : index
        %parallel_loop3A_377 = tpu.vector_load %arg17[%parallel_loop3A_375, %parallel_loop3A_376] {strides = array<i32>} : memref<40x128xf32, #tpu.memory_space<vmem>>, vector<1x16xf32>,
        %parallel_loop3A_378 = vector.shape_cast %parallel_loop3A_377 : vector<1x16xf32> to vector<16xf32>
        %parallel_loop3A_379 = vector.shape_cast %parallel_loop3A_374 : vector<16xf32> to vector<1x16xf32>
        tpu.vector_store %arg17[%parallel_loop3A_375, %parallel_loop3A_376], %parallel_loop3A_379 {strides = array<i32>} : memref<40x128xf32, #tpu.memory_space<vmem>>, vector<1x16xf32>,
        %parallel_loop3A_380 = vector.shape_cast %broadcast_in_dim3A_54 : vector<16x1xi32> to vector<16xi32>
        %parallel_loop3A_381 = tpu.dynamic_gather %parallel_loop3A_290[%parallel_loop3A_380] in [0] : vector<16xf32>, vector<16xi32> -> vector<16xf32>
        %parallel_loop3A_382 = arith.index_cast %parallel_loop3A_273 : i32 to index
        %parallel_loop3A_383 = arith.constant 112 : index
        %parallel_loop3A_384 = tpu.vector_load %arg13[%parallel_loop3A_382, %parallel_loop3A_383] {strides = array<i32>} : memref<40x144xf32, #tpu.memory_space<vmem>>, vector<1x16xf32>,
        %parallel_loop3A_385 = vector.shape_cast %parallel_loop3A_384 : vector<1x16xf32> to vector<16xf32>
        %parallel_loop3A_386 = arith.mulf %parallel_loop3A_381, %parallel_loop3A_385 : vector<16xf32>
        %parallel_loop3A_387 = arith.index_cast %parallel_loop3A_273 : i32 to index
        %parallel_loop3A_388 = arith.constant 112 : index
        %parallel_loop3A_389 = tpu.vector_load %arg17[%parallel_loop3A_387, %parallel_loop3A_388] {strides = array<i32>} : memref<40x128xf32, #tpu.memory_space<vmem>>, vector<1x16xf32>,
        %parallel_loop3A_390 = vector.shape_cast %parallel_loop3A_389 : vector<1x16xf32> to vector<16xf32>
        %parallel_loop3A_391 = vector.shape_cast %parallel_loop3A_386 : vector<16xf32> to vector<1x16xf32>
        tpu.vector_store %arg17[%parallel_loop3A_387, %parallel_loop3A_388], %parallel_loop3A_391 {strides = array<i32>} : memref<40x128xf32, #tpu.memory_space<vmem>>, vector<1x16xf32>,
      } {sc.loop_unroll_factor = 2 : i64, sc.parallel_access}
      %div3A_255 = arith.constant 50 : i32
      %div3A_256 = arith.divsi %add3A_213, %div3A_255 : i32
      %rem3A_257 = arith.constant 2 : i32
      %rem3A_258 = arith.remsi %div3A_256, %rem3A_257 : i32
      %rem3A_259 = arith.constant 50 : i32
      %rem3A_260 = arith.remsi %add3A_213, %rem3A_259 : i32
      %dma_start3A_261 = arith.constant 0 : i32
      %dma_start3A_262 = tpu.memref_slice %arg11[%rem3A_258, %rem3A_260, %dma_start3A_261] : memref<2x50x40xi32, #tpu.memory_space<vmem>> -> memref<1x1x40xi32, #tpu.memory_space<vmem>>
      %dma_start3A_263 = tpu.memref_squeeze %dma_start3A_262 : memref<1x1x40xi32, #tpu.memory_space<vmem>> -> memref<40xi32, #tpu.memory_space<vmem>>
      %dma_start3A_264 = arith.constant 0 : i32
      %dma_start3A_265 = arith.constant 0 : i32
      %dma_start3A_266 = tpu.memref_slice %arg8[%dma_start3A_264, %dma_start3A_265] : memref<10000x128xf32, #tpu.memory_space<vmem_shared>> -> memref<10000x128xf32, #tpu.memory_space<vmem_shared>>
      tpu.enqueue_indirect_dma source(%arg17 : memref<40x128xf32, #tpu.memory_space<vmem>>) target(%dma_start3A_266 : memref<10000x128xf32, #tpu.memory_space<vmem_shared>>) offsets(%dma_start3A_263 : memref<40xi32, #tpu.memory_space<vmem>>) semaphore(%arg25 : memref<!tpu.dma_semaphore, #tpu.memory_space<semaphore_mem>>) {add = true}
      %dma_start3A_267 = arith.constant 0 : i32
      %dma_start3A_268 = tpu.memref_slice %arg11[%rem3A_258, %rem3A_260, %dma_start3A_267] : memref<2x50x40xi32, #tpu.memory_space<vmem>> -> memref<1x1x40xi32, #tpu.memory_space<vmem>>
      %dma_start3A_269 = tpu.memref_squeeze %dma_start3A_268 : memref<1x1x40xi32, #tpu.memory_space<vmem>> -> memref<40xi32, #tpu.memory_space<vmem>>
      %dma_start3A_270 = arith.constant 0 : i32
      %dma_start3A_271 = arith.constant 0 : i32
      %dma_start3A_272 = tpu.memref_slice %arg9[%dma_start3A_270, %dma_start3A_271] : memref<10000x16xf32, #tpu.memory_space<vmem_shared>> -> memref<10000x16xf32, #tpu.memory_space<vmem_shared>>
      tpu.enqueue_indirect_dma source(%arg19 : memref<40x16xf32, #tpu.memory_space<vmem>>) target(%dma_start3A_272 : memref<10000x16xf32, #tpu.memory_space<vmem_shared>>) offsets(%dma_start3A_269 : memref<40xi32, #tpu.memory_space<vmem>>) semaphore(%arg25 : memref<!tpu.dma_semaphore, #tpu.memory_space<semaphore_mem>>) {add = true}
    }
    %scan3A_80 = arith.constant 125 : i32
    %dma_wait3A = arith.constant 0 : i32
    %dma_wait3A_81 = arith.constant 0 : i32
    %dma_wait3A_82 = arith.constant 0 : i32
    %dma_wait3A_83 = tpu.memref_slice %arg11[%dma_wait3A, %dma_wait3A_81, %dma_wait3A_82] : memref<2x50x40xi32, #tpu.memory_space<vmem>> -> memref<1x1x40xi32, #tpu.memory_space<vmem>>
    %dma_wait3A_84 = tpu.memref_squeeze %dma_wait3A_83 : memref<1x1x40xi32, #tpu.memory_space<vmem>> -> memref<40xi32, #tpu.memory_space<vmem>>
    %dma_wait3A_85 = arith.constant 0 : i32
    %dma_wait3A_86 = arith.constant 0 : i32
    %dma_wait3A_87 = tpu.memref_slice %arg8[%dma_wait3A_85, %dma_wait3A_86] : memref<10000x128xf32, #tpu.memory_space<vmem_shared>> -> memref<10000x128xf32, #tpu.memory_space<vmem_shared>>
    tpu.wait_indirect_dma semaphore(%arg24 : memref<!tpu.dma_semaphore, #tpu.memory_space<semaphore_mem>>) src(%arg16 : memref<40x128xf32, #tpu.memory_space<vmem>>) dst(%dma_wait3A_87 : memref<10000x128xf32, #tpu.memory_space<vmem_shared>>)
    %dma_wait3A_88 = arith.constant 0 : i32
    %dma_wait3A_89 = arith.constant 0 : i32
    %dma_wait3A_90 = arith.constant 0 : i32
    %dma_wait3A_91 = tpu.memref_slice %arg11[%dma_wait3A_88, %dma_wait3A_89, %dma_wait3A_90] : memref<2x50x40xi32, #tpu.memory_space<vmem>> -> memref<1x1x40xi32, #tpu.memory_space<vmem>>
    %dma_wait3A_92 = tpu.memref_squeeze %dma_wait3A_91 : memref<1x1x40xi32, #tpu.memory_space<vmem>> -> memref<40xi32, #tpu.memory_space<vmem>>
    %dma_wait3A_93 = arith.constant 0 : i32
    %dma_wait3A_94 = arith.constant 0 : i32
    %dma_wait3A_95 = tpu.memref_slice %arg9[%dma_wait3A_93, %dma_wait3A_94] : memref<10000x16xf32, #tpu.memory_space<vmem_shared>> -> memref<10000x16xf32, #tpu.memory_space<vmem_shared>>
    tpu.wait_indirect_dma semaphore(%arg24 : memref<!tpu.dma_semaphore, #tpu.memory_space<semaphore_mem>>) src(%arg18 : memref<40x16xf32, #tpu.memory_space<vmem>>) dst(%dma_wait3A_95 : memref<10000x16xf32, #tpu.memory_space<vmem_shared>>)
    %dma_wait3A_96 = arith.constant 0 : i32
    %dma_wait3A_97 = arith.constant 0 : i32
    %dma_wait3A_98 = arith.constant 0 : i32
    %dma_wait3A_99 = tpu.memref_slice %arg11[%dma_wait3A_96, %dma_wait3A_97, %dma_wait3A_98] : memref<2x50x40xi32, #tpu.memory_space<vmem>> -> memref<1x1x40xi32, #tpu.memory_space<vmem>>
    %dma_wait3A_100 = tpu.memref_squeeze %dma_wait3A_99 : memref<1x1x40xi32, #tpu.memory_space<vmem>> -> memref<40xi32, #tpu.memory_space<vmem>>
    %dma_wait3A_101 = arith.constant 0 : i32
    %dma_wait3A_102 = arith.constant 0 : i32
    %dma_wait3A_103 = tpu.memref_slice %arg8[%dma_wait3A_101, %dma_wait3A_102] : memref<10000x128xf32, #tpu.memory_space<vmem_shared>> -> memref<10000x128xf32, #tpu.memory_space<vmem_shared>>
    tpu.wait_indirect_dma semaphore(%arg25 : memref<!tpu.dma_semaphore, #tpu.memory_space<semaphore_mem>>) src(%arg17 : memref<40x128xf32, #tpu.memory_space<vmem>>) dst(%dma_wait3A_103 : memref<10000x128xf32, #tpu.memory_space<vmem_shared>>)
    %dma_wait3A_104 = arith.constant 0 : i32
    %dma_wait3A_105 = arith.constant 0 : i32
    %dma_wait3A_106 = arith.constant 0 : i32
    %dma_wait3A_107 = tpu.memref_slice %arg11[%dma_wait3A_104, %dma_wait3A_105, %dma_wait3A_106] : memref<2x50x40xi32, #tpu.memory_space<vmem>> -> memref<1x1x40xi32, #tpu.memory_space<vmem>>
    %dma_wait3A_108 = tpu.memref_squeeze %dma_wait3A_107 : memref<1x1x40xi32, #tpu.memory_space<vmem>> -> memref<40xi32, #tpu.memory_space<vmem>>
    %dma_wait3A_109 = arith.constant 0 : i32
    %dma_wait3A_110 = arith.constant 0 : i32
    %dma_wait3A_111 = tpu.memref_slice %arg9[%dma_wait3A_109, %dma_wait3A_110] : memref<10000x16xf32, #tpu.memory_space<vmem_shared>> -> memref<10000x16xf32, #tpu.memory_space<vmem_shared>>
    tpu.wait_indirect_dma semaphore(%arg25 : memref<!tpu.dma_semaphore, #tpu.memory_space<semaphore_mem>>) src(%arg19 : memref<40x16xf32, #tpu.memory_space<vmem>>) dst(%dma_wait3A_111 : memref<10000x16xf32, #tpu.memory_space<vmem_shared>>)
    %barrier3A_112 = arith.constant 0 : index
    tpu.barrier barrier_id(%barrier3A_112)
    %sub3A_113 = arith.constant 50 : i32
    %sub3A_114 = arith.subi %sub3A_113, %arg1 : i32
    %sub3A_115 = arith.constant 16 : i32
    %sub3A_116 = arith.constant 1 : i32
    %sub3A_117 = arith.subi %sub3A_115, %sub3A_116 : i32
    %add3A_118 = arith.addi %sub3A_114, %sub3A_117 : i32
    %div3A_119 = arith.constant 16 : i32
    %div3A_120 = arith.divsi %add3A_118, %div3A_119 : i32
    %while3A_121 = arith.constant 16 : i32
    %while3A_122 = arith.constant 0 : i32
    %while3A_123 = arith.subi %div3A_120, %while3A_122 : i32
    %while3A_124 = arith.addi %while3A_122, %while3A_123 : i32
    %while3A_125 = arith.constant 1 : i32
    %while3A_126 = arith.divsi %while3A_123, %while3A_125 : i32
    %while3A_127 = arith.muli %while3A_126, %while3A_125 : i32
    %while3A_128 = arith.addi %while3A_122, %while3A_127 : i32
    %while3A_129 = arith.constant 1 : i32
    scf.for %while3A_149 = %while3A_122 to %while3A_128 step %while3A_129  : i32 {
      %mul3A_150 = arith.muli %while3A_149, %while3A_121 : i32
      %add3A_151 = arith.addi %arg1, %mul3A_150 : i32
      %mul3A_152 = arith.constant 200 : i32
      %mul3A_153 = arith.muli %add3A_151, %mul3A_152 : i32
      %dma_start3A_154 = arith.constant 0 : i32
      %dma_start3A_155 = arith.constant 0 : i32
      %dma_start3A_156 = tpu.memref_slice %arg6[%arg0, %dma_start3A_154, %dma_start3A_155] : memref<2x10000x128xf32, #tpu.memory_space<hbm>> -> memref<1x10000x128xf32, #tpu.memory_space<hbm>>
      %dma_start3A_157 = tpu.memref_squeeze %dma_start3A_156 : memref<1x10000x128xf32, #tpu.memory_space<hbm>> -> memref<10000x128xf32, #tpu.memory_space<hbm>>
      %dma_start3A_158 = arith.constant 0 : i32
      %dma_start3A_159 = tpu.memref_slice %dma_start3A_157[%mul3A_153, %dma_start3A_158] : memref<10000x128xf32, #tpu.memory_space<hbm>> -> memref<200x128xf32, #tpu.memory_space<hbm>>
      %dma_start3A_160 = arith.constant 0 : i32
      %dma_start3A_161 = tpu.memref_slice %arg8[%mul3A_153, %dma_start3A_160] : memref<10000x128xf32, #tpu.memory_space<vmem_shared>> -> memref<200x128xf32, #tpu.memory_space<vmem_shared>>
      tpu.enqueue_dma source(%dma_start3A_161 : memref<200x128xf32, #tpu.memory_space<vmem_shared>>) target(%dma_start3A_159 : memref<200x128xf32, #tpu.memory_space<hbm>>) target_semaphore(%arg22 : memref<!tpu.dma_semaphore, #tpu.memory_space<semaphore_mem>>)
      %dma_start3A_162 = arith.constant 0 : i32
      %dma_start3A_163 = arith.constant 0 : i32
      %dma_start3A_164 = tpu.memref_slice %arg7[%arg0, %dma_start3A_162, %dma_start3A_163] : memref<2x10000x16xf32, #tpu.memory_space<hbm>> -> memref<1x10000x16xf32, #tpu.memory_space<hbm>>
      %dma_start3A_165 = tpu.memref_squeeze %dma_start3A_164 : memref<1x10000x16xf32, #tpu.memory_space<hbm>> -> memref<10000x16xf32, #tpu.memory_space<hbm>>
      %dma_start3A_166 = arith.constant 0 : i32
      %dma_start3A_167 = tpu.memref_slice %dma_start3A_165[%mul3A_153, %dma_start3A_166] : memref<10000x16xf32, #tpu.memory_space<hbm>> -> memref<200x16xf32, #tpu.memory_space<hbm>>
      %dma_start3A_168 = arith.constant 0 : i32
      %dma_start3A_169 = tpu.memref_slice %arg9[%mul3A_153, %dma_start3A_168] : memref<10000x16xf32, #tpu.memory_space<vmem_shared>> -> memref<200x16xf32, #tpu.memory_space<vmem_shared>>
      tpu.enqueue_dma source(%dma_start3A_169 : memref<200x16xf32, #tpu.memory_space<vmem_shared>>) target(%dma_start3A_167 : memref<200x16xf32, #tpu.memory_space<hbm>>) target_semaphore(%arg22 : memref<!tpu.dma_semaphore, #tpu.memory_space<semaphore_mem>>)
    }
    %while3A_130 = arith.constant 1 : i32
    scf.for %while3A_149 = %while3A_128 to %while3A_124 step %while3A_130  : i32 {
      %mul3A_150 = arith.muli %while3A_149, %while3A_121 : i32
      %add3A_151 = arith.addi %arg1, %mul3A_150 : i32
      %mul3A_152 = arith.constant 200 : i32
      %mul3A_153 = arith.muli %add3A_151, %mul3A_152 : i32
      %dma_start3A_154 = arith.constant 0 : i32
      %dma_start3A_155 = arith.constant 0 : i32
      %dma_start3A_156 = tpu.memref_slice %arg6[%arg0, %dma_start3A_154, %dma_start3A_155] : memref<2x10000x128xf32, #tpu.memory_space<hbm>> -> memref<1x10000x128xf32, #tpu.memory_space<hbm>>
      %dma_start3A_157 = tpu.memref_squeeze %dma_start3A_156 : memref<1x10000x128xf32, #tpu.memory_space<hbm>> -> memref<10000x128xf32, #tpu.memory_space<hbm>>
      %dma_start3A_158 = arith.constant 0 : i32
      %dma_start3A_159 = tpu.memref_slice %dma_start3A_157[%mul3A_153, %dma_start3A_158] : memref<10000x128xf32, #tpu.memory_space<hbm>> -> memref<200x128xf32, #tpu.memory_space<hbm>>
      %dma_start3A_160 = arith.constant 0 : i32
      %dma_start3A_161 = tpu.memref_slice %arg8[%mul3A_153, %dma_start3A_160] : memref<10000x128xf32, #tpu.memory_space<vmem_shared>> -> memref<200x128xf32, #tpu.memory_space<vmem_shared>>
      tpu.enqueue_dma source(%dma_start3A_161 : memref<200x128xf32, #tpu.memory_space<vmem_shared>>) target(%dma_start3A_159 : memref<200x128xf32, #tpu.memory_space<hbm>>) target_semaphore(%arg22 : memref<!tpu.dma_semaphore, #tpu.memory_space<semaphore_mem>>)
      %dma_start3A_162 = arith.constant 0 : i32
      %dma_start3A_163 = arith.constant 0 : i32
      %dma_start3A_164 = tpu.memref_slice %arg7[%arg0, %dma_start3A_162, %dma_start3A_163] : memref<2x10000x16xf32, #tpu.memory_space<hbm>> -> memref<1x10000x16xf32, #tpu.memory_space<hbm>>
      %dma_start3A_165 = tpu.memref_squeeze %dma_start3A_164 : memref<1x10000x16xf32, #tpu.memory_space<hbm>> -> memref<10000x16xf32, #tpu.memory_space<hbm>>
      %dma_start3A_166 = arith.constant 0 : i32
      %dma_start3A_167 = tpu.memref_slice %dma_start3A_165[%mul3A_153, %dma_start3A_166] : memref<10000x16xf32, #tpu.memory_space<hbm>> -> memref<200x16xf32, #tpu.memory_space<hbm>>
      %dma_start3A_168 = arith.constant 0 : i32
      %dma_start3A_169 = tpu.memref_slice %arg9[%mul3A_153, %dma_start3A_168] : memref<10000x16xf32, #tpu.memory_space<vmem_shared>> -> memref<200x16xf32, #tpu.memory_space<vmem_shared>>
      tpu.enqueue_dma source(%dma_start3A_169 : memref<200x16xf32, #tpu.memory_space<vmem_shared>>) target(%dma_start3A_167 : memref<200x16xf32, #tpu.memory_space<hbm>>) target_semaphore(%arg22 : memref<!tpu.dma_semaphore, #tpu.memory_space<semaphore_mem>>)
    }
    %sub3A_131 = arith.constant 50 : i32
    %sub3A_132 = arith.subi %sub3A_131, %arg1 : i32
    %sub3A_133 = arith.constant 16 : i32
    %sub3A_134 = arith.constant 1 : i32
    %sub3A_135 = arith.subi %sub3A_133, %sub3A_134 : i32
    %add3A_136 = arith.addi %sub3A_132, %sub3A_135 : i32
    %div3A_137 = arith.constant 16 : i32
    %div3A_138 = arith.divsi %add3A_136, %div3A_137 : i32
    %while3A_139 = arith.constant 16 : i32
    %while3A_140 = arith.constant 0 : i32
    %while3A_141 = arith.subi %div3A_138, %while3A_140 : i32
    %while3A_142 = arith.addi %while3A_140, %while3A_141 : i32
    %while3A_143 = arith.constant 1 : i32
    %while3A_144 = arith.divsi %while3A_141, %while3A_143 : i32
    %while3A_145 = arith.muli %while3A_144, %while3A_143 : i32
    %while3A_146 = arith.addi %while3A_140, %while3A_145 : i32
    %while3A_147 = arith.constant 1 : i32
    scf.for %while3A_149 = %while3A_140 to %while3A_146 step %while3A_147  : i32 {
      %mul3A_150 = arith.muli %while3A_149, %while3A_139 : i32
      %add3A_151 = arith.addi %arg1, %mul3A_150 : i32
      %mul3A_152 = arith.constant 200 : i32
      %mul3A_153 = arith.muli %add3A_151, %mul3A_152 : i32
      %dma_wait3A_154 = arith.constant 0 : i32
      %dma_wait3A_155 = arith.constant 0 : i32
      %dma_wait3A_156 = tpu.memref_slice %arg6[%arg0, %dma_wait3A_154, %dma_wait3A_155] : memref<2x10000x128xf32, #tpu.memory_space<hbm>> -> memref<1x10000x128xf32, #tpu.memory_space<hbm>>
      %dma_wait3A_157 = tpu.memref_squeeze %dma_wait3A_156 : memref<1x10000x128xf32, #tpu.memory_space<hbm>> -> memref<10000x128xf32, #tpu.memory_space<hbm>>
      %dma_wait3A_158 = arith.constant 0 : i32
      %dma_wait3A_159 = tpu.memref_slice %dma_wait3A_157[%mul3A_153, %dma_wait3A_158] : memref<10000x128xf32, #tpu.memory_space<hbm>> -> memref<200x128xf32, #tpu.memory_space<hbm>>
      %dma_wait3A_160 = arith.constant 0 : i32
      %dma_wait3A_161 = tpu.memref_slice %arg8[%mul3A_153, %dma_wait3A_160] : memref<10000x128xf32, #tpu.memory_space<vmem_shared>> -> memref<200x128xf32, #tpu.memory_space<vmem_shared>>
      tpu.wait_dma2 semaphore(%arg22 : memref<!tpu.dma_semaphore, #tpu.memory_space<semaphore_mem>>) src(%dma_wait3A_161 : memref<200x128xf32, #tpu.memory_space<vmem_shared>>) dst(%dma_wait3A_159 : memref<200x128xf32, #tpu.memory_space<hbm>>)
      %dma_wait3A_162 = arith.constant 0 : i32
      %dma_wait3A_163 = arith.constant 0 : i32
      %dma_wait3A_164 = tpu.memref_slice %arg7[%arg0, %dma_wait3A_162, %dma_wait3A_163] : memref<2x10000x16xf32, #tpu.memory_space<hbm>> -> memref<1x10000x16xf32, #tpu.memory_space<hbm>>
      %dma_wait3A_165 = tpu.memref_squeeze %dma_wait3A_164 : memref<1x10000x16xf32, #tpu.memory_space<hbm>> -> memref<10000x16xf32, #tpu.memory_space<hbm>>
      %dma_wait3A_166 = arith.constant 0 : i32
      %dma_wait3A_167 = tpu.memref_slice %dma_wait3A_165[%mul3A_153, %dma_wait3A_166] : memref<10000x16xf32, #tpu.memory_space<hbm>> -> memref<200x16xf32, #tpu.memory_space<hbm>>
      %dma_wait3A_168 = arith.constant 0 : i32
      %dma_wait3A_169 = tpu.memref_slice %arg9[%mul3A_153, %dma_wait3A_168] : memref<10000x16xf32, #tpu.memory_space<vmem_shared>> -> memref<200x16xf32, #tpu.memory_space<vmem_shared>>
      tpu.wait_dma2 semaphore(%arg22 : memref<!tpu.dma_semaphore, #tpu.memory_space<semaphore_mem>>) src(%dma_wait3A_169 : memref<200x16xf32, #tpu.memory_space<vmem_shared>>) dst(%dma_wait3A_167 : memref<200x16xf32, #tpu.memory_space<hbm>>)
    }
    %while3A_148 = arith.constant 1 : i32
    scf.for %while3A_149 = %while3A_146 to %while3A_142 step %while3A_148  : i32 {
      %mul3A_150 = arith.muli %while3A_149, %while3A_139 : i32
      %add3A_151 = arith.addi %arg1, %mul3A_150 : i32
      %mul3A_152 = arith.constant 200 : i32
      %mul3A_153 = arith.muli %add3A_151, %mul3A_152 : i32
      %dma_wait3A_154 = arith.constant 0 : i32
      %dma_wait3A_155 = arith.constant 0 : i32
      %dma_wait3A_156 = tpu.memref_slice %arg6[%arg0, %dma_wait3A_154, %dma_wait3A_155] : memref<2x10000x128xf32, #tpu.memory_space<hbm>> -> memref<1x10000x128xf32, #tpu.memory_space<hbm>>
      %dma_wait3A_157 = tpu.memref_squeeze %dma_wait3A_156 : memref<1x10000x128xf32, #tpu.memory_space<hbm>> -> memref<10000x128xf32, #tpu.memory_space<hbm>>
      %dma_wait3A_158 = arith.constant 0 : i32
      %dma_wait3A_159 = tpu.memref_slice %dma_wait3A_157[%mul3A_153, %dma_wait3A_158] : memref<10000x128xf32, #tpu.memory_space<hbm>> -> memref<200x128xf32, #tpu.memory_space<hbm>>
      %dma_wait3A_160 = arith.constant 0 : i32
      %dma_wait3A_161 = tpu.memref_slice %arg8[%mul3A_153, %dma_wait3A_160] : memref<10000x128xf32, #tpu.memory_space<vmem_shared>> -> memref<200x128xf32, #tpu.memory_space<vmem_shared>>
      tpu.wait_dma2 semaphore(%arg22 : memref<!tpu.dma_semaphore, #tpu.memory_space<semaphore_mem>>) src(%dma_wait3A_161 : memref<200x128xf32, #tpu.memory_space<vmem_shared>>) dst(%dma_wait3A_159 : memref<200x128xf32, #tpu.memory_space<hbm>>)
      %dma_wait3A_162 = arith.constant 0 : i32
      %dma_wait3A_163 = arith.constant 0 : i32
      %dma_wait3A_164 = tpu.memref_slice %arg7[%arg0, %dma_wait3A_162, %dma_wait3A_163] : memref<2x10000x16xf32, #tpu.memory_space<hbm>> -> memref<1x10000x16xf32, #tpu.memory_space<hbm>>
      %dma_wait3A_165 = tpu.memref_squeeze %dma_wait3A_164 : memref<1x10000x16xf32, #tpu.memory_space<hbm>> -> memref<10000x16xf32, #tpu.memory_space<hbm>>
      %dma_wait3A_166 = arith.constant 0 : i32
      %dma_wait3A_167 = tpu.memref_slice %dma_wait3A_165[%mul3A_153, %dma_wait3A_166] : memref<10000x16xf32, #tpu.memory_space<hbm>> -> memref<200x16xf32, #tpu.memory_space<hbm>>
      %dma_wait3A_168 = arith.constant 0 : i32
      %dma_wait3A_169 = tpu.memref_slice %arg9[%mul3A_153, %dma_wait3A_168] : memref<10000x16xf32, #tpu.memory_space<vmem_shared>> -> memref<200x16xf32, #tpu.memory_space<vmem_shared>>
      tpu.wait_dma2 semaphore(%arg22 : memref<!tpu.dma_semaphore, #tpu.memory_space<semaphore_mem>>) src(%dma_wait3A_169 : memref<200x16xf32, #tpu.memory_space<vmem_shared>>) dst(%dma_wait3A_167 : memref<200x16xf32, #tpu.memory_space<hbm>>)
    }
    return
  }
}

module attributes {stable_mosaic.version = 14 : i64} {
  func.func @_front_body(%arg0: i32, %arg1: memref<1000x128xf32, #tpu.memory_space<vmem>>, %arg2: memref<128x128xf32, #tpu.memory_space<vmem>>, %arg3: memref<128x128xf32, #tpu.memory_space<vmem>>, %arg4: memref<128x128xf32, #tpu.memory_space<vmem>>, %arg5: memref<8x128xf32, #tpu.memory_space<vmem>>, %arg6: memref<1000x16xf32, #tpu.memory_space<vmem>>, %arg7: memref<1000x144xf32, #tpu.memory_space<vmem>>) attributes {dimension_semantics = [#tpu.dimension_semantics<arbitrary>], iteration_bounds = array<i64: 10>, scalar_prefetch = 0 : i64, scratch_operands = 0 : i64, tpu.core_type = #tpu.core_type<tc>, window_params = [{transform_indices = @transform_0, window_bounds = array<i64: 1000, 128>}, {pipeline_mode = #tpu.pipeline_mode<synchronous>, transform_indices = @transform_1, window_bounds = array<i64: 128, 128>}, {pipeline_mode = #tpu.pipeline_mode<synchronous>, transform_indices = @transform_2, window_bounds = array<i64: 128, 128>}, {pipeline_mode = #tpu.pipeline_mode<synchronous>, transform_indices = @transform_3, window_bounds = array<i64: 128, 128>}, {pipeline_mode = #tpu.pipeline_mode<synchronous>, transform_indices = @transform_4, window_bounds = array<i64: 8, 128>}, {transform_indices = @transform_5, window_bounds = array<i64: 1000, 16>}, {transform_indices = @transform_6, window_bounds = array<i64: 1000, 144>}]} {
    %get3A = arith.constant 0 : index
    %get3A_0 = arith.constant 0 : index
    %get3A_1 = vector.load %arg1[%get3A, %get3A_0] : memref<1000x128xf32, #tpu.memory_space<vmem>>, vector<1000x128xf32>
    %get3A_2 = arith.constant 0 : index
    %get3A_3 = arith.constant 0 : index
    %get3A_4 = vector.load %arg5[%get3A_2, %get3A_3] : memref<8x128xf32, #tpu.memory_space<vmem>>, vector<8x128xf32>
    %get3A_5 = arith.constant 0 : index
    %get3A_6 = arith.constant 0 : index
    %get3A_7 = vector.load %arg2[%get3A_5, %get3A_6] : memref<128x128xf32, #tpu.memory_space<vmem>>, vector<128x128xf32>
    %dot_general3A = arith.constant dense<0.000000e+00> : vector<8x128xf32>
    %dot_general3A_8 = tpu.matmul %get3A_4, %get3A_7, %dot_general3A {dimension_numbers = #tpu.dot_dimension_numbers<[1], [0], [0], [1], [0, 0, 1, 1], [], []>, transpose_lhs_hint = false} : vector<8x128xf32>, vector<128x128xf32>, vector<8x128xf32> -> vector<8x128xf32>
    %get3A_9 = arith.constant 0 : index
    %get3A_10 = arith.constant 0 : index
    %get3A_11 = vector.load %arg3[%get3A_9, %get3A_10] : memref<128x128xf32, #tpu.memory_space<vmem>>, vector<128x128xf32>
    %dot_general3A_12 = arith.constant dense<0.000000e+00> : vector<8x128xf32>
    %dot_general3A_13 = tpu.matmul %get3A_4, %get3A_11, %dot_general3A_12 {dimension_numbers = #tpu.dot_dimension_numbers<[1], [0], [0], [1], [0, 0, 1, 1], [], []>, transpose_lhs_hint = false} : vector<8x128xf32>, vector<128x128xf32>, vector<8x128xf32> -> vector<8x128xf32>
    %broadcast_in_dim3A = arith.constant 0.000000e+00 : f32
    %broadcast_in_dim3A_14 = vector.broadcast %broadcast_in_dim3A : f32 to vector<8x128xf32>
    %concatenate3A = tpu.concatenate %dot_general3A_8, %broadcast_in_dim3A_14 in 0 : vector<8x128xf32>, vector<8x128xf32> -> vector<16x128xf32>
    %get3A_15 = arith.constant 0 : index
    %get3A_16 = arith.constant 0 : index
    %get3A_17 = vector.load %arg4[%get3A_15, %get3A_16] : memref<128x128xf32, #tpu.memory_space<vmem>>, vector<128x128xf32>
    %concatenate3A_18 = tpu.concatenate %get3A_17, %dot_general3A_13, %broadcast_in_dim3A_14 in 0 : vector<128x128xf32>, vector<8x128xf32>, vector<8x128xf32> -> vector<144x128xf32>
    %dot_general3A_19 = arith.constant dense<0.000000e+00> : vector<1000x16xf32>
    %dot_general3A_20 = tpu.matmul %get3A_1, %concatenate3A, %dot_general3A_19 {dimension_numbers = #tpu.dot_dimension_numbers<[1], [1], [0], [0], [0, 0, 1, 0], [], []>, transpose_lhs_hint = false} : vector<1000x128xf32>, vector<16x128xf32>, vector<1000x16xf32> -> vector<1000x16xf32>
    %swap3A = arith.constant 0 : index
    %swap3A_21 = arith.constant 0 : index
    %swap3A_22 = vector.load %arg6[%swap3A, %swap3A_21] : memref<1000x16xf32, #tpu.memory_space<vmem>>, vector<1000x16xf32>
    tpu.vector_store %arg6[%swap3A, %swap3A_21], %dot_general3A_20 {strides = array<i32>} : memref<1000x16xf32, #tpu.memory_space<vmem>>, vector<1000x16xf32>,
    %dot_general3A_23 = arith.constant dense<0.000000e+00> : vector<1000x144xf32>
    %dot_general3A_24 = tpu.matmul %get3A_1, %concatenate3A_18, %dot_general3A_23 {dimension_numbers = #tpu.dot_dimension_numbers<[1], [1], [0], [0], [0, 0, 1, 0], [], []>, transpose_lhs_hint = false} : vector<1000x128xf32>, vector<144x128xf32>, vector<1000x144xf32> -> vector<1000x144xf32>
    %swap3A_25 = arith.constant 0 : index
    %swap3A_26 = arith.constant 0 : index
    %swap3A_27 = vector.load %arg7[%swap3A_25, %swap3A_26] : memref<1000x144xf32, #tpu.memory_space<vmem>>, vector<1000x144xf32>
    tpu.vector_store %arg7[%swap3A_25, %swap3A_26], %dot_general3A_24 {strides = array<i32>} : memref<1000x144xf32, #tpu.memory_space<vmem>>, vector<1000x144xf32>,
    return
  }
  func.func @transform_0(%arg0: i32) -> (i32, i32) {
    %c0_i32 = arith.constant 0 : i32
    %c0_i32_0 = arith.constant 0 : i32
    return %arg0, %c0_i32 : i32, i32
  }
  func.func @transform_1(%arg0: i32) -> (i32, i32) {
    %c0_i32 = arith.constant 0 : i32
    %c0_i32_0 = arith.constant 0 : i32
    %c0_i32_1 = arith.constant 0 : i32
    return %c0_i32, %c0_i32_0 : i32, i32
  }
  func.func @transform_2(%arg0: i32) -> (i32, i32) {
    %c0_i32 = arith.constant 0 : i32
    %c0_i32_0 = arith.constant 0 : i32
    %c0_i32_1 = arith.constant 0 : i32
    return %c0_i32, %c0_i32_0 : i32, i32
  }
  func.func @transform_3(%arg0: i32) -> (i32, i32) {
    %c0_i32 = arith.constant 0 : i32
    %c0_i32_0 = arith.constant 0 : i32
    %c0_i32_1 = arith.constant 0 : i32
    return %c0_i32, %c0_i32_0 : i32, i32
  }
  func.func @transform_4(%arg0: i32) -> (i32, i32) {
    %c0_i32 = arith.constant 0 : i32
    %c0_i32_0 = arith.constant 0 : i32
    %c0_i32_1 = arith.constant 0 : i32
    return %c0_i32, %c0_i32_0 : i32, i32
  }
  func.func @transform_5(%arg0: i32) -> (i32, i32) {
    %c0_i32 = arith.constant 0 : i32
    %c0_i32_0 = arith.constant 0 : i32
    return %arg0, %c0_i32 : i32, i32
  }
  func.func @transform_6(%arg0: i32) -> (i32, i32) {
    %c0_i32 = arith.constant 0 : i32
    %c0_i32_0 = arith.constant 0 : i32
    return %arg0, %c0_i32 : i32, i32
  }
}

module attributes {stable_mosaic.version = 14 : i64} {
  func.func @_final_body(%arg0: i32, %arg1: memref<2x1000x128xf32, #tpu.memory_space<vmem>>, %arg2: memref<2x1000x16xf32, #tpu.memory_space<vmem>>, %arg3: memref<1000x128xf32, #tpu.memory_space<vmem>>, %arg4: memref<128x128xf32, #tpu.memory_space<vmem>>, %arg5: memref<1x128xf32, #tpu.memory_space<vmem>>, %arg6: memref<128x128xf32, #tpu.memory_space<vmem>>, %arg7: memref<1x128xf32, #tpu.memory_space<vmem>>, %arg8: memref<1x128xf32, #tpu.memory_space<vmem>>, %arg9: memref<1x128xf32, #tpu.memory_space<vmem>>, %arg10: memref<1000x128xf32, #tpu.memory_space<vmem>>) attributes {dimension_semantics = [#tpu.dimension_semantics<arbitrary>], iteration_bounds = array<i64: 10>, scalar_prefetch = 0 : i64, scratch_operands = 0 : i64, tpu.core_type = #tpu.core_type<tc>, window_params = [{transform_indices = @transform_0, window_bounds = array<i64: 2, 1000, 128>}, {transform_indices = @transform_1, window_bounds = array<i64: 2, 1000, 16>}, {transform_indices = @transform_2, window_bounds = array<i64: 1000, 128>}, {pipeline_mode = #tpu.pipeline_mode<synchronous>, transform_indices = @transform_3, window_bounds = array<i64: 128, 128>}, {pipeline_mode = #tpu.pipeline_mode<synchronous>, transform_indices = @transform_4, window_bounds = array<i64: 1, 128>}, {pipeline_mode = #tpu.pipeline_mode<synchronous>, transform_indices = @transform_5, window_bounds = array<i64: 128, 128>}, {pipeline_mode = #tpu.pipeline_mode<synchronous>, transform_indices = @transform_6, window_bounds = array<i64: 1, 128>}, {pipeline_mode = #tpu.pipeline_mode<synchronous>, transform_indices = @transform_7, window_bounds = array<i64: 1, 128>}, {pipeline_mode = #tpu.pipeline_mode<synchronous>, transform_indices = @transform_8, window_bounds = array<i64: 1, 128>}, {transform_indices = @transform_9, window_bounds = array<i64: 1000, 128>}]} {
    %get3A = arith.constant 0 : index
    %get3A_0 = arith.constant 0 : index
    %get3A_1 = arith.constant 0 : index
    %get3A_2 = vector.load %arg1[%get3A, %get3A_0, %get3A_1] : memref<2x1000x128xf32, #tpu.memory_space<vmem>>, vector<1x1000x128xf32>
    %get3A_3 = vector.shape_cast %get3A_2 : vector<1x1000x128xf32> to vector<1000x128xf32>
    %get3A_4 = arith.constant 1 : index
    %get3A_5 = arith.constant 0 : index
    %get3A_6 = arith.constant 0 : index
    %get3A_7 = vector.load %arg1[%get3A_4, %get3A_5, %get3A_6] : memref<2x1000x128xf32, #tpu.memory_space<vmem>>, vector<1x1000x128xf32>
    %get3A_8 = vector.shape_cast %get3A_7 : vector<1x1000x128xf32> to vector<1000x128xf32>
    %add3A = arith.addf %get3A_3, %get3A_8 : vector<1000x128xf32>
    %get3A_9 = arith.constant 0 : index
    %get3A_10 = arith.constant 0 : index
    %get3A_11 = arith.constant 0 : index
    %get3A_12 = vector.load %arg2[%get3A_9, %get3A_10, %get3A_11] : memref<2x1000x16xf32, #tpu.memory_space<vmem>>, vector<1x1000x16xf32>
    %get3A_13 = vector.shape_cast %get3A_12 : vector<1x1000x16xf32> to vector<1000x16xf32>
    %get3A_14 = arith.constant 1 : index
    %get3A_15 = arith.constant 0 : index
    %get3A_16 = arith.constant 0 : index
    %get3A_17 = vector.load %arg2[%get3A_14, %get3A_15, %get3A_16] : memref<2x1000x16xf32, #tpu.memory_space<vmem>>, vector<1x1000x16xf32>
    %get3A_18 = vector.shape_cast %get3A_17 : vector<1x1000x16xf32> to vector<1000x16xf32>
    %add3A_19 = arith.addf %get3A_13, %get3A_18 : vector<1000x16xf32>
    %add3A_20 = arith.constant 9.99999996E-13 : f32
    %add3A_21 = vector.broadcast %add3A_20 : f32 to vector<1000x16xf32>
    %add3A_22 = arith.addf %add3A_19, %add3A_21 : vector<1000x16xf32>
    %div3A = arith.constant 1.000000e+00 : f32
    %div3A_23 = vector.broadcast %div3A : f32 to vector<1000x16xf32>
    %div3A_24 = arith.divf %div3A_23, %add3A_22 : vector<1000x16xf32>
    %iota3A = tpu.iota {dimensions = array<i32: 0>} : vector<16x128xi32>
    %iota3A_25 = tpu.iota {dimensions = array<i32: 1>} : vector<16x128xi32>
    %jit3A = arith.constant 16 : i32
    %div3A_26 = vector.broadcast %jit3A : i32 to vector<16x128xi32>
    %div3A_27 = arith.divsi %iota3A_25, %div3A_26 : vector<16x128xi32>
    %sign3A = arith.constant 0 : i32
    %sign3A_28 = vector.broadcast %sign3A : i32 to vector<16x128xi32>
    %sign3A_29 = arith.cmpi sgt, %iota3A_25, %sign3A_28 : vector<16x128xi32>
    %sign3A_30 = arith.extui %sign3A_29 : vector<16x128xi1> to vector<16x128xi32>
    %sign3A_31 = arith.constant 0 : i32
    %sign3A_32 = vector.broadcast %sign3A_31 : i32 to vector<16x128xi32>
    %sign3A_33 = arith.cmpi slt, %iota3A_25, %sign3A_32 : vector<16x128xi32>
    %sign3A_34 = arith.extui %sign3A_33 : vector<16x128xi1> to vector<16x128xi32>
    %sign3A_35 = arith.subi %sign3A_30, %sign3A_34 : vector<16x128xi32>
    %sign3A_36 = arith.constant 0 : i32
    %sign3A_37 = arith.cmpi sgt, %jit3A, %sign3A_36 : i32
    %sign3A_38 = arith.extui %sign3A_37 : i1 to i32
    %sign3A_39 = arith.constant 0 : i32
    %sign3A_40 = arith.cmpi slt, %jit3A, %sign3A_39 : i32
    %sign3A_41 = arith.extui %sign3A_40 : i1 to i32
    %sign3A_42 = arith.subi %sign3A_38, %sign3A_41 : i32
    %ne3A = vector.broadcast %sign3A_42 : i32 to vector<16x128xi32>
    %ne3A_43 = arith.cmpi ne, %sign3A_35, %ne3A : vector<16x128xi32>
    %rem3A = vector.broadcast %jit3A : i32 to vector<16x128xi32>
    %rem3A_44 = arith.remsi %iota3A_25, %rem3A : vector<16x128xi32>
    %ne3A_45 = arith.constant 0 : i32
    %ne3A_46 = vector.broadcast %ne3A_45 : i32 to vector<16x128xi32>
    %ne3A_47 = arith.cmpi ne, %rem3A_44, %ne3A_46 : vector<16x128xi32>
    %and3A = arith.andi %ne3A_43, %ne3A_47 : vector<16x128xi1>
    %sub3A = arith.constant 1 : i32
    %sub3A_48 = vector.broadcast %sub3A : i32 to vector<16x128xi32>
    %sub3A_49 = arith.subi %div3A_27, %sub3A_48 : vector<16x128xi32>
    %select_n3A = arith.select %and3A, %sub3A_49, %div3A_27 : vector<16x128xi1>, vector<16x128xi32>
    %eq3A = arith.cmpi eq, %select_n3A, %iota3A : vector<16x128xi32>
    %lt3A = arith.constant 8 : i32
    %lt3A_50 = vector.broadcast %lt3A : i32 to vector<16x128xi32>
    %lt3A_51 = arith.cmpi slt, %iota3A, %lt3A_50 : vector<16x128xi32>
    %and3A_52 = arith.andi %eq3A, %lt3A_51 : vector<16x128xi1>
    %convert_element_type3A = arith.extui %and3A_52 : vector<16x128xi1> to vector<16x128xi32>
    %convert_element_type3A_53 = arith.sitofp %convert_element_type3A : vector<16x128xi32> to vector<16x128xf32>
    %dot_general3A = arith.constant dense<0.000000e+00> : vector<1000x128xf32>
    %dot_general3A_54 = tpu.matmul %div3A_24, %convert_element_type3A_53, %dot_general3A {dimension_numbers = #tpu.dot_dimension_numbers<[1], [0], [0], [1], [0, 0, 1, 1], [], []>, transpose_lhs_hint = false} : vector<1000x16xf32>, vector<16x128xf32>, vector<1000x128xf32> -> vector<1000x128xf32>
    %mul3A = arith.mulf %add3A, %dot_general3A_54 : vector<1000x128xf32>
    %get3A_55 = arith.constant 0 : index
    %get3A_56 = arith.constant 0 : index
    %get3A_57 = vector.load %arg4[%get3A_55, %get3A_56] : memref<128x128xf32, #tpu.memory_space<vmem>>, vector<128x128xf32>
    %dot_general3A_58 = arith.constant dense<0.000000e+00> : vector<1000x128xf32>
    %dot_general3A_59 = tpu.matmul %mul3A, %get3A_57, %dot_general3A_58 {dimension_numbers = #tpu.dot_dimension_numbers<[1], [1], [0], [0], [0, 0, 1, 0], [], []>, transpose_lhs_hint = false} : vector<1000x128xf32>, vector<128x128xf32>, vector<1000x128xf32> -> vector<1000x128xf32>
    %get3A_60 = arith.constant 0 : index
    %get3A_61 = arith.constant 0 : index
    %get3A_62 = vector.load %arg5[%get3A_60, %get3A_61] : memref<1x128xf32, #tpu.memory_space<vmem>>, vector<1x128xf32>
    %add3A_63 = vector.broadcast %get3A_62 : vector<1x128xf32> to vector<1000x128xf32>
    %add3A_64 = arith.addf %dot_general3A_59, %add3A_63 : vector<1000x128xf32>
    %get3A_65 = arith.constant 0 : index
    %get3A_66 = arith.constant 0 : index
    %get3A_67 = vector.load %arg3[%get3A_65, %get3A_66] : memref<1000x128xf32, #tpu.memory_space<vmem>>, vector<1000x128xf32>
    %get3A_68 = arith.constant 0 : index
    %get3A_69 = arith.constant 0 : index
    %get3A_70 = vector.load %arg6[%get3A_68, %get3A_69] : memref<128x128xf32, #tpu.memory_space<vmem>>, vector<128x128xf32>
    %dot_general3A_71 = arith.constant dense<0.000000e+00> : vector<1000x128xf32>
    %dot_general3A_72 = tpu.matmul %get3A_67, %get3A_70, %dot_general3A_71 {dimension_numbers = #tpu.dot_dimension_numbers<[1], [1], [0], [0], [0, 0, 1, 0], [], []>, transpose_lhs_hint = false} : vector<1000x128xf32>, vector<128x128xf32>, vector<1000x128xf32> -> vector<1000x128xf32>
    %add3A_73 = arith.addf %add3A_64, %dot_general3A_72 : vector<1000x128xf32>
    %get3A_74 = arith.constant 0 : index
    %get3A_75 = arith.constant 0 : index
    %get3A_76 = vector.load %arg7[%get3A_74, %get3A_75] : memref<1x128xf32, #tpu.memory_space<vmem>>, vector<1x128xf32>
    %add3A_77 = vector.broadcast %get3A_76 : vector<1x128xf32> to vector<1000x128xf32>
    %add3A_78 = arith.addf %add3A_73, %add3A_77 : vector<1000x128xf32>
    %reduce_sum3A = arith.constant dense<0.000000e+00> : vector<1000xf32>
    %reduce_sum3A_79 = vector.multi_reduction <add>, %add3A_78, %reduce_sum3A [1] : vector<1000x128xf32> to vector<1000xf32>
    %broadcast_in_dim3A = vector.shape_cast %reduce_sum3A_79 : vector<1000xf32> to vector<1000x1xf32>
    %div3A_80 = arith.constant 1.280000e+02 : f32
    %div3A_81 = vector.broadcast %div3A_80 : f32 to vector<1000x1xf32>
    %div3A_82 = arith.divf %broadcast_in_dim3A, %div3A_81 : vector<1000x1xf32>
    %sub3A_83 = vector.broadcast %div3A_82 : vector<1000x1xf32> to vector<1000x128xf32>
    %sub3A_84 = arith.subf %add3A_78, %sub3A_83 : vector<1000x128xf32>
    %mul3A_85 = arith.mulf %sub3A_84, %sub3A_84 : vector<1000x128xf32>
    %reduce_sum3A_86 = arith.constant dense<0.000000e+00> : vector<1000xf32>
    %reduce_sum3A_87 = vector.multi_reduction <add>, %mul3A_85, %reduce_sum3A_86 [1] : vector<1000x128xf32> to vector<1000xf32>
    %broadcast_in_dim3A_88 = vector.shape_cast %reduce_sum3A_87 : vector<1000xf32> to vector<1000x1xf32>
    %div3A_89 = arith.constant 1.280000e+02 : f32
    %div3A_90 = vector.broadcast %div3A_89 : f32 to vector<1000x1xf32>
    %div3A_91 = arith.divf %broadcast_in_dim3A_88, %div3A_90 : vector<1000x1xf32>
    %add3A_92 = arith.constant 9.99999974E-6 : f32
    %add3A_93 = vector.broadcast %add3A_92 : f32 to vector<1000x1xf32>
    %add3A_94 = arith.addf %div3A_91, %add3A_93 : vector<1000x1xf32>
    %rsqrt3A = math.rsqrt %add3A_94 : vector<1000x1xf32>
    %mul3A_95 = vector.broadcast %rsqrt3A : vector<1000x1xf32> to vector<1000x128xf32>
    %mul3A_96 = arith.mulf %sub3A_84, %mul3A_95 : vector<1000x128xf32>
    %get3A_97 = arith.constant 0 : index
    %get3A_98 = arith.constant 0 : index
    %get3A_99 = vector.load %arg8[%get3A_97, %get3A_98] : memref<1x128xf32, #tpu.memory_space<vmem>>, vector<1x128xf32>
    %mul3A_100 = vector.broadcast %get3A_99 : vector<1x128xf32> to vector<1000x128xf32>
    %mul3A_101 = arith.mulf %mul3A_96, %mul3A_100 : vector<1000x128xf32>
    %get3A_102 = arith.constant 0 : index
    %get3A_103 = arith.constant 0 : index
    %get3A_104 = vector.load %arg9[%get3A_102, %get3A_103] : memref<1x128xf32, #tpu.memory_space<vmem>>, vector<1x128xf32>
    %add3A_105 = vector.broadcast %get3A_104 : vector<1x128xf32> to vector<1000x128xf32>
    %add3A_106 = arith.addf %mul3A_101, %add3A_105 : vector<1000x128xf32>
    %swap3A = arith.constant 0 : index
    %swap3A_107 = arith.constant 0 : index
    %swap3A_108 = vector.load %arg10[%swap3A, %swap3A_107] : memref<1000x128xf32, #tpu.memory_space<vmem>>, vector<1000x128xf32>
    tpu.vector_store %arg10[%swap3A, %swap3A_107], %add3A_106 {strides = array<i32>} : memref<1000x128xf32, #tpu.memory_space<vmem>>, vector<1000x128xf32>,
    return
  }
  func.func @transform_0(%arg0: i32) -> (i32, i32, i32) {
    %c0_i32 = arith.constant 0 : i32
    %c0_i32_0 = arith.constant 0 : i32
    %c0_i32_1 = arith.constant 0 : i32
    return %c0_i32, %arg0, %c0_i32_0 : i32, i32, i32
  }
  func.func @transform_1(%arg0: i32) -> (i32, i32, i32) {
    %c0_i32 = arith.constant 0 : i32
    %c0_i32_0 = arith.constant 0 : i32
    %c0_i32_1 = arith.constant 0 : i32
    return %c0_i32, %arg0, %c0_i32_0 : i32, i32, i32
  }
  func.func @transform_2(%arg0: i32) -> (i32, i32) {
    %c0_i32 = arith.constant 0 : i32
    %c0_i32_0 = arith.constant 0 : i32
    return %arg0, %c0_i32 : i32, i32
  }
  func.func @transform_3(%arg0: i32) -> (i32, i32) {
    %c0_i32 = arith.constant 0 : i32
    %c0_i32_0 = arith.constant 0 : i32
    %c0_i32_1 = arith.constant 0 : i32
    return %c0_i32, %c0_i32_0 : i32, i32
  }
  func.func @transform_4(%arg0: i32) -> (i32, i32) {
    %c0_i32 = arith.constant 0 : i32
    %c0_i32_0 = arith.constant 0 : i32
    %c0_i32_1 = arith.constant 0 : i32
    return %c0_i32, %c0_i32_0 : i32, i32
  }
  func.func @transform_5(%arg0: i32) -> (i32, i32) {
    %c0_i32 = arith.constant 0 : i32
    %c0_i32_0 = arith.constant 0 : i32
    %c0_i32_1 = arith.constant 0 : i32
    return %c0_i32, %c0_i32_0 : i32, i32
  }
  func.func @transform_6(%arg0: i32) -> (i32, i32) {
    %c0_i32 = arith.constant 0 : i32
    %c0_i32_0 = arith.constant 0 : i32
    %c0_i32_1 = arith.constant 0 : i32
    return %c0_i32, %c0_i32_0 : i32, i32
  }
  func.func @transform_7(%arg0: i32) -> (i32, i32) {
    %c0_i32 = arith.constant 0 : i32
    %c0_i32_0 = arith.constant 0 : i32
    %c0_i32_1 = arith.constant 0 : i32
    return %c0_i32, %c0_i32_0 : i32, i32
  }
  func.func @transform_8(%arg0: i32) -> (i32, i32) {
    %c0_i32 = arith.constant 0 : i32
    %c0_i32_0 = arith.constant 0 : i32
    %c0_i32_1 = arith.constant 0 : i32
    return %c0_i32, %c0_i32_0 : i32, i32
  }
  func.func @transform_9(%arg0: i32) -> (i32, i32) {
    %c0_i32 = arith.constant 0 : i32
    %c0_i32_0 = arith.constant 0 : i32
    return %arg0, %c0_i32 : i32, i32
  }
}

</mosaic_0001>

<sc_bundles>
// kernel: kernel.5.cloned.1.call-start
scs
__scs_entry_jumppad:
0x0: {  	(pc) =	sbr.rel $0x88, $3  }
0x1: {  	(tag) =	ssettag $0x0;
	lr =	simm.s32 $0x1  }
0x2: {  	[smem:$0x3F95] =	sst lr;
	_ =	strace $0xD0000000  }
0x3: {  	_ = 	snop  }
0x4: {  	_ = 	snop  }
0x5: {  	_ = 	snop  }
0x6: {  	_ = 	snop  }
0x7: {  	_ = 	snop  }
__scs_overlays_trampoline_lowered:
0x8: {  	[smem:$0x3FA4] =	sst s0  }
0x9: {  	[smem:$0x3FA5] =	sst s1  }
0xa: {  	[smem:$0x3FA6] =	sst s2  }
0xb: {  	[smem:$0x3FA7] =	sst s3  }
0xc: {  	[smem:$0x3FA8] =	sst s4  }
0xd: {  	[smem:$0x3FA9] =	sst s5  }
0xe: {  	[smem:$0x3FAA] =	sst s6  }
0xf: {  	[smem:$0x3FAB] =	sst s7  }
0x10: {  	[smem:$0x3FAC] =	sst s8  }
0x11: {  	[smem:$0x3FAD] =	sst s9;
	s0 =	simm.s32 @!p0 $0x0  }
0x12: {  	s1 =	sld [smem:$0x3F93];
	s0 =	simm.s32 @p0 $0x1  }
0x13: {  	[smem:$0x3FAE] =	sst s0;
	s0 =	simm.s32 @!p1 $0x0  }
0x14: {  	s2 =	sld [smem:$0x3F92];
	s0 =	simm.s32 @p1 $0x1  }
0x15: {  	[smem:$0x3FAF] =	sst s0;
	s0 =	simm.s32 @!p2 $0x0  }
0x16: {  	s3 =	sld [smem:$0x3FDB];
	s0 =	simm.s32 @p2 $0x1  }
0x17: {  	s4 =	simm.s32 $0x1BF5;
	[smem:$0x3FB1] =	sst s0  }
0x18: {  	s0 =	sld [smem:$0x3F94];
	_ =	swait.ge [sflag:s4], $0x0  }
0x19: {  	s7 =	sld [smem:$0x3F95]  }
0x1a: {  	s8 =	sadd.s32 $0xFFFFE003, lr  }
0x1b: {  	s9 =	sadd.s32 $0xFFFFFEF7, lr;
	s5 =	simm.s32 $0xFFFFFFFF;
	p2 =	slt.u32 s8, $0xFFFFF086  }
0x1c: {  	p1 =	slt.u32 s9, $0xF7A;
	s5 =	simm.s32 @!p2 $0x0  }
0x1d: {  	s5 =	simm.s32 @p1 $0x1;
	p0 =	seq.s32 s7, s2  }
0x1e: {  	s7 =	smul.u32 @!p0 $0xF7A, s2;
	p2 =	seq.s32 @!p0 s5, $0x0  }
0x1f: {  	s9 =	smul.u32 $0xF7A, s1;
	s8 =	simm.s32 @!p0 $0x1BF5;
	p2 =	por !p2, p0  }
0x20: {  	[sflag:s8] =	ssyncset.s32 @!p0 $0xFFFFF086;
	s6 =	sadd.s32 @!p0 s3, s7;
	s7 =	simm.s32 @!p0 $0x108  }
0x21: {  	s3 =	sadd.s32 s3, s9;
	s6 =	sadd.s32 @!p0 $0x88, s6;
	s7 =	simm.s32 @p2 $0x1082  }
0x22: {  	[simem:s7], [sflag:s8] =	dma.local @!p0 [hbm:s6], $0xF7A  }
0x23: {  	s9 =	sor.u32 $0xD0000000, s2;
	s6 =	simm.s32 $0x108;
	_ =	swait.ge @!p0 [sflag:s8], $0x0  }
0x24: {  	s3 =	sadd.s32 $0x88, s3;
	s6 =	simm.s32 @!p1 $0x1082;
	[sflag:s4] =	ssyncset.s32 $0xFFFFF086  }
0x25: {  	[simem:s6], [sflag:s4] =	dma.local [hbm:s3], $0xF7A  }
0x26: {  	[smem:$0x3F95] =	sst s1;
	(tag) =	ssettag s2;
	_ =	strace s9  }
0x27: {  	s1 =	sld [smem:$0x3FA5]  }
0x28: {  	s2 =	sld [smem:$0x3FA6]  }
0x29: {  	s4 =	sld [smem:$0x3FA8]  }
0x2a: {  	p0 =	seq.s32 s5, $0x0;
	s5 =	sld [smem:$0x3FA9]  }
0x2b: {  	s6 =	sld [smem:$0x3FAA]  }
0x2c: {  	s7 =	sld [smem:$0x3FAB]  }
0x2d: {  	s3 =	simm.s32 $0x108;
	s8 =	sld [smem:$0x3FAC]  }
0x2e: {  	s3 =	simm.s32 @!p0 $0x1082;
	s9 =	sld [smem:$0x3FAD]  }
0x2f: {  	lr =	sadd.s32 s0, s3;
	s0 =	sld [smem:$0x3FA4]  }
0x30: {  	s3 =	sld [smem:$0x3FA7]  }
0x31: {  	[smem:$0x3FB0] =	sst s10  }
0x32: {  	s10 =	sld [smem:$0x3FAE];
	_ =	sdelay $0x3  }
0x33: {  	p0 =	seq.s32 s10, $0x1;
	s10 =	sld [smem:$0x3FB0];
	_ =	sdelay $0x3  }
0x34: {  	[smem:$0x3FB0] =	sst s10  }
0x35: {  	s10 =	sld [smem:$0x3FAF];
	_ =	sdelay $0x3  }
0x36: {  	p1 =	seq.s32 s10, $0x1;
	s10 =	sld [smem:$0x3FB0];
	_ =	sdelay $0x3  }
0x37: {  	[smem:$0x3FB0] =	sst s10  }
0x38: {  	s10 =	sld [smem:$0x3FB1]  }
0x39: {  	_ = 	snop;
	(pc) =	sbr.ind lr, $3  }
0x3a: {  	_ = 	snop  }
0x3b: {  	_ = 	snop  }
0x3c: {  	p2 =	seq.s32 s10, $0x1;
	s10 =	sld [smem:$0x3FB0]  }
0x3d: {  	_ =	shalt  }
0x3e: {  	_ =	shalt  }
0x3f: {  	_ =	shalt  }
0x40: {  	_ =	shalt  }
0x41: {  	_ =	shalt  }
0x42: {  	_ =	shalt  }
0x43: {  	_ =	shalt  }
0x44: {  	_ =	shalt  }
0x45: {  	_ =	shalt  }
0x46: {  	_ =	shalt  }
0x47: {  	_ =	shalt  }
0x48: {  	_ =	shalt  }
0x49: {  	_ =	shalt  }
0x4a: {  	_ =	shalt  }
0x4b: {  	_ =	shalt  }
0x4c: {  	_ =	shalt  }
0x4d: {  	_ =	shalt  }
0x4e: {  	_ =	shalt  }
0x4f: {  	_ =	shalt  }
0x50: {  	_ =	shalt  }
0x51: {  	_ =	shalt  }
0x52: {  	_ =	shalt  }
0x53: {  	_ =	shalt  }
0x54: {  	_ =	shalt  }
0x55: {  	_ =	shalt  }
0x56: {  	_ =	shalt  }
0x57: {  	_ =	shalt  }
0x58: {  	_ =	shalt  }
0x59: {  	_ =	shalt  }
0x5a: {  	_ =	shalt  }
0x5b: {  	_ =	shalt  }
0x5c: {  	_ =	shalt  }
0x5d: {  	_ =	shalt  }
0x5e: {  	_ =	shalt  }
0x5f: {  	_ =	shalt  }
0x60: {  	_ =	shalt  }
0x61: {  	_ =	shalt  }
0x62: {  	_ =	shalt  }
0x63: {  	_ =	shalt  }
0x64: {  	_ =	shalt  }
0x65: {  	_ =	shalt  }
0x66: {  	_ =	shalt  }
0x67: {  	_ =	shalt  }
0x68: {  	_ =	shalt  }
0x69: {  	_ =	shalt  }
0x6a: {  	_ =	shalt  }
0x6b: {  	_ =	shalt  }
0x6c: {  	_ =	shalt  }
0x6d: {  	_ =	shalt  }
0x6e: {  	_ =	shalt  }
0x6f: {  	_ =	shalt  }
0x70: {  	_ =	shalt  }
0x71: {  	_ =	shalt  }
0x72: {  	_ =	shalt  }
0x73: {  	_ =	shalt  }
0x74: {  	_ =	shalt  }
0x75: {  	_ =	shalt  }
0x76: {  	_ =	shalt  }
0x77: {  	_ =	shalt  }
0x78: {  	_ =	shalt  }
0x79: {  	_ =	shalt  }
0x7a: {  	_ =	shalt  }
0x7b: {  	_ =	shalt  }
0x7c: {  	_ =	shalt  }
0x7d: {  	_ =	shalt  }
0x7e: {  	_ =	shalt  }
0x7f: {  	_ =	shalt  }
0x80: {  	_ =	shalt  }
0x81: {  	_ =	shalt  }
0x82: {  	_ =	shalt  }
0x83: {  	_ =	shalt  }
0x84: {  	_ =	shalt  }
0x85: {  	_ =	shalt  }
0x86: {  	_ =	shalt  }
0x87: {  	_ =	shalt  }
.Lfunc_end0:
.L_simem_size_0:
called_computation_lowered:
.L_overlay_start_0:
0x88: {  	s2 =	sld [smem:$0x3FD9]  }
0x89: {  	s3 =	sld [smem:$0x3FFE];
	_ =	sdelay $0x1  }
0x8a: {  	s1 =	srdreg.scid  }
0x8b: {  	s0 =	sand.u32 $0x1, s1  }
0x8c: {  	s17 =	sshll.u32 s0, $0xA;
	s2 =	sadd.s32 s3, s2  }
0x8d: {  	s2 =	sadd.s32 s2, s17  }
0x8e: {  	[smem:$0x3FBC] =	sst s2  }
0x8f: {  	_ = 	snop  }
0x90: {  	s2 =	sld [smem:$0x3FD0];
	(tm) =	ssettm $0x1  }
0x91: {  	s18 =	sld [smem:$0x3FFB];
	_ =	sdelay $0x3  }
0x92: {  	_ =	strace s18  }
0x93: {  	s3 =	sld [smem:$0x3FFC];
	_ =	sdelay $0x3  }
0x94: {  	_ =	strace s3  }
0x95: {  	s3 =	sld [smem:$0x3FFD];
	_ =	sdelay $0x3  }
0x96: {  	_ =	strace s3  }
0x97: {  	_ =	strace $0x8FFFFFFF  }
0x98: {  	s19 =	sld [smem:$0x3FDB];
	_ =	sdelay $0x1  }
0x99: {  	s4 =	simm.s32 $_scs_section_size  }
0x9a: {  	s5 =	simm.s32 $_size__tile_overlayer_lowered;
	s6 =	simm.s32 $_tile_overlayer_lowered  }
0x9b: {  	s22 =	simm.s32 $0x1BFF;
	s21 =	sshll.u32 s6, $0x1;
	s3 =	sadd.s32 s4, s19  }
0x9c: {  	s7 =	simm.s32 $0x0;
	s20 =	sshll.u32 s5, $0x1;
	s5 =	sadd.s32 s21, s3  }
0x9d: {  	[timem:s7], [sflag:s22] =	dma.local [hbm:s5], s20  }
0x9e: {  	_ =	swait.ge [sflag:s22], s20  }
0x9f: {  	s4 =	ssub.s32 $0x0, s20;
	[sflag:s22] =	ssyncset.done $0x0  }
0xa0: {  	[sflag:s22] =	ssyncadd.s32 s4;
	_ =	sdelay $0x1  }
0xa1: {  	s23 =	simm.s32 $0x1B8B  }
0xa2: {  	_ =	swait.ge [sflag:s23], $0x1  }
0xa3: {  	[sflag:s23] =	ssyncset.done $0x0  }
0xa4: {  	s25 =	simm.s32 $0x1B8E;
	s24 =	sld [smem:$0x3FFE];
	[sflag:s23] =	ssyncadd.s32 $0xFFFFFFFF  }
0xa5: {  	s26 =	simm.s32 $execute0_lowered;
	[smem:$0x3FD2] =	sst s25  }
0xa6: {  	s5 =	sshll.u32 s26, $0x1;
	_ =	strace $0x80000046;
	[dreg:$0x1] =	wrdreg $0xFFFFFFFF  }
0xa7: {  	s28 =	simm.s32 $_size_execute0_lowered;
	s3 =	sadd.s32 s3, s5;
	[dreg:$0x0] =	wrdreg $0x0  }
0xa8: {  	s5 =	sshll.u32 s28, $0x1;
	[dreg:$0x2] =	wrdreg s3  }
0xa9: {  	[dreg:$0x3] =	wrdreg s5  }
0xaa: {  	[dreg:$0x4] =	wrdreg $0xC0  }
0xab: {  	_ =	task [dreg:s7], $0x5FFFF  }
0xac: {  	[dreg:$0x1] =	wrdreg $0xFFFFFFFF  }
0xad: {  	[dreg:$0x0] =	wrdreg $0x60  }
0xae: {  	[dreg:$0x2] =	wrdreg s24  }
0xaf: {  	[dreg:$0x3] =	wrdreg s2  }
0xb0: {  	[dreg:$0x4] =	wrdreg $0x0  }
0xb1: {  	[dreg:$0x5] =	wrdreg $0x138800  }
0xb2: {  	[dreg:$0x6] =	wrdreg $0x9  }
0xb3: {  	_ =	task.clear_ibuf [dreg:s7], $0x7FFFF;
	_ =	strace $0x90000046  }
0xb4: {  	s29 =	simm.s32 $0x9;
	_ =	strace $0x80000048  }
0xb5: {  	_ =	swait.ge [sflag:s29], $0x1  }
0xb6: {  	[sflag:s29] =	ssyncadd.s32 $0xFFFFFFFF  }
0xb7: {  	_ =	strace $0x90000048  }
0xb8: {  	_ =	sfence  }
0xb9: {  	s30 =	sld [smem:$0x0];
	_ =	sdelay $0x2  }
0xba: {  	s31 =	sshll.u32 s1, $0xD;
	s1 =	sshrl.u32 s1, $0x2  }
0xbb: {  	s3 =	sand.u32 $0x4000, s31;
	s1 =	sadd.s32 s1, s30  }
0xbc: {  	s0 =	sor.u32 s3, s0;
	s1 =	sshll.u32 s1, $0x11  }
0xbd: {  	s0 =	sor.u32 s1, s0  }
0xbe: {  	s0 =	sadd.s32 $0x8F2B, s0  }
0xbf: {  	[sflag:s0] =	ssyncadd.remote.s32 $0x1  }
0xc0: {  	_ =	sfence.sel $0xFFFF  }
0xc1: {  	[dreg:$0x0] =	wrdreg $0xFFFFFFFF;
	(pc) =	sbr.abs _section_cstart, $3  }
0xc2: {  	[dreg:$0x1] =	wrdreg $0xFFFFFFFF  }
0xc3: {  	_ =	task.clear_ibuf [dreg:s7], $0x2FFFF;
	_ =	strace $0x9FFFFFFF  }
0xc4: {  	(tm) =	ssettm $0x7FFFFFFF  }
0xc5: {  	_ =	shalt  }
tec
execute0_lowered:
.L_overlay_start_1:
0x0: {  	(tag) =	ssettag $0x1  }
0x1: {  	s0 =	rddreg [dreg:$0x0]  }
0x2: {  	s9 =	rddreg [dreg:$0x1]  }
0x3: {  	s2 =	rddreg [dreg:$0x2]  }
0x4: {  	s3 =	rddreg [dreg:$0x3];
	s1 =	simm.s32 $0x0;
	s16 =	srdreg.scid  }
0x5: {  	s10 =	stileid.u32;
	s29 =	simm.s32 $0x28;
	[smem:$0x7FF] =	sst s1  }
0x6: {  	s6 =	sadd.s32 $0xB800, s0;
	s7 =	sadd.s32 $0x37800, s0;
	s22 =	smul.u32 $0x19000, s10  }
0x7: {  	s1 =	sand.u32 $0x1, s16;
	s11 =	sadd.s32 $0x1A00, s0;
	s24 =	smul.u32 $0x3200, s10  }
0x8: {  	s18 =	ssub.s32 $0x4F1, s10;
	s21 =	ssub.s32 $0x41, s10;
	s30 =	smul.u32 $0xC80, s10  }
0x9: {  	s23 =	sshll.u32 s10, $0xA;
	s25 =	sshll.u32 s10, $0x7;
	s31 =	smul.u32 $0x190, s10  }
0xa: {  	_ =	strace $0x80000047;
	s4 =	smul.u32 $0x27100, s1;
	s5 =	sshll.u32 s1, $0x4  }
0xb: {  	s8 =	smul.u32 $0x4E20, s1;
	s1 =	ssub.s32 $0x2, s1;
	s13 =	sshrl.u32 s18, $0x4  }
0xc: {  	[dreg:$0x5] =	wrdreg s11;
	s15 =	sshrl.u32 s21, $0x4;
	s21 =	simm.s32 $0x1DDD0  }
0xd: {  	s5 =	sor.u32 s10, s5;
	s17 =	sshrl.u32 s1, $0x1;
	[dreg:$0x10] =	wrdreg s31  }
0xe: {  	s26 =	sshrl.u32 s22, $0x2;
	[dreg:$0x7] =	wrdreg s13;
	s12 =	smul.u32 $0x2710, s5  }
0xf: {  	[dreg:$0xa] =	wrdreg s15;
	s4 =	sadd.s32 s4, s0;
	s1 =	ssub.s32 s1, s17  }
0x10: {  	s0 =	sadd.s32 s8, s0;
	s1 =	smax.u32 s1, $0x1;
	[dreg:$0x6] =	wrdreg s12  }
0x11: {  	s14 =	sadd.s32 $0x3C800, s0;
	s0 =	sadd.s32 s23, s2;
	[dreg:$0xb] =	wrdreg s1  }
0x12: {  	s28 =	sshrl.u32 s24, $0x2;
	[dreg:$0xc] =	wrdreg s0;
	s0 =	sadd.s32 s25, s3  }
0x13: {  	s19 =	sshrl.u32 s12, $0x3;
	s1 =	sadd.s32 s28, s3;
	[dreg:$0xd] =	wrdreg s0  }
0x14: {  	s22 =	simm.s32 $0x1E1D0;
	s20 =	sadd.s32 s11, s19;
	[dreg:$0xf] =	wrdreg s1  }
0x15: {  	s4 =	sadd.s32 $0x46600, s4;
	s5 =	sadd.s32 s9, s19;
	[dreg:$0x8] =	wrdreg s20  }
0x16: {  	v0 =	vimm.f32 $0.0e+00;
	v1 =	vimm.s32 $0x0;
	v2 =	vimm.s32 $0x1;
	s23 =	simm.s32 $0x1;
	s0 =	sadd.s32 s26, s2;
	[dreg:$0x9] =	wrdreg s5  }
0x17: {  	v3 =	vimm.s32 $0x2;
	v4 =	vimm.s32 $0x3;
	v5 =	vimm.s32 $0x4;
	s26 =	simm.s32 $0x5;
	[dreg:$0xe] =	wrdreg s0;
	s0 =	sadd.s32 s4, s30  }
0x18: {  	v6 =	vimm.s32 $0x5;
	v7 =	vimm.s32 $0x6;
	v8 =	vimm.s32 $0x7;
	s11 =	simm.s32 $0x2;
	s1 =	simm.s32 $0x0;
	[dreg:$0x11] =	wrdreg s0  }
.LBB2_1:
0x19: {  	[tilespmem:$0x1E1D0] =	vst v0  }
0x1a: {  	[tilespmem:$0x1DDD0] =	vst v0  }
0x1b: {  	[tilespmem:$0x1DDE0] =	vst v0  }
0x1c: {  	[tilespmem:$0x1DDF0] =	vst v0  }
0x1d: {  	[tilespmem:$0x1DE00] =	vst v0  }
0x1e: {  	[tilespmem:$0x1DE10] =	vst v0  }
0x1f: {  	[tilespmem:$0x1DE20] =	vst v0  }
0x20: {  	[tilespmem:$0x1DE30] =	vst v0  }
0x21: {  	[tilespmem:$0x1DE40] =	vst v0  }
0x22: {  	[tilespmem:$0x1E1E0] =	vst v0  }
0x23: {  	[tilespmem:$0x1DE50] =	vst v0  }
0x24: {  	[tilespmem:$0x1DE60] =	vst v0  }
0x25: {  	[tilespmem:$0x1DE70] =	vst v0  }
0x26: {  	[tilespmem:$0x1DE80] =	vst v0  }
0x27: {  	[tilespmem:$0x1DE90] =	vst v0  }
0x28: {  	[tilespmem:$0x1DEA0] =	vst v0  }
0x29: {  	[tilespmem:$0x1DEB0] =	vst v0  }
0x2a: {  	[tilespmem:$0x1DEC0] =	vst v0  }
0x2b: {  	[tilespmem:$0x1E1F0] =	vst v0  }
0x2c: {  	[tilespmem:$0x1DED0] =	vst v0  }
0x2d: {  	[tilespmem:$0x1DEE0] =	vst v0  }
0x2e: {  	[tilespmem:$0x1DEF0] =	vst v0  }
0x2f: {  	[tilespmem:$0x1DF00] =	vst v0  }
0x30: {  	[tilespmem:$0x1DF10] =	vst v0  }
0x31: {  	[tilespmem:$0x1DF20] =	vst v0  }
0x32: {  	[tilespmem:$0x1DF30] =	vst v0  }
0x33: {  	[tilespmem:$0x1DF40] =	vst v0  }
0x34: {  	[tilespmem:$0x1E200] =	vst v0  }
0x35: {  	[tilespmem:$0x1DF50] =	vst v0  }
0x36: {  	[tilespmem:$0x1DF60] =	vst v0  }
0x37: {  	[tilespmem:$0x1DF70] =	vst v0  }
0x38: {  	[tilespmem:$0x1DF80] =	vst v0  }
0x39: {  	[tilespmem:$0x1DF90] =	vst v0  }
0x3a: {  	[tilespmem:$0x1DFA0] =	vst v0  }
0x3b: {  	[tilespmem:$0x1DFB0] =	vst v0  }
0x3c: {  	[tilespmem:$0x1DFC0] =	vst v0  }
0x3d: {  	[tilespmem:$0x1E210] =	vst v0  }
0x3e: {  	[tilespmem:$0x1DFD0] =	vst v0  }
0x3f: {  	[tilespmem:$0x1DFE0] =	vst v0  }
0x40: {  	[tilespmem:$0x1DFF0] =	vst v0  }
0x41: {  	[tilespmem:$0x1E000] =	vst v0  }
0x42: {  	[tilespmem:$0x1E010] =	vst v0  }
0x43: {  	[tilespmem:$0x1E020] =	vst v0  }
0x44: {  	[tilespmem:$0x1E030] =	vst v0  }
0x45: {  	[tilespmem:$0x1E040] =	vst v0  }
0x46: {  	[tilespmem:$0x1E220] =	vst v0  }
0x47: {  	[tilespmem:$0x1E050] =	vst v0  }
0x48: {  	[tilespmem:$0x1E060] =	vst v0  }
0x49: {  	[tilespmem:$0x1E070] =	vst v0  }
0x4a: {  	[tilespmem:$0x1E080] =	vst v0  }
0x4b: {  	[tilespmem:$0x1E090] =	vst v0  }
0x4c: {  	[tilespmem:$0x1E0A0] =	vst v0  }
0x4d: {  	[tilespmem:$0x1E0B0] =	vst v0  }
0x4e: {  	[tilespmem:$0x1E0C0] =	vst v0  }
0x4f: {  	[tilespmem:$0x1E230] =	vst v0  }
0x50: {  	[tilespmem:$0x1E0D0] =	vst v0  }
0x51: {  	[tilespmem:$0x1E0E0] =	vst v0  }
0x52: {  	[tilespmem:$0x1E0F0] =	vst v0  }
0x53: {  	[tilespmem:$0x1E100] =	vst v0  }
0x54: {  	[tilespmem:$0x1E110] =	vst v0  }
0x55: {  	[tilespmem:$0x1E120] =	vst v0  }
0x56: {  	[tilespmem:$0x1E130] =	vst v0  }
0x57: {  	[tilespmem:$0x1E140] =	vst v0  }
0x58: {  	[tilespmem:$0x1E240] =	vst v0  }
0x59: {  	[tilespmem:$0x1E150] =	vst v0  }
0x5a: {  	[tilespmem:$0x1E160] =	vst v0  }
0x5b: {  	[tilespmem:$0x1E170] =	vst v0  }
0x5c: {  	[tilespmem:$0x1E180] =	vst v0  }
0x5d: {  	[tilespmem:$0x1E190] =	vst v0  }
0x5e: {  	[tilespmem:$0x1E1A0] =	vst v0;
	p0 =	sne.s32 s13, $0x1  }
.Ltmp0:
0x5f: {  	[dreg:$0x12] =	wrdreg s1;
	[tilespmem:$0x1E1B0] =	vst v0;
	(pc) =	sbr.rel @!p0 .LBB2_3-.Ltmp0, $4  }
0x60: {  	[tilespmem:$0x1E1C0] =	vst v0;
	s31 =	rddreg [dreg:$0xc]  }
0x61: {  	[spmem:s31] =	stream.linear.scatter [tilespmem:s21], [sflag:$0x1], $0x400, $0x38;
	[tilespmem:$0x1E250] =	vst v63  }
0x62: {  	s4 =	rddreg [dreg:$0xd];
	s0 =	sadd.s32 $0xFFFFFFFF, s13;
	s1 =	sadd.s32 $0x4000, s31  }
0x63: {  	[spmem:s4] =	stream.linear.scatter [tilespmem:s22], [sflag:$0x1], $0x80, $0x38;
	[tilespmem:$0x1E250] =	vst v63  }
.LBB2_2:
0x64: {  	[spmem:s1] =	stream.linear.scatter [tilespmem:s21], [sflag:$0x1], $0x400, $0x38;
	[tilespmem:$0x1E250] =	vst v63  }
0x65: {  	p1 =	sne.s32 s0, $0x1  }
.Ltmp1:
0x66: {  	s0 =	sadd.s32 $0xFFFFFFFF, s0;
	(pc) =	sbr.rel @p1 .LBB2_2-.Ltmp1, $4  }
0x67: {  	s4 =	sadd.s32 $0x800, s4  }
0x68: {  	[spmem:s4] =	stream.linear.scatter [tilespmem:s22], [sflag:$0x1], $0x80, $0x38;
	[tilespmem:$0x1E250] =	vst v63  }
0x69: {  	_ = 	snop  }
0x6a: {  	s1 =	sadd.s32 $0x4000, s1  }
.LBB2_3:
.Ltmp2:
0x6b: {  	_ =	swait.ge [sflag:s23], $0x400;
	(pc) =	sbr.rel @!p0 .LBB2_5-.Ltmp2, $4  }
0x6c: {  	[sflag:s23] =	ssyncset.done $0x0  }
0x6d: {  	[sflag:s23] =	ssyncadd.s32 $0xFFFFFC00  }
0x6e: {  	_ =	swait.ge [sflag:s23], $0x80  }
0x6f: {  	s0 =	sadd.s32 $0xFFFFFFFF, s13;
	[sflag:s23] =	ssyncset.done $0x0  }
.LBB2_4:
0x70: {  	p0 =	sne.s32 s0, $0x1;
	s0 =	sadd.s32 $0xFFFFFFFF, s0;
	[sflag:s23] =	ssyncadd.s32 $0xFFFFFF80  }
.Ltmp3:
0x71: {  	_ =	swait.ge [sflag:s23], $0x400;
	(pc) =	sbr.rel @p0 .LBB2_4-.Ltmp3, $4  }
0x72: {  	[sflag:s23] =	ssyncset.done $0x0  }
0x73: {  	[sflag:s23] =	ssyncadd.s32 $0xFFFFFC00  }
0x74: {  	_ =	swait.ge [sflag:s23], $0x80  }
0x75: {  	[sflag:s23] =	ssyncset.done $0x0  }
.LBB2_5:
0x76: {  	[sflag:s23] =	ssyncadd.s32 $0xFFFFFF80  }
0x77: {  	[bflag:$0x0] =	sbarrier.arrive $0xFFFF  }
0x78: {  	s17 =	simm.s32 $0x0;
	s1 =	simm.s32 $0x15F90;
	s0 =	rddreg [dreg:$0x8]  }
0x79: {  	[tilespmem:s1], [sflag:$0x5] =	stream.linear.gather [hbm4b:s0+s17], $0x7D0, $0x38;
	[tilespmem:$0x1E250] =	vst v63  }
0x7a: {  	_ =	swait.ge [sflag:s26], $0x7D0  }
0x7b: {  	[sflag:s26] =	ssyncset.done $0x0  }
0x7c: {  	s4 =	simm.s32 $0x16F30;
	s28 =	rddreg [dreg:$0x9];
	[sflag:s26] =	ssyncadd.s32 $0xFFFFF830  }
0x7d: {  	[tilespmem:s4], [sflag:$0x5] =	stream.linear.gather [hbm4b:s28+s17], $0x7D0, $0x38;
	[tilespmem:$0x1E250] =	vst v63  }
0x7e: {  	_ =	swait.ge [sflag:s26], $0x7D0  }
0x7f: {  	[sflag:s26] =	ssyncset.done $0x0  }
0x80: {  	s30 =	simm.s32 $0x17ED0;
	[sflag:s26] =	ssyncadd.s32 $0xFFFFF830  }
0x81: {  	[tilespmem:s30], [sflag:$0x1] =	stream.indirect.gather [hbm4b:s6+s29], $0x90, s1, s29, $0xb8;
	[tilespmem:$0x1E250] =	vst v63  }
0x82: {  	s31 =	simm.s32 $0x1ABD0  }
0x83: {  	[tilespmem:s31], [sflag:$0x1] =	stream.indirect.gather [hbm4b:s7+s29], $0x10, s4, s29, $0xb8;
	[tilespmem:$0x1E250] =	vst v63  }
.LBB2_6:
0x84: {  	s0 =	sshllo.u32 s17, $0x1  }
0x85: {  	s1 =	sand.u32 $0xFF, s0  }
0x86: {  	s1 =	smul.u32 $0x29, s1;
	_ =	sdelay $0x1  }
0x87: {  	s4 =	smul.u32 $0x29, s17;
	s1 =	sshrl.u32 s1, $0xB  }
0x88: {  	s1 =	smul.u32 $0x32, s1;
	_ =	sdelay $0x1  }
0x89: {  	s25 =	sshrl.u32 s4, $0xA;
	s0 =	ssub.s32 s0, s1  }
0x8a: {  	s4 =	sand.u32 $0x1, s25;
	s19 =	sand.u32 $0xFF, s0  }
0x8b: {  	p1 =	seq.s32 s4, $0x1;
	s0 =	simm.s32 $0x7D0;
	s5 =	smul.u32 $0x28, s19  }
0x8c: {  	s0 =	simm.s32 @!p1 $0x0  }
0x8d: {  	s0 =	sadd.s32 s0, s5  }
0x8e: {  	s8 =	simm.s32 $0x19550;
	s1 =	sadd.s32 $0x15F90, s0  }
0x8f: {  	[tilespmem:s8], [sflag:$0x2] =	stream.indirect.gather [hbm4b:s6+s29], $0x90, s1, s29, $0xb8;
	[tilespmem:$0x1E250] =	vst v63  }
0x90: {  	s9 =	simm.s32 $0x1AE50;
	s0 =	sadd.s32 $0x16F30, s0  }
0x91: {  	[tilespmem:s9], [sflag:$0x2] =	stream.indirect.gather [hbm4b:s7+s29], $0x10, s0, s29, $0xb8;
	[tilespmem:$0x1E250] =	vst v63  }
0x92: {  	_ =	swait.ge [sflag:s23], $0x1680  }
0x93: {  	[sflag:s23] =	ssyncset.done $0x0  }
0x94: {  	[sflag:s23] =	ssyncadd.s32 $0xFFFFE980  }
0x95: {  	_ =	swait.ge [sflag:s23], $0x280  }
0x96: {  	p0 =	seq.s32 s17, $0x0;
	[sflag:s23] =	ssyncset.done $0x0  }
0x97: {  	s0 =	simm.s32 @!p0 $0x3;
	[sflag:s23] =	ssyncadd.s32 $0xFFFFFD80  }
0x98: {  	_ =	swait.ge @!p0 [sflag:s0], $0x1400  }
0x99: {  	[sflag:s0] =	ssyncset.done @!p0 $0x0  }
0x9a: {  	[sflag:s0] =	ssyncadd.s32 @!p0 $0xFFFFEC00  }
0x9b: {  	_ =	swait.ge @!p0 [sflag:s0], $0x280  }
0x9c: {  	[sflag:s0] =	ssyncset.done @!p0 $0x0  }
0x9d: {  	s10 =	simm.s32 $0x1ABE0;
	[sflag:s0] =	ssyncadd.s32 @!p0 $0xFFFFFD80  }
0x9e: {  	s5 =	simm.s32 $0x17F60;
	v9 =	vld [tilespmem:s10+$0x0]  }
0x9f: {  	v10 =	vld [tilespmem:s5+$0x80];
	_ =	sdelay $0x4  }
0xa0: {  	v9 =	vadd.f32 v10, v9;
	_ =	sdelay $0x1  }
0xa1: {  	v11 =	vld [tilespmem:s5+$0xFFFFFFF0];
	v10 =	vmul.f32 $2.000000030e-01, v9  }
0xa2: {  	v12 =	vld [tilespmem:s10+$0xFFFFFFF0];
	vm0 =	vgt.f32 v9, $0.0e+00  }
0xa3: {  	v9 =	vsel vm0, v9, v10  }
0xa4: {  	v9 =	vmul.f32 $1.442695020e+00, v9;
	_ =	sdelay $0x1  }
0xa5: {  	(erf) = vpow2.f32 v9  }
0xa6: {  	v10 =	vadd.f32 v11, v12;
	_ =	sdelay $0x1  }
0xa7: {  	v11 =	vmul.f32 $2.000000030e-01, v10  }
0xa8: {  	vm15 =	vgt.f32 v10, $0.0e+00  }
0xa9: {  	v9 =	vsel vm15, v10, v11  }
0xaa: {  	s20 =	simm.s32 $0x18080;
	v9 =	vmul.f32 $1.442695020e+00, v9  }
0xab: {  	s12 =	simm.s32 $0x1AC00;
	v10 =	vld [tilespmem:s20+$0x80]  }
0xac: {  	(erf) = vpow2.f32 v9;
	v9 =	vld [tilespmem:s12+$0x0]  }
0xad: {  	s13 =	simm.s32 $0x1D8E0;
	v12 =	vld [tilespmem:s12+$0xFFFFFFF0];
	v15 =	vpop (erf)  }
0xae: {  	v11 =	vld [tilespmem:s20+$0xFFFFFFF0];
	[tilespmem:s13+$0x0] =	vst v15  }
0xaf: {  	v13 =	vld [tilespmem:s5+$0x0];
	_ =	sdelay $0x1  }
0xb0: {  	v10 =	vadd.f32 v10, v9  }
0xb1: {  	v14 =	vperm.xlane v15, v1  }
0xb2: {  	v11 =	vadd.f32 v11, v12;
	v12 =	vmul.f32 $2.000000030e-01, v10  }
0xb3: {  	vm4 =	vgt.f32 v10, $0.0e+00;
	v13 =	vmul.f32 v13, v14  }
0xb4: {  	s16 =	simm.s32 $0x1B150;
	v10 =	vsel vm4, v10, v12;
	v14 =	vmul.f32 $2.000000030e-01, v11  }
0xb5: {  	vm5 =	vgt.f32 v11, $0.0e+00;
	v9 =	vpop (erf);
	v10 =	vmul.f32 $1.442695020e+00, v10;
	[tilespmem:s16+$0x0] =	vst v13  }
0xb6: {  	[tilespmem:s13+$0xFFFFFFF0] =	vst v9;
	v11 =	vsel vm5, v11, v14;
	v13 =	vld [tilespmem:s5+$0x10]  }
0xb7: {  	v16 =	vld [tilespmem:s5+$0xFFFFFF70];
	(erf) = vpow2.f32 v10;
	v11 =	vmul.f32 $1.442695020e+00, v11;
	_ =	sdelay $0x1  }
0xb8: {  	(erf) = vpow2.f32 v11;
	v11 =	vperm.xlane v15, v2  }
0xb9: {  	s10 =	simm.s32 $0x181A0;
	v12 =	vperm.xlane v9, v1  }
0xba: {  	s15 =	simm.s32 $0x1AC20;
	v14 =	vld [tilespmem:s10+$0xFFFFFFF0];
	v11 =	vmul.f32 v13, v11  }
0xbb: {  	v10 =	vmul.f32 v16, v12;
	v12 =	vld [tilespmem:s15+$0x0]  }
0xbc: {  	v13 =	vld [tilespmem:s10+$0x80];
	[tilespmem:s16+$0x10] =	vst v11  }
0xbd: {  	[tilespmem:s16+$0xFFFFFF80] =	vst v10;
	v11 =	vld [tilespmem:s5+$0x20]  }
0xbe: {  	v10 =	vld [tilespmem:s5+$0xFFFFFF80]  }
0xbf: {  	s18 =	simm.s32 $0x1D900;
	v16 =	vld [tilespmem:s15+$0xFFFFFFF0];
	v20 =	vpop (erf)  }
0xc0: {  	v17 =	vperm.xlane v15, v3;
	[tilespmem:s18+$0x0] =	vst v20  }
0xc1: {  	v18 =	vperm.xlane v9, v2;
	v19 =	vld [tilespmem:s20+$0x0];
	v22 =	vpop (erf)  }
0xc2: {  	v12 =	vadd.f32 v13, v12;
	[tilespmem:s18+$0xFFFFFFF0] =	vst v22;
	v11 =	vmul.f32 v11, v17  }
0xc3: {  	v10 =	vmul.f32 v10, v18;
	v13 =	vld [tilespmem:s20+$0xFFFFFF70]  }
0xc4: {  	s4 =	simm.s32 $0x1AC60;
	v17 =	vperm.xlane v20, v1;
	[tilespmem:s16+$0x20] =	vst v11;
	v11 =	vadd.f32 v14, v16;
	v14 =	vmul.f32 $2.000000030e-01, v12  }
0xc5: {  	v29 =	vld [tilespmem:s4+$0x0];
	vm6 =	vgt.f32 v12, $0.0e+00  }
0xc6: {  	s1 =	simm.s32 $0x183E0;
	[tilespmem:s16+$0xFFFFFF90] =	vst v10;
	v10 =	vperm.xlane v22, v1;
	v17 =	vmul.f32 v19, v17;
	v16 =	vld [tilespmem:s5+$0x30];
	v12 =	vsel vm6, v12, v14  }
0xc7: {  	v30 =	vld [tilespmem:s1+$0x80];
	s13 =	simm.s32 $0x1B250;
	v19 =	vmul.f32 $2.000000030e-01, v11;
	v12 =	vmul.f32 $1.442695020e+00, v12  }
0xc8: {  	v18 =	vld [tilespmem:s5+$0xFFFFFF90];
	vm7 =	vgt.f32 v11, $0.0e+00;
	[tilespmem:s13+$0x0] =	vst v17;
	v10 =	vmul.f32 v13, v10  }
0xc9: {  	v13 =	vperm.xlane v15, v4;
	v17 =	vld [tilespmem:s20+$0x10];
	v11 =	vsel vm7, v11, v19;
	(erf) = vpow2.f32 v12  }
0xca: {  	v11 =	vmul.f32 $1.442695020e+00, v11  }
0xcb: {  	v14 =	vperm.xlane v9, v3;
	[tilespmem:s13+$0xFFFFFF80] =	vst v10;
	v12 =	vmul.f32 v16, v13  }
0xcc: {  	s24 =	simm.s32 $0x1AC40;
	v29 =	vadd.f32 v30, v29;
	v10 =	vld [tilespmem:s20+$0xFFFFFF80];
	(erf) = vpow2.f32 v11;
	v11 =	vperm.xlane v20, v2  }
0xcd: {  	v13 =	vmul.f32 v18, v14;
	v14 =	vld [tilespmem:s24+$0x0];
	[tilespmem:s16+$0x30] =	vst v12  }
0xce: {  	v55 =	vmul.f32 $2.000000030e-01, v29;
	s18 =	simm.s32 $0x182C0;
	v12 =	vld [tilespmem:s5+$0x40];
	v11 =	vmul.f32 v17, v11  }
0xcf: {  	vm10 =	vgt.f32 v29, $0.0e+00;
	v16 =	vld [tilespmem:s18+$0x80]  }
0xd0: {  	v21 =	vld [tilespmem:s24+$0xFFFFFFF0];
	v29 =	vsel vm10, v29, v55;
	[tilespmem:s13+$0x10] =	vst v11  }
0xd1: {  	v29 =	vmul.f32 $1.442695020e+00, v29;
	[tilespmem:s16+$0xFFFFFFA0] =	vst v13;
	v11 =	vperm.xlane v15, v5;
	v17 =	vld [tilespmem:s20+$0x20]  }
0xd2: {  	s25 =	simm.s32 $0x1D920;
	v37 =	vperm.xlane v15, v7;
	v18 =	vperm.xlane v22, v2;
	v13 =	vld [tilespmem:s5+$0xFFFFFFA0];
	v27 =	vpop (erf)  }
0xd3: {  	v28 =	vperm.xlane v9, v7;
	v19 =	vld [tilespmem:s18+$0xFFFFFFF0];
	v12 =	vmul.f32 v12, v11;
	[tilespmem:s25+$0x0] =	vst v27  }
0xd4: {  	v10 =	vmul.f32 v10, v18;
	v18 =	vperm.xlane v20, v3;
	v14 =	vadd.f32 v16, v14;
	v23 =	vld [tilespmem:s10+$0x0]  }
0xd5: {  	v25 =	vperm.xlane v22, v3;
	[tilespmem:s16+$0x40] =	vst v12;
	v12 =	vperm.xlane v9, v4  }
0xd6: {  	[tilespmem:s13+$0xFFFFFF90] =	vst v10;
	v11 =	vpop (erf);
	v24 =	vld [tilespmem:s5+$0x50];
	v10 =	vmul.f32 v17, v18;
	v18 =	vmul.f32 $2.000000030e-01, v14  }
0xd7: {  	vm8 =	vgt.f32 v14, $0.0e+00;
	[tilespmem:s25+$0xFFFFFFF0] =	vst v11;
	v17 =	vld [tilespmem:s20+$0xFFFFFF90];
	v12 =	vmul.f32 v13, v12;
	v13 =	vperm.xlane v27, v1  }
0xd8: {  	v16 =	vld [tilespmem:s10+$0xFFFFFF70];
	[tilespmem:s13+$0x20] =	vst v10;
	v10 =	vadd.f32 v19, v21;
	v19 =	vperm.xlane v15, v6;
	v14 =	vsel vm8, v14, v18  }
0xd9: {  	v14 =	vmul.f32 $1.442695020e+00, v14;
	v13 =	vmul.f32 v23, v13;
	v23 =	vld [tilespmem:s20+$0x30]  }
0xda: {  	s24 =	simm.s32 $0x1B350;
	v21 =	vperm.xlane v11, v1;
	v26 =	vmul.f32 $2.000000030e-01, v10  }
0xdb: {  	vm9 =	vgt.f32 v10, $0.0e+00;
	v18 =	vmul.f32 v24, v19;
	(erf) = vpow2.f32 v14;
	[tilespmem:s24+$0x0] =	vst v13  }
0xdc: {  	[tilespmem:s16+$0xFFFFFFB0] =	vst v12;
	v10 =	vsel vm9, v10, v26;
	v13 =	vmul.f32 v17, v25;
	v17 =	vperm.xlane v20, v4;
	v12 =	vld [tilespmem:s10+$0x10]  }
0xdd: {  	v56 =	vperm.xlane v20, v6;
	v10 =	vmul.f32 $1.442695020e+00, v10  }
0xde: {  	v16 =	vmul.f32 v16, v21;
	[tilespmem:s16+$0x50] =	vst v18;
	v14 =	vmul.f32 v23, v17  }
0xdf: {  	v34 =	vld [tilespmem:s1+$0xFFFFFFF0];
	[tilespmem:s13+$0xFFFFFFA0] =	vst v13;
	v13 =	vperm.xlane v27, v2;
	(erf) = vpow2.f32 v10  }
0xe0: {  	v19 =	vld [tilespmem:s5+$0xFFFFFFB0];
	v18 =	vperm.xlane v9, v5;
	v23 =	vperm.xlane v9, v6;
	[tilespmem:s13+$0x30] =	vst v14  }
0xe1: {  	v10 =	vperm.xlane v9, v8;
	v9 =	vmul.f32 v12, v13;
	v13 =	vld [tilespmem:s20+$0x40]  }
0xe2: {  	v25 =	vperm.xlane v22, v4;
	v26 =	vperm.xlane v22, v5;
	[tilespmem:s24+$0xFFFFFF80] =	vst v16;
	v16 =	vld [tilespmem:s5+$0x60]  }
0xe3: {  	v21 =	vperm.xlane v22, v6;
	v17 =	vld [tilespmem:s10+$0xFFFFFF80];
	v12 =	vperm.xlane v22, v7;
	[tilespmem:s24+$0x10] =	vst v9  }
0xe4: {  	v9 =	vperm.xlane v22, v8;
	v22 =	vperm.xlane v20, v5;
	v31 =	vld [tilespmem:s10+$0x20]  }
0xe5: {  	s8 =	simm.s32 $0x1D940;
	v40 =	vperm.xlane v20, v7;
	v38 =	vperm.xlane v27, v3;
	v24 =	vld [tilespmem:s20+$0xFFFFFFA0];
	v14 =	vpop (erf)  }
0xe6: {  	v36 =	vld [tilespmem:s4+$0xFFFFFFF0];
	v32 =	vperm.xlane v11, v2;
	[tilespmem:s8+$0x0] =	vst v14;
	v13 =	vmul.f32 v13, v22  }
0xe7: {  	v48 =	vperm.xlane v27, v6;
	v18 =	vmul.f32 v19, v18;
	v19 =	vld [tilespmem:s18+$0x0]  }
0xe8: {  	v33 =	vperm.xlane v11, v3;
	v17 =	vmul.f32 v17, v32;
	v39 =	vpop (erf);
	[tilespmem:s13+$0x40] =	vst v13  }
0xe9: {  	v13 =	vmul.f32 v16, v37;
	[tilespmem:s8+$0xFFFFFFF0] =	vst v39;
	v16 =	vmul.f32 v31, v38;
	v31 =	vld [tilespmem:s20+$0x50]  }
0xea: {  	s31 =	simm.s32 $0x18500;
	v24 =	vmul.f32 v24, v25;
	v30 =	vperm.xlane v14, v1;
	[tilespmem:s24+$0xFFFFFF90] =	vst v17;
	v25 =	vld [tilespmem:s18+$0xFFFFFF70]  }
0xeb: {  	v61 =	vld [tilespmem:s31+$0x80];
	v35 =	vperm.xlane v11, v4;
	v15 =	vperm.xlane v15, v8;
	[tilespmem:s24+$0x20] =	vst v16  }
0xec: {  	s9 =	simm.s32 $0x1AC80;
	(erf) = vpow2.f32 v29;
	[tilespmem:s13+$0xFFFFFFB0] =	vst v24;
	v19 =	vmul.f32 v19, v30;
	v16 =	vadd.f32 v34, v36;
	v57 =	vld [tilespmem:s10+$0x30]  }
0xed: {  	s30 =	simm.s32 $0x1B450;
	v62 =	vld [tilespmem:s9+$0xFFFFFFF0];
	v20 =	vperm.xlane v20, v8;
	v17 =	vperm.xlane v39, v1;
	[tilespmem:s16+$0x60] =	vst v13  }
0xee: {  	v13 =	vld [tilespmem:s10+$0xFFFFFF90];
	[tilespmem:s30+$0x0] =	vst v19;
	v30 =	vmul.f32 $2.000000030e-01, v16;
	v24 =	vmul.f32 v31, v56  }
0xef: {  	[tilespmem:s16+$0xFFFFFFC0] =	vst v18;
	vm11 =	vgt.f32 v16, $0.0e+00;
	v18 =	vld [tilespmem:s18+$0x10];
	v17 =	vmul.f32 v25, v17;
	v25 =	vperm.xlane v27, v4  }
0xf0: {  	v42 =	vperm.xlane v14, v3;
	v52 =	vperm.xlane v14, v4;
	v58 =	vld [tilespmem:s5+$0x70];
	v16 =	vsel vm11, v16, v30  }
0xf1: {  	v31 =	vld [tilespmem:s20+$0xFFFFFFB0];
	v16 =	vmul.f32 $1.442695020e+00, v16;
	[tilespmem:s13+$0x50] =	vst v24;
	v24 =	vmul.f32 v57, v25  }
0xf2: {  	v29 =	vld [tilespmem:s5+$0xFFFFFFC0];
	v22 =	vperm.xlane v11, v5;
	[tilespmem:s30+$0xFFFFFF80] =	vst v17;
	v17 =	vperm.xlane v14, v2  }
0xf3: {  	v60 =	vperm.xlane v39, v3;
	v30 =	vld [tilespmem:s20+$0x60];
	(erf) = vpow2.f32 v16;
	[tilespmem:s24+$0x30] =	vst v24  }
0xf4: {  	v37 =	vperm.xlane v39, v4;
	v17 =	vmul.f32 v18, v17;
	v24 =	vld [tilespmem:s10+$0x40]  }
0xf5: {  	v32 =	vperm.xlane v39, v5;
	v25 =	vmul.f32 v13, v33;
	v16 =	vld [tilespmem:s18+$0xFFFFFF80]  }
0xf6: {  	v34 =	vmul.f32 v58, v15;
	v15 =	vld [tilespmem:s9+$0x0];
	v26 =	vmul.f32 v31, v26;
	[tilespmem:s30+$0x10] =	vst v17  }
0xf7: {  	v23 =	vmul.f32 v29, v23;
	v18 =	vperm.xlane v27, v5;
	[tilespmem:s24+$0xFFFFFFA0] =	vst v25;
	v41 =	vld [tilespmem:s18+$0x20]  }
0xf8: {  	s12 =	simm.s32 $0x1D960;
	v25 =	vperm.xlane v39, v2;
	v31 =	vld [tilespmem:s31+$0xFFFFFFF0];
	[tilespmem:s13+$0xFFFFFFC0] =	vst v26;
	v17 =	vpop (erf);
	v30 =	vmul.f32 v30, v40  }
0xf9: {  	v19 =	vperm.xlane v11, v6;
	v59 =	vld [tilespmem:s10+$0xFFFFFFA0];
	[tilespmem:s12+$0x0] =	vst v17;
	v24 =	vmul.f32 v24, v18  }
0xfa: {  	v13 =	vperm.xlane v11, v7;
	v25 =	vmul.f32 v16, v25;
	v43 =	vld [tilespmem:s1+$0x0];
	[tilespmem:s13+$0x60] =	vst v30  }
0xfb: {  	v11 =	vperm.xlane v11, v8;
	v63 =	vadd.f32 v61, v15;
	v15 =	vperm.xlane v39, v8;
	v51 =	vld [tilespmem:s20+$0xFFFFFFC0];
	[tilespmem:s24+$0x40] =	vst v24  }
0xfc: {  	v16 =	vperm.xlane v39, v7;
	[tilespmem:s30+$0xFFFFFF90] =	vst v25;
	v25 =	vmul.f32 v41, v42;
	v44 =	vpop (erf);
	v24 =	vld [tilespmem:s10+$0x50]  }
0xfd: {  	v30 =	vperm.xlane v17, v1;
	v18 =	vperm.xlane v39, v6;
	v46 =	vld [tilespmem:s18+$0xFFFFFF90];
	[tilespmem:s12+$0xFFFFFFF0] =	vst v44  }
0xfe: {  	v29 =	vmul.f32 v59, v35;
	[tilespmem:s30+$0x20] =	vst v25;
	v25 =	vadd.f32 v31, v62;
	v31 =	vmul.f32 $2.000000030e-01, v63;
	v45 =	vld [tilespmem:s1+$0xFFFFFF70]  }
0xff: {  	vm12 =	vgt.f32 v63, $0.0e+00;
	v41 =	vperm.xlane v14, v7;
	v30 =	vmul.f32 v43, v30;
	v49 =	vld [tilespmem:s18+$0x30]  }
0x100: {  	s0 =	simm.s32 $0x1B550;
	v47 =	vld [tilespmem:s20+$0x70];
	[tilespmem:s24+$0xFFFFFFB0] =	vst v29;
	v33 =	vmul.f32 v51, v21;
	v26 =	vmul.f32 $2.000000030e-01, v25;
	v31 =	vsel vm12, v63, v31  }
0x101: {  	v50 =	vld [tilespmem:s10+$0xFFFFFFB0];
	vm13 =	vgt.f32 v25, $0.0e+00;
	v31 =	vmul.f32 $1.442695020e+00, v31;
	[tilespmem:s0+$0x0] =	vst v30;
	v24 =	vmul.f32 v24, v48  }
0x102: {  	s15 =	simm.s32 $0x1ACA0;
	[tilespmem:s16+$0xFFFFFFD0] =	vst v23;
	v29 =	vperm.xlane v44, v1;
	v30 =	vmul.f32 v46, v60;
	v25 =	vsel vm13, v25, v26;
	v26 =	vld [tilespmem:s1+$0x10]  }
0x103: {  	v55 =	vld [tilespmem:s15+$0x0];
	v23 =	vmul.f32 $1.442695020e+00, v25;
	(erf) = vpow2.f32 v31;
	[tilespmem:s24+$0x50] =	vst v24  }
0x104: {  	v29 =	vmul.f32 v45, v29;
	v25 =	vmul.f32 v49, v52;
	v24 =	vld [tilespmem:s10+$0x60]  }
0x105: {  	v31 =	vld [tilespmem:s5+$0xFFFFFFD0];
	[tilespmem:s30+$0xFFFFFFA0] =	vst v30;
	(erf) = vpow2.f32 v23;
	v23 =	vperm.xlane v17, v2  }
0x106: {  	v54 =	vmul.f32 v47, v20;
	v57 =	vmul.f32 v50, v22;
	v53 =	vld [tilespmem:s18+$0xFFFFFFA0];
	[tilespmem:s30+$0x30] =	vst v25  }
0x107: {  	[tilespmem:s0+$0xFFFFFF80] =	vst v29;
	v25 =	vperm.xlane v27, v7;
	v20 =	vmul.f32 v26, v23;
	v23 =	vld [tilespmem:s18+$0x40]  }
0x108: {  	s25 =	simm.s32 $0x18620;
	v38 =	vperm.xlane v44, v3;
	v62 =	vperm.xlane v17, v3;
	v29 =	vld [tilespmem:s1+$0xFFFFFF80]  }
0x109: {  	v56 =	vld [tilespmem:s25+$0x80];
	v30 =	vperm.xlane v44, v2;
	[tilespmem:s24+$0xFFFFFFC0] =	vst v57;
	v24 =	vmul.f32 v24, v25  }
0x10a: {  	v61 =	vld [tilespmem:s15+$0xFFFFFFF0];
	v63 =	vmul.f32 v31, v28;
	[tilespmem:s0+$0x10] =	vst v20;
	v20 =	vperm.xlane v14, v5  }
0x10b: {  	v22 =	vperm.xlane v44, v7;
	v27 =	vperm.xlane v27, v8;
	v58 =	vld [tilespmem:s1+$0x20];
	[tilespmem:s24+$0x60] =	vst v24  }
0x10c: {  	s12 =	simm.s32 $0x1D980;
	v26 =	vperm.xlane v44, v4;
	[tilespmem:s16+$0xFFFFFFE0] =	vst v63;
	v21 =	vpop (erf);
	v60 =	vmul.f32 v23, v20;
	v59 =	vld [tilespmem:s10+$0x70]  }
0x10d: {  	v35 =	vmul.f32 v53, v37;
	v29 =	vmul.f32 v29, v30;
	v30 =	vld [tilespmem:s25+$0xFFFFFFF0];
	[tilespmem:s12+$0x0] =	vst v21  }
0x10e: {  	v53 =	vperm.xlane v14, v6;
	v25 =	vperm.xlane v44, v5;
	v45 =	vld [tilespmem:s31+$0x0];
	v23 =	vpop (erf);
	[tilespmem:s30+$0x40] =	vst v60  }
0x10f: {  	v20 =	vperm.xlane v44, v8;
	v24 =	vperm.xlane v44, v6;
	[tilespmem:s12+$0xFFFFFFF0] =	vst v23;
	v46 =	vld [tilespmem:s18+$0x50]  }
0x110: {  	v63 =	vperm.xlane v21, v2;
	[tilespmem:s0+$0xFFFFFF90] =	vst v29;
	v29 =	vadd.f32 v56, v55;
	v42 =	vmul.f32 v58, v62;
	v49 =	vld [tilespmem:s31+$0xFFFFFF70]  }
0x111: {  	[tilespmem:s30+$0xFFFFFFB0] =	vst v35;
	v51 =	vld [tilespmem:s1+$0xFFFFFF90];
	v50 =	vmul.f32 v59, v27;
	v27 =	vperm.xlane v21, v1  }
0x112: {  	v35 =	vld [tilespmem:s10+$0xFFFFFFC0];
	v60 =	vperm.xlane v17, v4;
	v37 =	vadd.f32 v30, v61;
	[tilespmem:s0+$0x20] =	vst v42;
	v30 =	vmul.f32 $2.000000030e-01, v29  }
0x113: {  	[tilespmem:s13+$0x70] =	vst v54;
	v48 =	vperm.xlane v23, v1;
	vm14 =	vgt.f32 v29, $0.0e+00;
	v54 =	vld [tilespmem:s1+$0x30];
	v27 =	vmul.f32 v45, v27  }
0x114: {  	s15 =	simm.s32 $0x1B650;
	[tilespmem:s13+$0xFFFFFFD0] =	vst v33;
	v52 =	vld [tilespmem:s18+$0xFFFFFFB0];
	v55 =	vmul.f32 $2.000000030e-01, v37;
	v29 =	vsel vm14, v29, v30;
	v56 =	vmul.f32 v46, v53  }
0x115: {  	v33 =	vld [tilespmem:s5+$0xFFFFFFE0];
	vm15 =	vgt.f32 v37, $0.0e+00;
	v57 =	vmul.f32 $1.442695020e+00, v29;
	v36 =	vmul.f32 v49, v48;
	[tilespmem:s15+$0x0] =	vst v27  }
0x116: {  	v31 =	vperm.xlane v23, v2;
	v59 =	vmul.f32 v51, v38;
	[tilespmem:s30+$0x50] =	vst v56;
	v27 =	vsel vm15, v37, v55;
	v58 =	vld [tilespmem:s31+$0x10]  }
0x117: {  	(erf) = vpow2.f32 v57;
	[tilespmem:s15+$0xFFFFFF80] =	vst v36;
	v38 =	vld [tilespmem:s18+$0x60];
	v61 =	vmul.f32 $1.442695020e+00, v27  }
0x118: {  	v28 =	vperm.xlane v23, v3;
	[tilespmem:s0+$0xFFFFFFA0] =	vst v59;
	v62 =	vmul.f32 v54, v60;
	v40 =	vld [tilespmem:s31+$0xFFFFFF80]  }
0x119: {  	[tilespmem:s16+$0x70] =	vst v34;
	v42 =	vmul.f32 v52, v32;
	v37 =	vld [tilespmem:s1+$0xFFFFFFA0];
	(erf) = vpow2.f32 v61  }
0x11a: {  	s28 =	sshll.u32 s17, $0x1;
	v30 =	vperm.xlane v23, v4;
	v29 =	vld [tilespmem:s20+$0xFFFFFFD0];
	v36 =	vperm.xlane v23, v6;
	[tilespmem:s0+$0x30] =	vst v62  }
0x11b: {  	s4 =	simm.s32 $0xC;
	s8 =	simm.s32 $0x1ACC0;
	s5 =	simm.s32 $0x1B650;
	[tilespmem:s24+$0x70] =	vst v50;
	v27 =	vperm.xlane v23, v5;
	v39 =	vld [tilespmem:s1+$0x40];
	v43 =	vmul.f32 v58, v63  }
.LBB2_7:
0x11c: {  	v32 =	vld [tilespmem:s8+$0x0];
	[tilespmem:s30+$0xFFFFFFC0] =	vst v42;
	v34 =	vmul.f32 v38, v41;
	v35 =	vmul.f32 v35, v19;
	v19 =	vmovc v18;
	v18 =	vmov v24;
	s9 =	smov.u32 s25;
	s25 =	sadd.s32 $0x120, s25  }
0x11d: {  	v38 =	vld [tilespmem:s25+$0x80];
	v31 =	vmul.f32 v40, v31;
	v40 =	vperm.xlane v23, v7;
	[tilespmem:s15+$0x10] =	vst v43;
	v24 =	vmov v36  }
0x11e: {  	v41 =	vperm.xlane v17, v5;
	v36 =	vld [tilespmem:s31+$0x20];
	v37 =	vmul.f32 v37, v26;
	[tilespmem:s30+$0x60] =	vst v34;
	v26 =	vmov v30  }
0x11f: {  	v29 =	vmul.f32 v29, v12;
	v12 =	vmovc v13;
	v13 =	vmov v16;
	v30 =	vperm.xlane v23, v8;
	[tilespmem:s15+$0xFFFFFF90] =	vst v31;
	v34 =	vld [tilespmem:s18+$0x70]  }
0x120: {  	s4 =	sadd.s32 $0x2, s4;
	s12 =	sadd.s32 $0x20, s12;
	v16 =	vmov v22;
	v33 =	vmul.f32 v33, v10;
	v42 =	vld [tilespmem:s25+$0xFFFFFFF0];
	v43 =	vpop (erf);
	[tilespmem:s0+$0xFFFFFFB0] =	vst v37;
	v31 =	vmul.f32 v39, v41  }
0x121: {  	p2 =	slt.u32 s4, $0x26;
	v22 =	vmovc v40;
	v10 =	vmovc v9;
	v9 =	vmov v11;
	v11 =	vmov v15;
	v39 =	vperm.xlane v21, v3;
	v37 =	vld [tilespmem:s8+$0xFFFFFFF0];
	[tilespmem:s12+$0x0] =	vst v43  }
0x122: {  	v15 =	vmov v20;
	v41 =	vperm.xlane v14, v8;
	v20 =	vmov v30;
	v40 =	vld [tilespmem:s9+$0x0];
	v23 =	vpop (erf);
	[tilespmem:s0+$0x40] =	vst v31  }
0x123: {  	v14 =	vmovc v17;
	v17 =	vmov v21;
	[tilespmem:s12+$0xFFFFFFF0] =	vst v23;
	v44 =	vperm.xlane v23, v1;
	v30 =	vmul.f32 v36, v39;
	v36 =	vld [tilespmem:s1+$0x50]  }
0x124: {  	v32 =	vadd.f32 v38, v32;
	v31 =	vperm.xlane v23, v2;
	v38 =	vld [tilespmem:s9+$0xFFFFFF70];
	v34 =	vmul.f32 v34, v41;
	[tilespmem:s24+$0xFFFFFFD0] =	vst v35  }
0x125: {  	v21 =	vmov v43;
	v39 =	vperm.xlane v23, v3;
	v35 =	vperm.xlane v43, v1;
	v41 =	vld [tilespmem:s31+$0xFFFFFF90];
	[tilespmem:s15+$0x20] =	vst v30  }
0x126: {  	v45 =	vperm.xlane v14, v6;
	v37 =	vadd.f32 v42, v37;
	v42 =	vmul.f32 $2.000000030e-01, v32;
	v43 =	vld [tilespmem:s1+$0xFFFFFFB0];
	[tilespmem:s30+$0x70] =	vst v34  }
0x127: {  	vm0 =	vgt.f32 v32, $0.0e+00;
	v30 =	vperm.xlane v23, v4;
	v34 =	vmul.f32 v40, v35;
	v46 =	vld [tilespmem:s31+$0x30];
	[tilespmem:s13+$0xFFFFFFE0] =	vst v29  }
0x128: {  	s15 =	sadd.s32 $0x100, s15;
	v40 =	vmul.f32 $2.000000030e-01, v37;
	v29 =	vsel vm0, v32, v42;
	v32 =	vmul.f32 v36, v45;
	v35 =	vld [tilespmem:s18+$0xFFFFFFC0];
	[tilespmem:s16+$0xFFFFFFF0] =	vst v33;
	s16 =	smov.u32 s13;
	s13 =	smov.u32 s24  }
0x129: {  	vm0 =	vgt.f32 v37, $0.0e+00;
	s24 =	smov.u32 s30;
	s30 =	smov.u32 s0;
	s0 =	smov.u32 s5;
	v33 =	vmul.f32 $1.442695020e+00, v29;
	v36 =	vmul.f32 v38, v44;
	[tilespmem:s15+$0x0] =	vst v34;
	v29 =	vld [tilespmem:s10+$0xFFFFFFD0]  }
0x12a: {  	s5 =	smov.u32 s15;
	v34 =	vsel vm0, v37, v40;
	v44 =	vld [tilespmem:s9+$0x10];
	v37 =	vmul.f32 v41, v28;
	v41 =	vperm.xlane v17, v4;
	[tilespmem:s30+$0x50] =	vst v32  }
.Ltmp4:
0x12b: {  	v28 =	vmov v39;
	v32 =	vmul.f32 $1.442695020e+00, v34;
	(erf) = vpow2.f32 v33;
	[tilespmem:s15+$0xFFFFFF80] =	vst v36;
	v38 =	vld [tilespmem:s1+$0x60];
	(pc) =	sbr.rel @p2 .LBB2_7-.Ltmp4, $4  }
0x12c: {  	v34 =	vperm.xlane v23, v5;
	v40 =	vld [tilespmem:s9+$0xFFFFFF80];
	[tilespmem:s0+$0xFFFFFFA0] =	vst v37;
	v33 =	vmul.f32 v46, v41  }
0x12d: {  	(erf) = vpow2.f32 v32;
	v32 =	vperm.xlane v21, v2;
	v37 =	vld [tilespmem:s31+$0xFFFFFFA0]  }
0x12e: {  	v42 =	vmul.f32 v43, v25;
	v25 =	vmovc v27;
	v41 =	vperm.xlane v14, v7;
	v27 =	vmov v34;
	[tilespmem:s0+$0x30] =	vst v33;
	v33 =	vld [tilespmem:s20+$0xFFFFFFE0];
	s20 =	smov.u32 s10;
	s10 =	smov.u32 s18;
	s18 =	smov.u32 s1  }
0x12f: {  	s8 =	sadd.s32 $0x20, s8;
	v36 =	vperm.xlane v23, v6;
	s1 =	smov.u32 s31;
	v43 =	vmul.f32 v44, v32;
	v39 =	vld [tilespmem:s31+$0x40];
	s31 =	smov.u32 s9  }
0x130: {  	_ =	sdelay $0x3  }
0x131: {  	s4 =	sadd.s32 $0x20, s12;
	v34 =	vpop (erf)  }
0x132: {  	[tilespmem:s4+$0x0] =	vst v34  }
0x133: {  	v44 =	vld [tilespmem:s25+$0x0];
	_ =	sdelay $0x1  }
0x134: {  	v32 =	vpop (erf)  }
0x135: {  	v45 =	vperm.xlane v34, v1;
	[tilespmem:s4+$0xFFFFFFF0] =	vst v32  }
0x136: {  	v46 =	vld [tilespmem:s25+$0xFFFFFF70]  }
0x137: {  	v44 =	vmul.f32 v44, v45  }
0x138: {  	s9 =	sadd.s32 $0x100, s15  }
0x139: {  	v56 =	vperm.xlane v32, v1;
	[tilespmem:s9+$0x0] =	vst v44  }
0x13a: {  	v44 =	vld [tilespmem:s25+$0x10]  }
0x13b: {  	v45 =	vmul.f32 v46, v56;
	_ =	sdelay $0x1  }
0x13c: {  	v57 =	vperm.xlane v34, v2;
	[tilespmem:s9+$0xFFFFFF80] =	vst v45  }
0x13d: {  	v58 =	vld [tilespmem:s25+$0xFFFFFF80]  }
0x13e: {  	[tilespmem:s15+$0x10] =	vst v43;
	v59 =	vmul.f32 v44, v57  }
0x13f: {  	v31 =	vmul.f32 v40, v31;
	v60 =	vld [tilespmem:s31+$0x20]  }
0x140: {  	v61 =	vperm.xlane v32, v2;
	[tilespmem:s9+$0x10] =	vst v59  }
0x141: {  	[tilespmem:s15+$0xFFFFFF90] =	vst v31;
	v62 =	vld [tilespmem:s25+$0x20]  }
0x142: {  	v63 =	vperm.xlane v21, v3;
	v49 =	vld [tilespmem:s31+$0xFFFFFF90];
	v43 =	vmul.f32 v58, v61;
	_ =	sdelay $0x1  }
0x143: {  	v50 =	vperm.xlane v34, v3;
	v48 =	vmul.f32 v60, v63;
	[tilespmem:s9+$0xFFFFFF90] =	vst v43  }
0x144: {  	v51 =	vld [tilespmem:s25+$0xFFFFFF90]  }
0x145: {  	[tilespmem:s15+$0x20] =	vst v48;
	v52 =	vmul.f32 v62, v50  }
0x146: {  	v28 =	vmul.f32 v49, v28;
	v53 =	vld [tilespmem:s31+$0x30]  }
0x147: {  	v54 =	vperm.xlane v32, v3;
	[tilespmem:s9+$0x20] =	vst v52  }
0x148: {  	v55 =	vperm.xlane v17, v5;
	v38 =	vmul.f32 v38, v41;
	[tilespmem:s5+$0xFFFFFFA0] =	vst v28;
	v56 =	vld [tilespmem:s25+$0x30]  }
0x149: {  	[tilespmem:s30+$0xFFFFFFC0] =	vst v42;
	v60 =	vld [tilespmem:s31+$0xFFFFFFA0];
	v58 =	vperm.xlane v21, v4;
	v57 =	vmul.f32 v51, v54  }
0x14a: {  	[tilespmem:s30+$0x60] =	vst v38;
	v31 =	vmul.f32 v39, v55  }
0x14b: {  	v61 =	vperm.xlane v34, v4;
	v59 =	vmul.f32 v53, v58;
	[tilespmem:s9+$0xFFFFFFA0] =	vst v57  }
0x14c: {  	v19 =	vmul.f32 v35, v19;
	[tilespmem:s0+$0x40] =	vst v31;
	v62 =	vld [tilespmem:s25+$0xFFFFFFA0]  }
0x14d: {  	v63 =	vld [tilespmem:s1+$0x50];
	[tilespmem:s5+$0x30] =	vst v59;
	v40 =	vmul.f32 v56, v61  }
0x14e: {  	[tilespmem:s24+$0xFFFFFFD0] =	vst v19;
	v30 =	vmul.f32 v60, v30;
	v44 =	vld [tilespmem:s31+$0x40]  }
0x14f: {  	v26 =	vmul.f32 v37, v26;
	v46 =	vperm.xlane v32, v4;
	[tilespmem:s9+$0x30] =	vst v40  }
0x150: {  	v47 =	vperm.xlane v17, v6;
	v12 =	vmul.f32 v29, v12;
	[tilespmem:s5+$0xFFFFFFB0] =	vst v30;
	v48 =	vld [tilespmem:s25+$0x40]  }
0x151: {  	[tilespmem:s0+$0xFFFFFFB0] =	vst v26;
	v49 =	vperm.xlane v21, v5;
	v51 =	vld [tilespmem:s31+$0xFFFFFFB0];
	v31 =	vmul.f32 v62, v46  }
0x152: {  	[tilespmem:s13+$0xFFFFFFE0] =	vst v12;
	v26 =	vmul.f32 v63, v47;
	v50 =	vld [tilespmem:s1+$0xFFFFFFB0]  }
0x153: {  	v45 =	vld [tilespmem:s18+$0x70];
	v52 =	vperm.xlane v34, v5;
	v19 =	vmul.f32 v44, v49;
	[tilespmem:s9+$0xFFFFFFB0] =	vst v31  }
0x154: {  	v10 =	vmul.f32 v33, v10;
	[tilespmem:s0+$0x50] =	vst v26;
	v53 =	vld [tilespmem:s25+$0xFFFFFFB0]  }
0x155: {  	v54 =	vld [tilespmem:s1+$0x60];
	[tilespmem:s5+$0x40] =	vst v19;
	v55 =	vmul.f32 v48, v52  }
0x156: {  	v14 =	vperm.xlane v14, v8;
	[tilespmem:s16+$0xFFFFFFF0] =	vst v10;
	v59 =	vmul.f32 v51, v27;
	v56 =	vld [tilespmem:s31+$0x50]  }
0x157: {  	v57 =	vperm.xlane v32, v5;
	v25 =	vmul.f32 v50, v25;
	v61 =	vld [tilespmem:s18+$0xFFFFFFC0];
	[tilespmem:s9+$0x40] =	vst v55  }
0x158: {  	v14 =	vmul.f32 v45, v14;
	v58 =	vperm.xlane v17, v7;
	[tilespmem:s5+$0xFFFFFFC0] =	vst v59;
	v60 =	vld [tilespmem:s25+$0x50]  }
0x159: {  	[tilespmem:s0+$0xFFFFFFC0] =	vst v25;
	v62 =	vperm.xlane v21, v6;
	v35 =	vld [tilespmem:s31+$0xFFFFFFC0];
	v26 =	vmul.f32 v53, v57  }
0x15a: {  	[tilespmem:s30+$0x70] =	vst v14;
	v12 =	vmul.f32 v54, v58;
	v63 =	vld [tilespmem:s1+$0xFFFFFFC0]  }
0x15b: {  	v31 =	vperm.xlane v34, v6;
	v14 =	vmul.f32 v56, v62;
	[tilespmem:s9+$0xFFFFFFC0] =	vst v26  }
0x15c: {  	[tilespmem:s0+$0x60] =	vst v12;
	v10 =	vmul.f32 v61, v18;
	v37 =	vld [tilespmem:s25+$0xFFFFFFC0]  }
0x15d: {  	v41 =	vld [tilespmem:s10+$0xFFFFFFD0];
	[tilespmem:s5+$0x50] =	vst v14;
	v39 =	vmul.f32 v60, v31  }
0x15e: {  	[tilespmem:s30+$0xFFFFFFD0] =	vst v10;
	v44 =	vmul.f32 v35, v36;
	v40 =	vld [tilespmem:s31+$0x60]  }
0x15f: {  	v42 =	vperm.xlane v32, v6;
	v24 =	vmul.f32 v63, v24;
	v45 =	vld [tilespmem:s18+$0xFFFFFFD0];
	[tilespmem:s9+$0x50] =	vst v39  }
0x160: {  	[tilespmem:s5+$0xFFFFFFD0] =	vst v44;
	v10 =	vld [tilespmem:s25+$0x60]  }
0x161: {  	v46 =	vperm.xlane v21, v7;
	[tilespmem:s0+$0xFFFFFFD0] =	vst v24;
	v49 =	vld [tilespmem:s31+$0xFFFFFFD0];
	v12 =	vmul.f32 v37, v42  }
0x162: {  	v50 =	vmul.f32 v41, v13;
	v24 =	vld [tilespmem:s1+$0xFFFFFFD0]  }
0x163: {  	v48 =	vperm.xlane v34, v7;
	v52 =	vld [tilespmem:s20+$0xFFFFFFE0];
	v47 =	vmul.f32 v40, v46;
	[tilespmem:s9+$0xFFFFFFD0] =	vst v12  }
0x164: {  	[tilespmem:s24+$0xFFFFFFE0] =	vst v50;
	v53 =	vperm.xlane v23, v7;
	v16 =	vmul.f32 v45, v16;
	v51 =	vld [tilespmem:s25+$0xFFFFFFD0]  }
0x165: {  	v38 =	vld [tilespmem:s1+$0x70];
	[tilespmem:s5+$0x60] =	vst v47;
	v10 =	vmul.f32 v10, v48  }
0x166: {  	v43 =	vperm.xlane v17, v8;
	v56 =	vld [tilespmem:s10+$0xFFFFFFE0];
	[tilespmem:s30+$0xFFFFFFE0] =	vst v16;
	v17 =	vmul.f32 v49, v53  }
0x167: {  	v55 =	vperm.xlane v32, v7;
	v54 =	vld [tilespmem:s31+$0x70];
	[tilespmem:s9+$0x60] =	vst v10;
	v10 =	vmul.f32 v24, v22  }
0x168: {  	v9 =	vmul.f32 v52, v9;
	v59 =	vld [tilespmem:s18+$0xFFFFFFE0];
	[tilespmem:s5+$0xFFFFFFE0] =	vst v17  }
0x169: {  	v57 =	vld [tilespmem:s25+$0x70];
	[tilespmem:s0+$0xFFFFFFE0] =	vst v10;
	v10 =	vmul.f32 v51, v55  }
0x16a: {  	v58 =	vperm.xlane v21, v8;
	v14 =	vmul.f32 v38, v43;
	s20 =	smulhi.u32 $0x51EB851F, s28;
	[tilespmem:s13+$0xFFFFFFF0] =	vst v9;
	v17 =	vld [tilespmem:s31+$0xFFFFFFE0]  }
0x16b: {  	v9 =	vmul.f32 v56, v11;
	v60 =	vld [tilespmem:s1+$0xFFFFFFE0];
	[tilespmem:s9+$0xFFFFFFE0] =	vst v10  }
0x16c: {  	v61 =	vperm.xlane v34, v8;
	[tilespmem:s0+$0x70] =	vst v14;
	v12 =	vmul.f32 v54, v58;
	s1 =	sshrl.u32 s20, $0x4;
	v10 =	vld [tilespmem:s25+$0xFFFFFFE0]  }
0x16d: {  	v62 =	vperm.xlane v23, v8;
	[tilespmem:s24+$0xFFFFFFF0] =	vst v9;
	v9 =	vmul.f32 v59, v15;
	s1 =	smul.u32 $0x32, s1  }
0x16e: {  	[tilespmem:s5+$0x70] =	vst v12;
	v11 =	vmul.f32 v57, v61  }
0x16f: {  	v63 =	vperm.xlane v32, v8;
	[tilespmem:s30+$0xFFFFFFF0] =	vst v9;
	v9 =	vmul.f32 v17, v62;
	s1 =	ssub.s32 s28, s1  }
0x170: {  	s25 =	sadd.s32 $0x2, s28;
	s1 =	smul.u32 $0xA0, s1;
	[tilespmem:s9+$0x70] =	vst v11;
	v11 =	vmul.f32 v60, v20  }
0x171: {  	[tilespmem:s5+$0xFFFFFFF0] =	vst v9;
	s20 =	simm.s32 $0x17700;
	s28 =	smulhi.u32 $0x51EB851F, s25;
	v10 =	vmul.f32 v10, v63  }
0x172: {  	s20 =	simm.s32 @!p1 $0x16F30;
	s24 =	sshrl.u32 s1, $0x2;
	[tilespmem:s0+$0xFFFFFFF0] =	vst v11  }
0x173: {  	s30 =	simm.s32 $0x1B0D0;
	s1 =	sshrl.u32 s28, $0x4;
	s0 =	sadd.s32 s24, s20;
	[tilespmem:s9+$0xFFFFFFF0] =	vst v10  }
0x174: {  	[spmem:s2] =	stream.indirect.scatter.add.f32 [tilespmem:s30], [sflag:$0x3], $0x80, s0, s29, $0xb8;
	[tilespmem:$0x1E250] =	vst v63  }
0x175: {  	s8 =	simm.s32 $0x1D8D0;
	s31 =	smul.u32 $0x32, s1  }
0x176: {  	[spmem:s3] =	stream.indirect.scatter.add.f32 [tilespmem:s8], [sflag:$0x3], $0x10, s0, s29, $0xb8;
	[tilespmem:$0x1E250] =	vst v63  }
0x177: {  	p1 =	seq.s32 s17, $0x7C;
	s0 =	ssub.s32 s25, s31  }
0x178: {  	p2 =	sne.s32 @!p1 s0, $0x0  }
0x179: {  	p2 =	por p1, p2  }
.Ltmp5:
0x17a: {  	_ = 	snop;
	(pc) =	sbr.rel @p2 .LBB2_10-.Ltmp5, $1  }
0x17b: {  	_ =	sdelay $0x3  }
0x17c: {  	s4 =	smul.u32 $0x7D0, s1  }
0x17d: {  	s25 =	sand.u32 $0x1, s1;
	s5 =	rddreg [dreg:$0x6]  }
0x17e: {  	s1 =	simm.s32 $0x7D0;
	p1 =	seq.s32 s25, $0x1;
	s4 =	sadd.s32 s5, s4  }
0x17f: {  	s8 =	rddreg [dreg:$0x5];
	s1 =	simm.s32 @!p1 $0x0;
	s4 =	sshrl.u32 s4, $0x3  }
0x180: {  	s9 =	simm.s32 $0x0;
	s28 =	sadd.s32 $0x15F90, s1;
	s8 =	sadd.s32 s8, s4  }
0x181: {  	[tilespmem:s28], [sflag:$0x5] =	stream.linear.gather [hbm4b:s8+s9], $0x7D0, $0x38;
	[tilespmem:$0x1E250] =	vst v63  }
0x182: {  	_ =	swait.ge [sflag:s26], $0x7D0  }
0x183: {  	[sflag:s26] =	ssyncset.done $0x0  }
0x184: {  	[sflag:s26] =	ssyncadd.s32 $0xFFFFF830  }
0x185: {  	s31 =	rddreg [dreg:$0x1]  }
0x186: {  	s30 =	sadd.s32 $0x16F30, s1;
	s4 =	sadd.s32 s31, s4  }
0x187: {  	[tilespmem:s30], [sflag:$0x5] =	stream.linear.gather [hbm4b:s4+s9], $0x7D0, $0x38;
	[tilespmem:$0x1E250] =	vst v63  }
0x188: {  	_ =	swait.ge [sflag:s26], $0x7D0  }
0x189: {  	[sflag:s26] =	ssyncset.done $0x0  }
0x18a: {  	[sflag:s26] =	ssyncadd.s32 $0xFFFFF830  }
.LBB2_12:
0x18b: {  	s0 =	smul.u32 $0x28, s0;
	_ =	sdelay $0x1  }
0x18c: {  	s0 =	sadd.s32 s0, s1  }
0x18d: {  	s4 =	simm.s32 $0x17ED0;
	s1 =	sadd.s32 $0x15F90, s0  }
0x18e: {  	[tilespmem:s4], [sflag:$0x1] =	stream.indirect.gather [hbm4b:s6+s29], $0x90, s1, s29, $0xb8;
	[tilespmem:$0x1E250] =	vst v63  }
0x18f: {  	s31 =	simm.s32 $0x1ABD0;
	s0 =	sadd.s32 $0x16F30, s0  }
0x190: {  	[tilespmem:s31], [sflag:$0x1] =	stream.indirect.gather [hbm4b:s7+s29], $0x10, s0, s29, $0xb8;
	[tilespmem:$0x1E250] =	vst v63  }
.LBB2_13:
0x191: {  	_ =	swait.ge [sflag:s11], $0x1680  }
0x192: {  	[sflag:s11] =	ssyncset.done $0x0  }
0x193: {  	[sflag:s11] =	ssyncadd.s32 $0xFFFFE980  }
0x194: {  	_ =	swait.ge [sflag:s11], $0x280  }
0x195: {  	[sflag:s11] =	ssyncset.done $0x0  }
0x196: {  	s0 =	simm.s32 @!p0 $0x4;
	[sflag:s11] =	ssyncadd.s32 $0xFFFFFD80  }
0x197: {  	_ =	swait.ge @!p0 [sflag:s0], $0x1400  }
0x198: {  	[sflag:s0] =	ssyncset.done @!p0 $0x0  }
0x199: {  	[sflag:s0] =	ssyncadd.s32 @!p0 $0xFFFFEC00  }
0x19a: {  	_ =	swait.ge @!p0 [sflag:s0], $0x280  }
0x19b: {  	[sflag:s0] =	ssyncset.done @!p0 $0x0  }
0x19c: {  	s18 =	simm.s32 $0x1AE60;
	[sflag:s0] =	ssyncadd.s32 @!p0 $0xFFFFFD80  }
0x19d: {  	s25 =	simm.s32 $0x195E0;
	v9 =	vld [tilespmem:s18+$0x0]  }
0x19e: {  	v10 =	vld [tilespmem:s25+$0x80];
	_ =	sdelay $0x4  }
0x19f: {  	v9 =	vadd.f32 v10, v9;
	_ =	sdelay $0x1  }
0x1a0: {  	v11 =	vld [tilespmem:s25+$0xFFFFFFF0];
	v10 =	vmul.f32 $2.000000030e-01, v9  }
0x1a1: {  	v12 =	vld [tilespmem:s18+$0xFFFFFFF0];
	vm0 =	vgt.f32 v9, $0.0e+00  }
0x1a2: {  	v9 =	vsel vm0, v9, v10  }
0x1a3: {  	v9 =	vmul.f32 $1.442695020e+00, v9;
	_ =	sdelay $0x1  }
0x1a4: {  	(erf) = vpow2.f32 v9  }
0x1a5: {  	v10 =	vadd.f32 v11, v12;
	_ =	sdelay $0x1  }
0x1a6: {  	v11 =	vmul.f32 $2.000000030e-01, v10  }
0x1a7: {  	vm15 =	vgt.f32 v10, $0.0e+00  }
0x1a8: {  	v9 =	vsel vm15, v10, v11  }
0x1a9: {  	s10 =	simm.s32 $0x19700;
	v9 =	vmul.f32 $1.442695020e+00, v9  }
0x1aa: {  	s24 =	simm.s32 $0x1AE80;
	v10 =	vld [tilespmem:s10+$0x80]  }
0x1ab: {  	(erf) = vpow2.f32 v9;
	v9 =	vld [tilespmem:s24+$0x0]  }
0x1ac: {  	s1 =	simm.s32 $0x1DB60;
	v12 =	vld [tilespmem:s24+$0xFFFFFFF0];
	v15 =	vpop (erf)  }
0x1ad: {  	v11 =	vld [tilespmem:s10+$0xFFFFFFF0];
	[tilespmem:s1+$0x0] =	vst v15  }
0x1ae: {  	v13 =	vld [tilespmem:s25+$0x0];
	_ =	sdelay $0x1  }
0x1af: {  	v10 =	vadd.f32 v10, v9  }
0x1b0: {  	v14 =	vperm.xlane v15, v1  }
0x1b1: {  	v11 =	vadd.f32 v11, v12;
	v12 =	vmul.f32 $2.000000030e-01, v10  }
0x1b2: {  	vm4 =	vgt.f32 v10, $0.0e+00;
	v13 =	vmul.f32 v13, v14  }
0x1b3: {  	s18 =	simm.s32 $0x1C550;
	v10 =	vsel vm4, v10, v12;
	v14 =	vmul.f32 $2.000000030e-01, v11  }
0x1b4: {  	vm5 =	vgt.f32 v11, $0.0e+00;
	v9 =	vpop (erf);
	v10 =	vmul.f32 $1.442695020e+00, v10;
	[tilespmem:s18+$0x0] =	vst v13  }
0x1b5: {  	[tilespmem:s1+$0xFFFFFFF0] =	vst v9;
	v11 =	vsel vm5, v11, v14;
	v13 =	vld [tilespmem:s25+$0x10]  }
0x1b6: {  	v16 =	vld [tilespmem:s25+$0xFFFFFF70];
	(erf) = vpow2.f32 v10;
	v11 =	vmul.f32 $1.442695020e+00, v11;
	_ =	sdelay $0x1  }
0x1b7: {  	(erf) = vpow2.f32 v11;
	v11 =	vperm.xlane v15, v2  }
0x1b8: {  	s13 =	simm.s32 $0x19820;
	v12 =	vperm.xlane v9, v1  }
0x1b9: {  	s1 =	simm.s32 $0x1AEA0;
	v14 =	vld [tilespmem:s13+$0xFFFFFFF0];
	v11 =	vmul.f32 v13, v11  }
0x1ba: {  	v10 =	vmul.f32 v16, v12;
	v12 =	vld [tilespmem:s1+$0x0]  }
0x1bb: {  	v13 =	vld [tilespmem:s13+$0x80];
	[tilespmem:s18+$0x10] =	vst v11  }
0x1bc: {  	[tilespmem:s18+$0xFFFFFF80] =	vst v10;
	v11 =	vld [tilespmem:s25+$0x20]  }
0x1bd: {  	v10 =	vld [tilespmem:s25+$0xFFFFFF80]  }
0x1be: {  	s4 =	simm.s32 $0x1DB80;
	v16 =	vld [tilespmem:s1+$0xFFFFFFF0];
	v20 =	vpop (erf)  }
0x1bf: {  	v17 =	vperm.xlane v15, v3;
	[tilespmem:s4+$0x0] =	vst v20  }
0x1c0: {  	v18 =	vperm.xlane v9, v2;
	v19 =	vld [tilespmem:s10+$0x0];
	v22 =	vpop (erf)  }
0x1c1: {  	v12 =	vadd.f32 v13, v12;
	[tilespmem:s4+$0xFFFFFFF0] =	vst v22;
	v11 =	vmul.f32 v11, v17  }
0x1c2: {  	v10 =	vmul.f32 v10, v18;
	v13 =	vld [tilespmem:s10+$0xFFFFFF70]  }
0x1c3: {  	s9 =	simm.s32 $0x1AEE0;
	v17 =	vperm.xlane v20, v1;
	[tilespmem:s18+$0x20] =	vst v11;
	v11 =	vadd.f32 v14, v16;
	v14 =	vmul.f32 $2.000000030e-01, v12  }
0x1c4: {  	v29 =	vld [tilespmem:s9+$0x0];
	vm6 =	vgt.f32 v12, $0.0e+00  }
0x1c5: {  	s30 =	simm.s32 $0x19A60;
	[tilespmem:s18+$0xFFFFFF90] =	vst v10;
	v10 =	vperm.xlane v22, v1;
	v17 =	vmul.f32 v19, v17;
	v16 =	vld [tilespmem:s25+$0x30];
	v12 =	vsel vm6, v12, v14  }
0x1c6: {  	s16 =	simm.s32 $0x1C650;
	v30 =	vld [tilespmem:s30+$0x80];
	v19 =	vmul.f32 $2.000000030e-01, v11;
	v12 =	vmul.f32 $1.442695020e+00, v12  }
0x1c7: {  	v18 =	vld [tilespmem:s25+$0xFFFFFF90];
	vm7 =	vgt.f32 v11, $0.0e+00;
	[tilespmem:s16+$0x0] =	vst v17;
	v10 =	vmul.f32 v13, v10  }
0x1c8: {  	v13 =	vperm.xlane v15, v4;
	v17 =	vld [tilespmem:s10+$0x10];
	v11 =	vsel vm7, v11, v19;
	(erf) = vpow2.f32 v12  }
0x1c9: {  	v11 =	vmul.f32 $1.442695020e+00, v11  }
0x1ca: {  	v14 =	vperm.xlane v9, v3;
	[tilespmem:s16+$0xFFFFFF80] =	vst v10;
	v12 =	vmul.f32 v16, v13  }
0x1cb: {  	s5 =	simm.s32 $0x1AEC0;
	v29 =	vadd.f32 v30, v29;
	v10 =	vld [tilespmem:s10+$0xFFFFFF80];
	(erf) = vpow2.f32 v11;
	v11 =	vperm.xlane v20, v2  }
0x1cc: {  	v13 =	vmul.f32 v18, v14;
	v14 =	vld [tilespmem:s5+$0x0];
	[tilespmem:s18+$0x30] =	vst v12  }
0x1cd: {  	v55 =	vmul.f32 $2.000000030e-01, v29;
	s24 =	simm.s32 $0x19940;
	v12 =	vld [tilespmem:s25+$0x40];
	v11 =	vmul.f32 v17, v11  }
0x1ce: {  	vm10 =	vgt.f32 v29, $0.0e+00;
	v16 =	vld [tilespmem:s24+$0x80]  }
0x1cf: {  	v21 =	vld [tilespmem:s5+$0xFFFFFFF0];
	v29 =	vsel vm10, v29, v55;
	[tilespmem:s16+$0x10] =	vst v11  }
0x1d0: {  	v29 =	vmul.f32 $1.442695020e+00, v29;
	[tilespmem:s18+$0xFFFFFFA0] =	vst v13;
	v11 =	vperm.xlane v15, v5;
	v17 =	vld [tilespmem:s10+$0x20]  }
0x1d1: {  	s8 =	simm.s32 $0x1DBA0;
	v37 =	vperm.xlane v15, v7;
	v18 =	vperm.xlane v22, v2;
	v13 =	vld [tilespmem:s25+$0xFFFFFFA0];
	v27 =	vpop (erf)  }
0x1d2: {  	v28 =	vperm.xlane v9, v7;
	v19 =	vld [tilespmem:s24+$0xFFFFFFF0];
	v12 =	vmul.f32 v12, v11;
	[tilespmem:s8+$0x0] =	vst v27  }
0x1d3: {  	v10 =	vmul.f32 v10, v18;
	v18 =	vperm.xlane v20, v3;
	v14 =	vadd.f32 v16, v14;
	v23 =	vld [tilespmem:s13+$0x0]  }
0x1d4: {  	v25 =	vperm.xlane v22, v3;
	[tilespmem:s18+$0x40] =	vst v12;
	v12 =	vperm.xlane v9, v4  }
0x1d5: {  	[tilespmem:s16+$0xFFFFFF90] =	vst v10;
	v11 =	vpop (erf);
	v24 =	vld [tilespmem:s25+$0x50];
	v10 =	vmul.f32 v17, v18;
	v18 =	vmul.f32 $2.000000030e-01, v14  }
0x1d6: {  	vm8 =	vgt.f32 v14, $0.0e+00;
	[tilespmem:s8+$0xFFFFFFF0] =	vst v11;
	v17 =	vld [tilespmem:s10+$0xFFFFFF90];
	v12 =	vmul.f32 v13, v12;
	v13 =	vperm.xlane v27, v1  }
0x1d7: {  	v16 =	vld [tilespmem:s13+$0xFFFFFF70];
	[tilespmem:s16+$0x20] =	vst v10;
	v10 =	vadd.f32 v19, v21;
	v19 =	vperm.xlane v15, v6;
	v14 =	vsel vm8, v14, v18  }
0x1d8: {  	v14 =	vmul.f32 $1.442695020e+00, v14;
	v13 =	vmul.f32 v23, v13;
	v23 =	vld [tilespmem:s10+$0x30]  }
0x1d9: {  	s1 =	simm.s32 $0x1C750;
	v21 =	vperm.xlane v11, v1;
	v26 =	vmul.f32 $2.000000030e-01, v10  }
0x1da: {  	vm9 =	vgt.f32 v10, $0.0e+00;
	v18 =	vmul.f32 v24, v19;
	(erf) = vpow2.f32 v14;
	[tilespmem:s1+$0x0] =	vst v13  }
0x1db: {  	[tilespmem:s18+$0xFFFFFFB0] =	vst v12;
	v10 =	vsel vm9, v10, v26;
	v13 =	vmul.f32 v17, v25;
	v17 =	vperm.xlane v20, v4;
	v12 =	vld [tilespmem:s13+$0x10]  }
0x1dc: {  	v56 =	vperm.xlane v20, v6;
	v10 =	vmul.f32 $1.442695020e+00, v10  }
0x1dd: {  	v16 =	vmul.f32 v16, v21;
	[tilespmem:s18+$0x50] =	vst v18;
	v14 =	vmul.f32 v23, v17  }
0x1de: {  	v34 =	vld [tilespmem:s30+$0xFFFFFFF0];
	[tilespmem:s16+$0xFFFFFFA0] =	vst v13;
	v13 =	vperm.xlane v27, v2;
	(erf) = vpow2.f32 v10  }
0x1df: {  	v19 =	vld [tilespmem:s25+$0xFFFFFFB0];
	v18 =	vperm.xlane v9, v5;
	v23 =	vperm.xlane v9, v6;
	[tilespmem:s16+$0x30] =	vst v14  }
0x1e0: {  	v10 =	vperm.xlane v9, v8;
	v9 =	vmul.f32 v12, v13;
	v13 =	vld [tilespmem:s10+$0x40]  }
0x1e1: {  	v25 =	vperm.xlane v22, v4;
	v26 =	vperm.xlane v22, v5;
	[tilespmem:s1+$0xFFFFFF80] =	vst v16;
	v16 =	vld [tilespmem:s25+$0x60]  }
0x1e2: {  	v21 =	vperm.xlane v22, v6;
	v17 =	vld [tilespmem:s13+$0xFFFFFF80];
	v12 =	vperm.xlane v22, v7;
	[tilespmem:s1+$0x10] =	vst v9  }
0x1e3: {  	v9 =	vperm.xlane v22, v8;
	v22 =	vperm.xlane v20, v5;
	v31 =	vld [tilespmem:s13+$0x20]  }
0x1e4: {  	v40 =	vperm.xlane v20, v7;
	s4 =	simm.s32 $0x1DBC0;
	v38 =	vperm.xlane v27, v3;
	v24 =	vld [tilespmem:s10+$0xFFFFFFA0];
	v14 =	vpop (erf)  }
0x1e5: {  	v36 =	vld [tilespmem:s9+$0xFFFFFFF0];
	v32 =	vperm.xlane v11, v2;
	[tilespmem:s4+$0x0] =	vst v14;
	v13 =	vmul.f32 v13, v22  }
0x1e6: {  	v48 =	vperm.xlane v27, v6;
	v18 =	vmul.f32 v19, v18;
	v19 =	vld [tilespmem:s24+$0x0]  }
0x1e7: {  	v33 =	vperm.xlane v11, v3;
	v17 =	vmul.f32 v17, v32;
	v39 =	vpop (erf);
	[tilespmem:s16+$0x40] =	vst v13  }
0x1e8: {  	v13 =	vmul.f32 v16, v37;
	[tilespmem:s4+$0xFFFFFFF0] =	vst v39;
	v16 =	vmul.f32 v31, v38;
	v31 =	vld [tilespmem:s10+$0x50]  }
0x1e9: {  	s0 =	simm.s32 $0x19B80;
	v24 =	vmul.f32 v24, v25;
	v30 =	vperm.xlane v14, v1;
	[tilespmem:s1+$0xFFFFFF90] =	vst v17;
	v25 =	vld [tilespmem:s24+$0xFFFFFF70]  }
0x1ea: {  	v61 =	vld [tilespmem:s0+$0x80];
	v35 =	vperm.xlane v11, v4;
	v15 =	vperm.xlane v15, v8;
	[tilespmem:s1+$0x20] =	vst v16  }
0x1eb: {  	s12 =	simm.s32 $0x1AF00;
	(erf) = vpow2.f32 v29;
	[tilespmem:s16+$0xFFFFFFB0] =	vst v24;
	v19 =	vmul.f32 v19, v30;
	v16 =	vadd.f32 v34, v36;
	v57 =	vld [tilespmem:s13+$0x30]  }
0x1ec: {  	s31 =	simm.s32 $0x1C850;
	v62 =	vld [tilespmem:s12+$0xFFFFFFF0];
	v20 =	vperm.xlane v20, v8;
	v17 =	vperm.xlane v39, v1;
	[tilespmem:s18+$0x60] =	vst v13  }
0x1ed: {  	v13 =	vld [tilespmem:s13+$0xFFFFFF90];
	[tilespmem:s31+$0x0] =	vst v19;
	v30 =	vmul.f32 $2.000000030e-01, v16;
	v24 =	vmul.f32 v31, v56  }
0x1ee: {  	[tilespmem:s18+$0xFFFFFFC0] =	vst v18;
	vm11 =	vgt.f32 v16, $0.0e+00;
	v18 =	vld [tilespmem:s24+$0x10];
	v17 =	vmul.f32 v25, v17;
	v25 =	vperm.xlane v27, v4  }
0x1ef: {  	v42 =	vperm.xlane v14, v3;
	v52 =	vperm.xlane v14, v4;
	v58 =	vld [tilespmem:s25+$0x70];
	v16 =	vsel vm11, v16, v30  }
0x1f0: {  	v31 =	vld [tilespmem:s10+$0xFFFFFFB0];
	v16 =	vmul.f32 $1.442695020e+00, v16;
	[tilespmem:s16+$0x50] =	vst v24;
	v24 =	vmul.f32 v57, v25  }
0x1f1: {  	v29 =	vld [tilespmem:s25+$0xFFFFFFC0];
	v22 =	vperm.xlane v11, v5;
	[tilespmem:s31+$0xFFFFFF80] =	vst v17;
	v17 =	vperm.xlane v14, v2  }
0x1f2: {  	v60 =	vperm.xlane v39, v3;
	v30 =	vld [tilespmem:s10+$0x60];
	(erf) = vpow2.f32 v16;
	[tilespmem:s1+$0x30] =	vst v24  }
0x1f3: {  	v37 =	vperm.xlane v39, v4;
	v17 =	vmul.f32 v18, v17;
	v24 =	vld [tilespmem:s13+$0x40]  }
0x1f4: {  	v32 =	vperm.xlane v39, v5;
	v25 =	vmul.f32 v13, v33;
	v16 =	vld [tilespmem:s24+$0xFFFFFF80]  }
0x1f5: {  	v34 =	vmul.f32 v58, v15;
	v15 =	vld [tilespmem:s12+$0x0];
	v26 =	vmul.f32 v31, v26;
	[tilespmem:s31+$0x10] =	vst v17  }
0x1f6: {  	v23 =	vmul.f32 v29, v23;
	v18 =	vperm.xlane v27, v5;
	[tilespmem:s1+$0xFFFFFFA0] =	vst v25;
	v41 =	vld [tilespmem:s24+$0x20]  }
0x1f7: {  	s5 =	simm.s32 $0x1DBE0;
	v25 =	vperm.xlane v39, v2;
	v31 =	vld [tilespmem:s0+$0xFFFFFFF0];
	[tilespmem:s16+$0xFFFFFFC0] =	vst v26;
	v17 =	vpop (erf);
	v30 =	vmul.f32 v30, v40  }
0x1f8: {  	v19 =	vperm.xlane v11, v6;
	v59 =	vld [tilespmem:s13+$0xFFFFFFA0];
	[tilespmem:s5+$0x0] =	vst v17;
	v24 =	vmul.f32 v24, v18  }
0x1f9: {  	v13 =	vperm.xlane v11, v7;
	v25 =	vmul.f32 v16, v25;
	v43 =	vld [tilespmem:s30+$0x0];
	[tilespmem:s16+$0x60] =	vst v30  }
0x1fa: {  	v11 =	vperm.xlane v11, v8;
	v63 =	vadd.f32 v61, v15;
	v15 =	vperm.xlane v39, v8;
	v51 =	vld [tilespmem:s10+$0xFFFFFFC0];
	[tilespmem:s1+$0x40] =	vst v24  }
0x1fb: {  	v16 =	vperm.xlane v39, v7;
	[tilespmem:s31+$0xFFFFFF90] =	vst v25;
	v25 =	vmul.f32 v41, v42;
	v44 =	vpop (erf);
	v24 =	vld [tilespmem:s13+$0x50]  }
0x1fc: {  	v30 =	vperm.xlane v17, v1;
	v18 =	vperm.xlane v39, v6;
	v46 =	vld [tilespmem:s24+$0xFFFFFF90];
	[tilespmem:s5+$0xFFFFFFF0] =	vst v44  }
0x1fd: {  	v29 =	vmul.f32 v59, v35;
	[tilespmem:s31+$0x20] =	vst v25;
	v25 =	vadd.f32 v31, v62;
	v31 =	vmul.f32 $2.000000030e-01, v63;
	v45 =	vld [tilespmem:s30+$0xFFFFFF70]  }
0x1fe: {  	vm12 =	vgt.f32 v63, $0.0e+00;
	v41 =	vperm.xlane v14, v7;
	v30 =	vmul.f32 v43, v30;
	v49 =	vld [tilespmem:s24+$0x30]  }
0x1ff: {  	v47 =	vld [tilespmem:s10+$0x70];
	[tilespmem:s1+$0xFFFFFFB0] =	vst v29;
	v33 =	vmul.f32 v51, v21;
	s5 =	simm.s32 $0x1C950;
	v26 =	vmul.f32 $2.000000030e-01, v25;
	v31 =	vsel vm12, v63, v31  }
0x200: {  	v50 =	vld [tilespmem:s13+$0xFFFFFFB0];
	vm13 =	vgt.f32 v25, $0.0e+00;
	v31 =	vmul.f32 $1.442695020e+00, v31;
	[tilespmem:s5+$0x0] =	vst v30;
	v24 =	vmul.f32 v24, v48  }
0x201: {  	s15 =	simm.s32 $0x1AF20;
	[tilespmem:s18+$0xFFFFFFD0] =	vst v23;
	v29 =	vperm.xlane v44, v1;
	v30 =	vmul.f32 v46, v60;
	v25 =	vsel vm13, v25, v26;
	v26 =	vld [tilespmem:s30+$0x10]  }
0x202: {  	v55 =	vld [tilespmem:s15+$0x0];
	v23 =	vmul.f32 $1.442695020e+00, v25;
	(erf) = vpow2.f32 v31;
	[tilespmem:s1+$0x50] =	vst v24  }
0x203: {  	v29 =	vmul.f32 v45, v29;
	v25 =	vmul.f32 v49, v52;
	v24 =	vld [tilespmem:s13+$0x60]  }
0x204: {  	v31 =	vld [tilespmem:s25+$0xFFFFFFD0];
	[tilespmem:s31+$0xFFFFFFA0] =	vst v30;
	(erf) = vpow2.f32 v23;
	v23 =	vperm.xlane v17, v2  }
0x205: {  	v54 =	vmul.f32 v47, v20;
	v57 =	vmul.f32 v50, v22;
	v53 =	vld [tilespmem:s24+$0xFFFFFFA0];
	[tilespmem:s31+$0x30] =	vst v25  }
0x206: {  	[tilespmem:s5+$0xFFFFFF80] =	vst v29;
	v25 =	vperm.xlane v27, v7;
	v20 =	vmul.f32 v26, v23;
	v23 =	vld [tilespmem:s24+$0x40]  }
0x207: {  	s28 =	simm.s32 $0x19CA0;
	v38 =	vperm.xlane v44, v3;
	v62 =	vperm.xlane v17, v3;
	v29 =	vld [tilespmem:s30+$0xFFFFFF80]  }
0x208: {  	v56 =	vld [tilespmem:s28+$0x80];
	v30 =	vperm.xlane v44, v2;
	[tilespmem:s1+$0xFFFFFFC0] =	vst v57;
	v24 =	vmul.f32 v24, v25  }
0x209: {  	v61 =	vld [tilespmem:s15+$0xFFFFFFF0];
	v63 =	vmul.f32 v31, v28;
	[tilespmem:s5+$0x10] =	vst v20;
	v20 =	vperm.xlane v14, v5  }
0x20a: {  	v22 =	vperm.xlane v44, v7;
	v27 =	vperm.xlane v27, v8;
	v58 =	vld [tilespmem:s30+$0x20];
	[tilespmem:s1+$0x60] =	vst v24  }
0x20b: {  	s12 =	simm.s32 $0x1DC00;
	v26 =	vperm.xlane v44, v4;
	[tilespmem:s18+$0xFFFFFFE0] =	vst v63;
	v21 =	vpop (erf);
	v60 =	vmul.f32 v23, v20;
	v59 =	vld [tilespmem:s13+$0x70]  }
0x20c: {  	v35 =	vmul.f32 v53, v37;
	v29 =	vmul.f32 v29, v30;
	v30 =	vld [tilespmem:s28+$0xFFFFFFF0];
	[tilespmem:s12+$0x0] =	vst v21  }
0x20d: {  	v53 =	vperm.xlane v14, v6;
	v25 =	vperm.xlane v44, v5;
	v45 =	vld [tilespmem:s0+$0x0];
	v23 =	vpop (erf);
	[tilespmem:s31+$0x40] =	vst v60  }
0x20e: {  	v20 =	vperm.xlane v44, v8;
	v24 =	vperm.xlane v44, v6;
	[tilespmem:s12+$0xFFFFFFF0] =	vst v23;
	v46 =	vld [tilespmem:s24+$0x50]  }
0x20f: {  	v63 =	vperm.xlane v21, v2;
	[tilespmem:s5+$0xFFFFFF90] =	vst v29;
	v29 =	vadd.f32 v56, v55;
	v42 =	vmul.f32 v58, v62;
	v49 =	vld [tilespmem:s0+$0xFFFFFF70]  }
0x210: {  	[tilespmem:s31+$0xFFFFFFB0] =	vst v35;
	v51 =	vld [tilespmem:s30+$0xFFFFFF90];
	v50 =	vmul.f32 v59, v27;
	v27 =	vperm.xlane v21, v1  }
0x211: {  	v35 =	vld [tilespmem:s13+$0xFFFFFFC0];
	v60 =	vperm.xlane v17, v4;
	v37 =	vadd.f32 v30, v61;
	[tilespmem:s5+$0x20] =	vst v42;
	v30 =	vmul.f32 $2.000000030e-01, v29  }
0x212: {  	[tilespmem:s16+$0x70] =	vst v54;
	v48 =	vperm.xlane v23, v1;
	vm14 =	vgt.f32 v29, $0.0e+00;
	v54 =	vld [tilespmem:s30+$0x30];
	v27 =	vmul.f32 v45, v27  }
0x213: {  	s15 =	simm.s32 $0x1CA50;
	[tilespmem:s16+$0xFFFFFFD0] =	vst v33;
	v52 =	vld [tilespmem:s24+$0xFFFFFFB0];
	v55 =	vmul.f32 $2.000000030e-01, v37;
	v29 =	vsel vm14, v29, v30;
	v56 =	vmul.f32 v46, v53  }
0x214: {  	v33 =	vld [tilespmem:s25+$0xFFFFFFE0];
	vm15 =	vgt.f32 v37, $0.0e+00;
	v57 =	vmul.f32 $1.442695020e+00, v29;
	v36 =	vmul.f32 v49, v48;
	[tilespmem:s15+$0x0] =	vst v27  }
0x215: {  	v31 =	vperm.xlane v23, v2;
	v59 =	vmul.f32 v51, v38;
	[tilespmem:s31+$0x50] =	vst v56;
	v27 =	vsel vm15, v37, v55;
	v58 =	vld [tilespmem:s0+$0x10]  }
0x216: {  	(erf) = vpow2.f32 v57;
	[tilespmem:s15+$0xFFFFFF80] =	vst v36;
	v38 =	vld [tilespmem:s24+$0x60];
	v61 =	vmul.f32 $1.442695020e+00, v27  }
0x217: {  	v28 =	vperm.xlane v23, v3;
	[tilespmem:s5+$0xFFFFFFA0] =	vst v59;
	v62 =	vmul.f32 v54, v60;
	v40 =	vld [tilespmem:s0+$0xFFFFFF80]  }
0x218: {  	[tilespmem:s18+$0x70] =	vst v34;
	v42 =	vmul.f32 v52, v32;
	v37 =	vld [tilespmem:s30+$0xFFFFFFA0];
	(erf) = vpow2.f32 v61  }
0x219: {  	v30 =	vperm.xlane v23, v4;
	v29 =	vld [tilespmem:s10+$0xFFFFFFD0];
	v36 =	vperm.xlane v23, v6;
	[tilespmem:s5+$0x30] =	vst v62  }
0x21a: {  	s8 =	simm.s32 $0x1AF40;
	s4 =	simm.s32 $0xC;
	s25 =	simm.s32 $0x1CA50;
	[tilespmem:s1+$0x70] =	vst v50;
	v27 =	vperm.xlane v23, v5;
	v39 =	vld [tilespmem:s30+$0x40];
	v43 =	vmul.f32 v58, v63  }
.LBB2_14:
0x21b: {  	v32 =	vld [tilespmem:s8+$0x0];
	[tilespmem:s31+$0xFFFFFFC0] =	vst v42;
	v34 =	vmul.f32 v38, v41;
	v35 =	vmul.f32 v35, v19;
	v19 =	vmovc v18;
	v18 =	vmov v24;
	s9 =	smov.u32 s28;
	s28 =	sadd.s32 $0x120, s28  }
0x21c: {  	v38 =	vld [tilespmem:s28+$0x80];
	v31 =	vmul.f32 v40, v31;
	v40 =	vperm.xlane v23, v7;
	[tilespmem:s15+$0x10] =	vst v43;
	v24 =	vmov v36  }
0x21d: {  	v41 =	vperm.xlane v17, v5;
	v36 =	vld [tilespmem:s0+$0x20];
	v37 =	vmul.f32 v37, v26;
	[tilespmem:s31+$0x60] =	vst v34;
	v26 =	vmov v30  }
0x21e: {  	v29 =	vmul.f32 v29, v12;
	v12 =	vmovc v13;
	v13 =	vmov v16;
	v30 =	vperm.xlane v23, v8;
	[tilespmem:s15+$0xFFFFFF90] =	vst v31;
	v34 =	vld [tilespmem:s24+$0x70]  }
0x21f: {  	s4 =	sadd.s32 $0x2, s4;
	s12 =	sadd.s32 $0x20, s12;
	v16 =	vmov v22;
	v33 =	vmul.f32 v33, v10;
	v42 =	vld [tilespmem:s28+$0xFFFFFFF0];
	v43 =	vpop (erf);
	[tilespmem:s5+$0xFFFFFFB0] =	vst v37;
	v31 =	vmul.f32 v39, v41  }
0x220: {  	p0 =	slt.u32 s4, $0x26;
	v22 =	vmovc v40;
	v10 =	vmovc v9;
	v9 =	vmov v11;
	v11 =	vmov v15;
	v39 =	vperm.xlane v21, v3;
	v37 =	vld [tilespmem:s8+$0xFFFFFFF0];
	[tilespmem:s12+$0x0] =	vst v43  }
0x221: {  	v15 =	vmov v20;
	v41 =	vperm.xlane v14, v8;
	v20 =	vmov v30;
	v40 =	vld [tilespmem:s9+$0x0];
	v23 =	vpop (erf);
	[tilespmem:s5+$0x40] =	vst v31  }
0x222: {  	v14 =	vmovc v17;
	v17 =	vmov v21;
	[tilespmem:s12+$0xFFFFFFF0] =	vst v23;
	v44 =	vperm.xlane v23, v1;
	v30 =	vmul.f32 v36, v39;
	v36 =	vld [tilespmem:s30+$0x50]  }
0x223: {  	v32 =	vadd.f32 v38, v32;
	v31 =	vperm.xlane v23, v2;
	v38 =	vld [tilespmem:s9+$0xFFFFFF70];
	v34 =	vmul.f32 v34, v41;
	[tilespmem:s1+$0xFFFFFFD0] =	vst v35  }
0x224: {  	v21 =	vmov v43;
	v39 =	vperm.xlane v23, v3;
	v35 =	vperm.xlane v43, v1;
	v41 =	vld [tilespmem:s0+$0xFFFFFF90];
	[tilespmem:s15+$0x20] =	vst v30  }
0x225: {  	v45 =	vperm.xlane v14, v6;
	v37 =	vadd.f32 v42, v37;
	v42 =	vmul.f32 $2.000000030e-01, v32;
	v43 =	vld [tilespmem:s30+$0xFFFFFFB0];
	[tilespmem:s31+$0x70] =	vst v34  }
0x226: {  	vm0 =	vgt.f32 v32, $0.0e+00;
	v30 =	vperm.xlane v23, v4;
	v34 =	vmul.f32 v40, v35;
	v46 =	vld [tilespmem:s0+$0x30];
	[tilespmem:s16+$0xFFFFFFE0] =	vst v29  }
0x227: {  	s15 =	sadd.s32 $0x100, s15;
	v40 =	vmul.f32 $2.000000030e-01, v37;
	v29 =	vsel vm0, v32, v42;
	v32 =	vmul.f32 v36, v45;
	v35 =	vld [tilespmem:s24+$0xFFFFFFC0];
	[tilespmem:s18+$0xFFFFFFF0] =	vst v33;
	s18 =	smov.u32 s16;
	s16 =	smov.u32 s1  }
0x228: {  	vm0 =	vgt.f32 v37, $0.0e+00;
	s1 =	smov.u32 s31;
	s31 =	smov.u32 s5;
	s5 =	smov.u32 s25;
	v33 =	vmul.f32 $1.442695020e+00, v29;
	v36 =	vmul.f32 v38, v44;
	[tilespmem:s15+$0x0] =	vst v34;
	v29 =	vld [tilespmem:s13+$0xFFFFFFD0]  }
0x229: {  	s25 =	smov.u32 s15;
	v34 =	vsel vm0, v37, v40;
	v44 =	vld [tilespmem:s9+$0x10];
	v37 =	vmul.f32 v41, v28;
	v41 =	vperm.xlane v17, v4;
	[tilespmem:s31+$0x50] =	vst v32  }
.Ltmp6:
0x22a: {  	v28 =	vmov v39;
	v32 =	vmul.f32 $1.442695020e+00, v34;
	(erf) = vpow2.f32 v33;
	[tilespmem:s15+$0xFFFFFF80] =	vst v36;
	v38 =	vld [tilespmem:s30+$0x60];
	(pc) =	sbr.rel @p0 .LBB2_14-.Ltmp6, $4  }
0x22b: {  	v34 =	vperm.xlane v23, v5;
	v40 =	vld [tilespmem:s9+$0xFFFFFF80];
	[tilespmem:s5+$0xFFFFFFA0] =	vst v37;
	v33 =	vmul.f32 v46, v41  }
0x22c: {  	(erf) = vpow2.f32 v32;
	v32 =	vperm.xlane v21, v2;
	v37 =	vld [tilespmem:s0+$0xFFFFFFA0]  }
0x22d: {  	v42 =	vmul.f32 v43, v25;
	v25 =	vmovc v27;
	v41 =	vperm.xlane v14, v7;
	v27 =	vmov v34;
	[tilespmem:s5+$0x30] =	vst v33;
	v33 =	vld [tilespmem:s10+$0xFFFFFFE0];
	s10 =	smov.u32 s13;
	s13 =	smov.u32 s24;
	s24 =	smov.u32 s30  }
0x22e: {  	s8 =	sadd.s32 $0x20, s8;
	v36 =	vperm.xlane v23, v6;
	s30 =	smov.u32 s0;
	v43 =	vmul.f32 v44, v32;
	v39 =	vld [tilespmem:s0+$0x40];
	s0 =	smov.u32 s9  }
0x22f: {  	_ =	sdelay $0x3  }
0x230: {  	s4 =	sadd.s32 $0x20, s12;
	v34 =	vpop (erf)  }
0x231: {  	[tilespmem:s4+$0x0] =	vst v34  }
0x232: {  	v44 =	vld [tilespmem:s28+$0x0];
	_ =	sdelay $0x1  }
0x233: {  	v32 =	vpop (erf)  }
0x234: {  	v45 =	vperm.xlane v34, v1;
	[tilespmem:s4+$0xFFFFFFF0] =	vst v32  }
0x235: {  	v46 =	vld [tilespmem:s28+$0xFFFFFF70]  }
0x236: {  	v44 =	vmul.f32 v44, v45  }
0x237: {  	s9 =	sadd.s32 $0x100, s15  }
0x238: {  	v56 =	vperm.xlane v32, v1;
	[tilespmem:s9+$0x0] =	vst v44  }
0x239: {  	v44 =	vld [tilespmem:s28+$0x10]  }
0x23a: {  	v45 =	vmul.f32 v46, v56;
	_ =	sdelay $0x1  }
0x23b: {  	v57 =	vperm.xlane v34, v2;
	[tilespmem:s9+$0xFFFFFF80] =	vst v45  }
0x23c: {  	v58 =	vld [tilespmem:s28+$0xFFFFFF80]  }
0x23d: {  	[tilespmem:s15+$0x10] =	vst v43;
	v59 =	vmul.f32 v44, v57  }
0x23e: {  	v31 =	vmul.f32 v40, v31;
	v60 =	vld [tilespmem:s0+$0x20]  }
0x23f: {  	v61 =	vperm.xlane v32, v2;
	[tilespmem:s9+$0x10] =	vst v59  }
0x240: {  	[tilespmem:s15+$0xFFFFFF90] =	vst v31;
	v62 =	vld [tilespmem:s28+$0x20]  }
0x241: {  	v63 =	vperm.xlane v21, v3;
	v49 =	vld [tilespmem:s0+$0xFFFFFF90];
	v43 =	vmul.f32 v58, v61;
	_ =	sdelay $0x1  }
0x242: {  	v50 =	vperm.xlane v34, v3;
	v48 =	vmul.f32 v60, v63;
	[tilespmem:s9+$0xFFFFFF90] =	vst v43  }
0x243: {  	v51 =	vld [tilespmem:s28+$0xFFFFFF90]  }
0x244: {  	[tilespmem:s15+$0x20] =	vst v48;
	v52 =	vmul.f32 v62, v50  }
0x245: {  	v28 =	vmul.f32 v49, v28;
	v53 =	vld [tilespmem:s0+$0x30]  }
0x246: {  	v54 =	vperm.xlane v32, v3;
	[tilespmem:s9+$0x20] =	vst v52  }
0x247: {  	v55 =	vperm.xlane v17, v5;
	v38 =	vmul.f32 v38, v41;
	[tilespmem:s25+$0xFFFFFFA0] =	vst v28;
	v56 =	vld [tilespmem:s28+$0x30]  }
0x248: {  	[tilespmem:s31+$0xFFFFFFC0] =	vst v42;
	v60 =	vld [tilespmem:s0+$0xFFFFFFA0];
	v58 =	vperm.xlane v21, v4;
	v57 =	vmul.f32 v51, v54  }
0x249: {  	[tilespmem:s31+$0x60] =	vst v38;
	v31 =	vmul.f32 v39, v55  }
0x24a: {  	v61 =	vperm.xlane v34, v4;
	v59 =	vmul.f32 v53, v58;
	[tilespmem:s9+$0xFFFFFFA0] =	vst v57  }
0x24b: {  	v19 =	vmul.f32 v35, v19;
	[tilespmem:s5+$0x40] =	vst v31;
	v62 =	vld [tilespmem:s28+$0xFFFFFFA0]  }
0x24c: {  	v63 =	vld [tilespmem:s30+$0x50];
	[tilespmem:s25+$0x30] =	vst v59;
	v40 =	vmul.f32 v56, v61  }
0x24d: {  	[tilespmem:s1+$0xFFFFFFD0] =	vst v19;
	v30 =	vmul.f32 v60, v30;
	v44 =	vld [tilespmem:s0+$0x40]  }
0x24e: {  	v26 =	vmul.f32 v37, v26;
	v46 =	vperm.xlane v32, v4;
	[tilespmem:s9+$0x30] =	vst v40  }
0x24f: {  	v47 =	vperm.xlane v17, v6;
	v12 =	vmul.f32 v29, v12;
	[tilespmem:s25+$0xFFFFFFB0] =	vst v30;
	v48 =	vld [tilespmem:s28+$0x40]  }
0x250: {  	[tilespmem:s5+$0xFFFFFFB0] =	vst v26;
	v49 =	vperm.xlane v21, v5;
	v51 =	vld [tilespmem:s0+$0xFFFFFFB0];
	v31 =	vmul.f32 v62, v46  }
0x251: {  	[tilespmem:s16+$0xFFFFFFE0] =	vst v12;
	v26 =	vmul.f32 v63, v47;
	v50 =	vld [tilespmem:s30+$0xFFFFFFB0]  }
0x252: {  	v45 =	vld [tilespmem:s24+$0x70];
	v52 =	vperm.xlane v34, v5;
	v19 =	vmul.f32 v44, v49;
	[tilespmem:s9+$0xFFFFFFB0] =	vst v31  }
0x253: {  	v10 =	vmul.f32 v33, v10;
	[tilespmem:s5+$0x50] =	vst v26;
	v53 =	vld [tilespmem:s28+$0xFFFFFFB0]  }
0x254: {  	v54 =	vld [tilespmem:s30+$0x60];
	[tilespmem:s25+$0x40] =	vst v19;
	v55 =	vmul.f32 v48, v52  }
0x255: {  	v14 =	vperm.xlane v14, v8;
	[tilespmem:s18+$0xFFFFFFF0] =	vst v10;
	v59 =	vmul.f32 v51, v27;
	v56 =	vld [tilespmem:s0+$0x50]  }
0x256: {  	v57 =	vperm.xlane v32, v5;
	v25 =	vmul.f32 v50, v25;
	v61 =	vld [tilespmem:s24+$0xFFFFFFC0];
	[tilespmem:s9+$0x40] =	vst v55  }
0x257: {  	v14 =	vmul.f32 v45, v14;
	v58 =	vperm.xlane v17, v7;
	[tilespmem:s25+$0xFFFFFFC0] =	vst v59;
	v60 =	vld [tilespmem:s28+$0x50]  }
0x258: {  	[tilespmem:s5+$0xFFFFFFC0] =	vst v25;
	v62 =	vperm.xlane v21, v6;
	v35 =	vld [tilespmem:s0+$0xFFFFFFC0];
	v26 =	vmul.f32 v53, v57  }
0x259: {  	[tilespmem:s31+$0x70] =	vst v14;
	v12 =	vmul.f32 v54, v58;
	v63 =	vld [tilespmem:s30+$0xFFFFFFC0]  }
0x25a: {  	v31 =	vperm.xlane v34, v6;
	v14 =	vmul.f32 v56, v62;
	[tilespmem:s9+$0xFFFFFFC0] =	vst v26  }
0x25b: {  	[tilespmem:s5+$0x60] =	vst v12;
	v10 =	vmul.f32 v61, v18;
	v37 =	vld [tilespmem:s28+$0xFFFFFFC0]  }
0x25c: {  	v41 =	vld [tilespmem:s13+$0xFFFFFFD0];
	[tilespmem:s25+$0x50] =	vst v14;
	v39 =	vmul.f32 v60, v31  }
0x25d: {  	[tilespmem:s31+$0xFFFFFFD0] =	vst v10;
	v44 =	vmul.f32 v35, v36;
	v40 =	vld [tilespmem:s0+$0x60]  }
0x25e: {  	v42 =	vperm.xlane v32, v6;
	v24 =	vmul.f32 v63, v24;
	v45 =	vld [tilespmem:s24+$0xFFFFFFD0];
	[tilespmem:s9+$0x50] =	vst v39  }
0x25f: {  	[tilespmem:s25+$0xFFFFFFD0] =	vst v44;
	v10 =	vld [tilespmem:s28+$0x60]  }
0x260: {  	v46 =	vperm.xlane v21, v7;
	[tilespmem:s5+$0xFFFFFFD0] =	vst v24;
	v49 =	vld [tilespmem:s0+$0xFFFFFFD0];
	v12 =	vmul.f32 v37, v42  }
0x261: {  	v50 =	vmul.f32 v41, v13;
	v24 =	vld [tilespmem:s30+$0xFFFFFFD0]  }
0x262: {  	v48 =	vperm.xlane v34, v7;
	v52 =	vld [tilespmem:s10+$0xFFFFFFE0];
	v47 =	vmul.f32 v40, v46;
	[tilespmem:s9+$0xFFFFFFD0] =	vst v12  }
0x263: {  	[tilespmem:s1+$0xFFFFFFE0] =	vst v50;
	v53 =	vperm.xlane v23, v7;
	v16 =	vmul.f32 v45, v16;
	v51 =	vld [tilespmem:s28+$0xFFFFFFD0]  }
0x264: {  	v38 =	vld [tilespmem:s30+$0x70];
	[tilespmem:s25+$0x60] =	vst v47;
	v10 =	vmul.f32 v10, v48  }
0x265: {  	v43 =	vperm.xlane v17, v8;
	v56 =	vld [tilespmem:s13+$0xFFFFFFE0];
	[tilespmem:s31+$0xFFFFFFE0] =	vst v16;
	v17 =	vmul.f32 v49, v53  }
0x266: {  	v55 =	vperm.xlane v32, v7;
	v54 =	vld [tilespmem:s0+$0x70];
	[tilespmem:s9+$0x60] =	vst v10;
	v10 =	vmul.f32 v24, v22  }
0x267: {  	v9 =	vmul.f32 v52, v9;
	v59 =	vld [tilespmem:s24+$0xFFFFFFE0];
	[tilespmem:s25+$0xFFFFFFE0] =	vst v17  }
0x268: {  	v57 =	vld [tilespmem:s28+$0x70];
	[tilespmem:s5+$0xFFFFFFE0] =	vst v10;
	v10 =	vmul.f32 v51, v55  }
0x269: {  	v58 =	vperm.xlane v21, v8;
	v14 =	vmul.f32 v38, v43;
	[tilespmem:s16+$0xFFFFFFF0] =	vst v9;
	v17 =	vld [tilespmem:s0+$0xFFFFFFE0]  }
0x26a: {  	v9 =	vmul.f32 v56, v11;
	v60 =	vld [tilespmem:s30+$0xFFFFFFE0];
	[tilespmem:s9+$0xFFFFFFE0] =	vst v10  }
0x26b: {  	v61 =	vperm.xlane v34, v8;
	[tilespmem:s5+$0x70] =	vst v14;
	v12 =	vmul.f32 v54, v58;
	v10 =	vld [tilespmem:s28+$0xFFFFFFE0]  }
0x26c: {  	v62 =	vperm.xlane v23, v8;
	[tilespmem:s1+$0xFFFFFFF0] =	vst v9;
	v9 =	vmul.f32 v59, v15  }
0x26d: {  	[tilespmem:s25+$0x70] =	vst v12;
	v11 =	vmul.f32 v57, v61  }
0x26e: {  	v63 =	vperm.xlane v32, v8;
	[tilespmem:s31+$0xFFFFFFF0] =	vst v9;
	v9 =	vmul.f32 v17, v62  }
0x26f: {  	s17 =	sadd.s32 $0x1, s17;
	s28 =	smul.u32 $0xA0, s19;
	[tilespmem:s9+$0x70] =	vst v11;
	v11 =	vmul.f32 v60, v20  }
0x270: {  	p0 =	sne.s32 s17, $0x7D;
	[tilespmem:s25+$0xFFFFFFF0] =	vst v9;
	v10 =	vmul.f32 v10, v63  }
.Ltmp7:
0x271: {  	s0 =	sshrl.u32 s28, $0x2;
	[tilespmem:s5+$0xFFFFFFF0] =	vst v11;
	(pc) =	sbr.rel @p0 .LBB2_6-.Ltmp7, $4  }
.Ltmp8:
0x272: {  	s30 =	simm.s32 $0x1C4D0;
	s0 =	sadd.s32 s0, s20;
	[tilespmem:s9+$0xFFFFFFF0] =	vst v10;
	(pc) =	sbr.rel @!p0 .LBB2_16-.Ltmp8, $4  }
0x273: {  	[spmem:s2] =	stream.indirect.scatter.add.f32 [tilespmem:s30], [sflag:$0x4], $0x80, s0, s29, $0xb8;
	[tilespmem:$0x1E250] =	vst v63  }
0x274: {  	s31 =	simm.s32 $0x1DB50  }
0x275: {  	[spmem:s3] =	stream.indirect.scatter.add.f32 [tilespmem:s31], [sflag:$0x4], $0x10, s0, s29, $0xb8;
	[tilespmem:$0x1E250] =	vst v63  }
0x276: {  	_ = 	snop  }
.LBB2_10:
.Ltmp9:
0x277: {  	(pc) =	sbr.rel @p1 .LBB2_13-.Ltmp9, $1  }
0x278: {  	_ =	sdelay $0x3  }
.Ltmp10:
0x279: {  	(pc) =	sbr.rel .LBB2_12-.Ltmp10, $4  }
0x27a: {  	_ = 	snop  }
0x27b: {  	s1 =	sand.u32 $0x1, s1  }
0x27c: {  	p1 =	seq.s32 s1, $0x1;
	s1 =	simm.s32 $0x7D0  }
0x27d: {  	s1 =	simm.s32 @!p1 $0x0  }
.LBB2_16:
0x27e: {  	s0 =	simm.s32 $0x3  }
0x27f: {  	_ =	swait.ge [sflag:s0], $0x1400  }
0x280: {  	[sflag:s0] =	ssyncset.done $0x0  }
0x281: {  	[sflag:s0] =	ssyncadd.s32 $0xFFFFEC00  }
0x282: {  	_ =	swait.ge [sflag:s0], $0x280  }
0x283: {  	[sflag:s0] =	ssyncset.done $0x0  }
0x284: {  	s30 =	simm.s32 $0x4;
	[sflag:s0] =	ssyncadd.s32 $0xFFFFFD80  }
0x285: {  	_ =	swait.ge [sflag:s30], $0x1400  }
0x286: {  	[sflag:s30] =	ssyncset.done $0x0  }
0x287: {  	[sflag:s30] =	ssyncadd.s32 $0xFFFFEC00  }
0x288: {  	_ =	swait.ge [sflag:s30], $0x280  }
0x289: {  	[sflag:s30] =	ssyncset.done $0x0  }
0x28a: {  	[sflag:s30] =	ssyncadd.s32 $0xFFFFFD80  }
0x28b: {  	[bflag:$0x0] =	sbarrier.arrive $0xFFFF  }
0x28c: {  	s10 =	rddreg [dreg:$0x10]  }
0x28d: {  	s31 =	stileid.u32;
	s8 =	rddreg [dreg:$0xe]  }
0x28e: {  	s0 =	sshll.u32 s31, $0x6;
	s9 =	rddreg [dreg:$0xf]  }
0x28f: {  	s0 =	sor.u32 $0x1C01, s0;
	s12 =	rddreg [dreg:$0x11]  }
0x290: {  	s1 =	sadd.s32 s10, s14;
	s4 =	sshrl.u32 s8, $0x3;
	s5 =	sshrl.u32 s9, $0x3  }
0x291: {  	[hbm:s12], [sflag:s0] =	dma.local [spmem:s4], $0xC80  }
0x292: {  	[hbm:s1], [sflag:s0] =	dma.local [spmem:s5], $0x190  }
0x293: {  	s15 =	rddreg [dreg:$0xa]  }
0x294: {  	p0 =	sne.s32 s15, $0x1  }
.Ltmp11:
0x295: {  	_ = 	snop;
	(pc) =	sbr.rel @!p0 .LBB2_18-.Ltmp11, $3  }
0x296: {  	_ =	sdelay $0x1  }
0x297: {  	s4 =	sadd.s32 $0x64000, s8;
	s8 =	smov.u32 s9  }
0x298: {  	s9 =	smov.u32 s10;
	s5 =	sadd.s32 $0xC800, s12;
	s1 =	sadd.s32 $0xFFFFFFFF, s15  }
.LBB2_17:
0x299: {  	s8 =	sadd.s32 $0xC800, s8;
	s9 =	sadd.s32 $0x1900, s9;
	p1 =	sne.s32 s1, $0x1  }
.Ltmp12:
0x29a: {  	s1 =	sadd.s32 $0xFFFFFFFF, s1;
	s10 =	sadd.s32 s9, s14;
	(pc) =	sbr.rel @p1 .LBB2_17-.Ltmp12, $4  }
0x29b: {  	s12 =	sshrl.u32 s4, $0x3;
	s13 =	sshrl.u32 s8, $0x3  }
0x29c: {  	[hbm:s5], [sflag:s0] =	dma.local [spmem:s12], $0xC80  }
0x29d: {  	[hbm:s10], [sflag:s0] =	dma.local [spmem:s13], $0x190  }
0x29e: {  	s4 =	sadd.s32 $0x64000, s4;
	s5 =	sadd.s32 $0xC800, s5  }
.LBB2_18:
.Ltmp13:
0x29f: {  	_ =	swait.ge [sflag:s23], $0xC80;
	(pc) =	sbr.rel @!p0 .LBB2_20-.Ltmp13, $4  }
0x2a0: {  	[sflag:s23] =	ssyncset.done $0x0  }
0x2a1: {  	[sflag:s23] =	ssyncadd.s32 $0xFFFFF380  }
0x2a2: {  	_ =	swait.ge [sflag:s23], $0x190  }
0x2a3: {  	s0 =	sadd.s32 $0xFFFFFFFF, s15;
	[sflag:s23] =	ssyncset.done $0x0;
	s13 =	rddreg [dreg:$0x7]  }
.LBB2_19:
0x2a4: {  	p0 =	sne.s32 s0, $0x1;
	s0 =	sadd.s32 $0xFFFFFFFF, s0;
	[sflag:s23] =	ssyncadd.s32 $0xFFFFFE70  }
.Ltmp14:
0x2a5: {  	_ =	swait.ge [sflag:s23], $0xC80;
	(pc) =	sbr.rel @p0 .LBB2_19-.Ltmp14, $4  }
0x2a6: {  	[sflag:s23] =	ssyncset.done $0x0  }
0x2a7: {  	[sflag:s23] =	ssyncadd.s32 $0xFFFFF380  }
0x2a8: {  	_ =	swait.ge [sflag:s23], $0x190  }
0x2a9: {  	[sflag:s23] =	ssyncset.done $0x0  }
.LBB2_20:
0x2aa: {  	s1 =	rddreg [dreg:$0x12]  }
0x2ab: {  	s0 =	rddreg [dreg:$0xb];
	s1 =	sadd.s32 $0x1, s1  }
0x2ac: {  	p0 =	sne.s32 s1, s0  }
.Ltmp15:
0x2ad: {  	_ = 	snop;
	(pc) =	sbr.rel @p0 .LBB2_1-.Ltmp15, $2  }
0x2ae: {  	_ =	sdelay $0x2  }
0x2af: {  	[sflag:s23] =	ssyncadd.s32 $0xFFFFFE70  }
0x2b0: {  	_ =	sfence.sel $0x180000  }
0x2b1: {  	[bflag:$0x0] =	sbarrier.arrive $0xFFFF  }
0x2b2: {  	_ =	strace $0x90000047  }
0x2b3: {  	s0 =	stileid.u32;
	[bflag:$0x2] =	sbarrier.arrive $0xFFFF  }
0x2b4: {  	p0 =	sne.s32 s0, $0x0;
	s0 =	rddreg [dreg:$0x4]  }
0x2b5: {  	s0 =	sadd.s32 @!p0 $0x100000, s0  }
0x2b6: {  	[sflag:s0] =	ssyncadd.tile.s32 @!p0 $0x1;
	_ =	shalt  }
.Lfunc_end2:
_tile_overlayer_lowered:
.L_overlay_start_2:
0x2b7: {  	(tag) =	ssettag $0x2  }
0x2b8: {  	s0 =	rddreg [dreg:$0x0];
	s2 =	stileid.u32  }
0x2b9: {  	s1 =	rddreg [dreg:$0x1];
	p0 =	sne.s32 s2, $0x0  }
0x2ba: {  	s3 =	rddreg [dreg:$0x2];
	[bflag:$0x3] =	sbarrier.arrive $0xFFFF;
	s2 =	simm.s32 @!p0 $0x1C05  }
0x2bb: {  	[timem:s3], [sflag:s2] =	dma.local @!p0 [hbm:s0], s1  }
0x2bc: {  	s0 =	simm.s32 @!p0 $0x5  }
0x2bd: {  	_ =	swait.ge @!p0 [sflag:s0], s1  }
0x2be: {  	s1 =	ssub.s32 @!p0 $0x0, s1;
	[sflag:s0] =	ssyncset.done @!p0 $0x0  }
0x2bf: {  	[sflag:s0] =	ssyncadd.s32 @!p0 s1  }
0x2c0: {  	[bflag:$0x3] =	sbarrier.arrive $0xFFFF  }
0x2c1: {  	_ =	shalt  }

</sc_bundles>
